<compile_context>
chip_gen: v7x
topology: tpu7x:2x2x1
jax: 0.10.2.dev20260603
libtpu: 0.0.44.dev20260713+nightly
codegen_flags: <defaults>
</compile_context>

<pallas_src>
import functools

import jax
import jax.numpy as jnp
from jax import lax
from jax.experimental import pallas as pl
from jax.experimental.pallas import tpu as pltpu
from jax.experimental.pallas import tpu_sc as plsc

B, N, K, D, T = 4096, 50000, 32, 128, 2

_NC, _NS = 2, 16
_NW = _NC * _NS

_DN = (((1,), (1,)), ((), ()))

_TBLK = 2000


def _fuse_table_body(e, p, wf, bf, fo):
    fo[...] = jnp.maximum(
        lax.dot_general(e[...], wf[:, :D], _DN,
                        preferred_element_type=jnp.float32)
        + lax.dot_general(p[...], wf[:, D:], _DN,
                          preferred_element_type=jnp.float32)
        + bf[...], 0.0)


def _fuse_table(e, p, wf, bf2):
    tab_spec = pl.BlockSpec((_TBLK, D), lambda i: (i, 0))
    return pl.pallas_call(
        _fuse_table_body,
        grid=(N // _TBLK,),
        in_specs=[tab_spec, tab_spec,
                  pl.BlockSpec((D, 2 * D), lambda i: (0, 0)),
                  pl.BlockSpec((1, D), lambda i: (0, 0))],
        out_specs=tab_spec,
        out_shape=jax.ShapeDtypeStruct((N, D), jnp.float32),
    )(e, p, wf, bf2)


_PW = (K * B) // _NW
_C = 256
_NCHUNK = _PW // _C
_PWN = B // _NW


def _ring_gather(wid, tab, idxs, out, bufs, gsem, wsem,
                 pw=_PW, nchunk=_NCHUNK):
    def pair_body(jj, carry):
        for p in range(2):
            j = jj * 2 + p
            base = wid * pw + j * _C
            idxv, rowsv = bufs[p]

            @pl.when(jj > 0)
            def _drain():
                pltpu.make_async_copy(
                    rowsv, out.at[pl.ds(base - 2 * _C, _C)], wsem).wait()

            pltpu.sync_copy(idxs.at[pl.ds(base, _C)], idxv)
            pltpu.async_copy(tab.at[idxv], rowsv, gsem).wait()
            pltpu.async_copy(rowsv, out.at[pl.ds(base, _C)], wsem)
        return carry
    lax.fori_loop(0, nchunk // 2, pair_body, 0)
    for p in range(2):
        base = wid * pw + (nchunk - 2 + p) * _C
        pltpu.make_async_copy(bufs[p][1], out.at[pl.ds(base, _C)],
                              wsem).wait()


def _gather_t0_body(f0, idx0, nemb, nprof, nds, out0, one, onp,
                    idxv0, idxv1, rowsv0, rowsv1, idxn, rowsn, gsem, wsem):
    wid = lax.axis_index("s") * _NC + lax.axis_index("c")
    _ring_gather(wid, f0, idx0, out0,
                 ((idxv0, rowsv0), (idxv1, rowsv1)), gsem, wsem)
    nb = wid * _PWN
    pltpu.sync_copy(nds.at[pl.ds(nb, _PWN)], idxn)
    pltpu.async_copy(nemb.at[idxn], rowsn, gsem).wait()
    pltpu.sync_copy(rowsn, one.at[pl.ds(nb, _PWN)])
    pltpu.async_copy(nprof.at[idxn], rowsn, gsem).wait()
    pltpu.sync_copy(rowsn, onp.at[pl.ds(nb, _PWN)])


def _make_gather_t1_body(pw, nchunk):
    def _gather_t1_body(f1, idx1, out1,
                        idxv0, idxv1, rowsv0, rowsv1, gsem, wsem):
        wid = lax.axis_index("s") * _NC + lax.axis_index("c")
        _ring_gather(wid, f1, idx1, out1,
                     ((idxv0, rowsv0), (idxv1, rowsv1)), gsem, wsem,
                     pw=pw, nchunk=nchunk)
    return _gather_t1_body


_RING_SCRATCH = [
    pltpu.VMEM((_C,), jnp.int32),
    pltpu.VMEM((_C,), jnp.int32),
    pltpu.VMEM((_C, D), jnp.float32),
    pltpu.VMEM((_C, D), jnp.float32),
]


@functools.cache
def _build_gather_t0():
    return functools.partial(
        pl.kernel,
        out_type=[
            jax.ShapeDtypeStruct((K * B, D), jnp.float32),
            jax.ShapeDtypeStruct((B, D), jnp.float32),
            jax.ShapeDtypeStruct((B, D), jnp.float32),
        ],
        mesh=plsc.VectorSubcoreMesh(core_axis_name="c", subcore_axis_name="s"),
        scratch_types=_RING_SCRATCH + [
            pltpu.VMEM((_PWN,), jnp.int32),
            pltpu.VMEM((_PWN, D), jnp.float32),
            pltpu.SemaphoreType.DMA,
            pltpu.SemaphoreType.DMA,
        ],
    )(_gather_t0_body)


@functools.cache
def _build_gather_t1(hb):
    pw = (K * hb) // _NW
    return functools.partial(
        pl.kernel,
        out_type=jax.ShapeDtypeStruct((K * hb, D), jnp.float32),
        mesh=plsc.VectorSubcoreMesh(core_axis_name="c", subcore_axis_name="s"),
        scratch_types=_RING_SCRATCH + [
            pltpu.SemaphoreType.DMA,
            pltpu.SemaphoreType.DMA,
        ],
    )(_make_gather_t1_body(pw, pw // _C))


_BB = 512


def _attention(q, nf_ref, w1v, b1v):
    ones_dk = jnp.ones((D, K), jnp.float32)
    kiota = lax.broadcasted_iota(jnp.int32, (1, K), 1)
    ones_1d = jnp.ones((1, D), jnp.float32)
    dn_nt = (((1,), (0,)), ((), ()))
    s = jnp.zeros((_BB, K), jnp.float32)
    for k in range(K):
        s = s + lax.dot_general(
            q * nf_ref[k], ones_dk * (kiota == k).astype(jnp.float32),
            dn_nt, preferred_element_type=jnp.float32)
    m = jnp.max(s, axis=1, keepdims=True)
    e = jnp.exp(s - m)
    att_k = e / jnp.sum(e, axis=1, keepdims=True)
    feat = jnp.zeros((_BB, D), jnp.float32)
    for k in range(K):
        ab = lax.dot_general(att_k[:, k:k + 1], ones_1d, dn_nt,
                             preferred_element_type=jnp.float32)
        feat = feat + ab * nf_ref[k]
    return jnp.maximum(
        lax.dot_general(feat, w1v, _DN, preferred_element_type=jnp.float32)
        + b1v, 0.0)


def _attend_t0_body(ne, npf, nf0, wf, bf, w1, b1, qo, agg0o):
    q = jnp.maximum(
        lax.dot_general(ne[...], wf[:, :D], _DN,
                        preferred_element_type=jnp.float32)
        + lax.dot_general(npf[...], wf[:, D:], _DN,
                          preferred_element_type=jnp.float32)
        + bf[...], 0.0)
    qo[...] = q
    agg0o[...] = _attention(q, nf0, w1[...], b1[...])


def _attend_t0(ne, npf, nf0, wf, bf2, w1, b12):
    row_spec = pl.BlockSpec((_BB, D), lambda i: (i, 0))
    nf_spec = pl.BlockSpec((K, _BB, D), lambda i: (0, i, 0))
    full = lambda shape: pl.BlockSpec(shape, lambda i: tuple(0 for _ in shape))
    return pl.pallas_call(
        _attend_t0_body,
        grid=(B // _BB,),
        in_specs=[row_spec, row_spec, nf_spec,
                  full((D, 2 * D)), full((1, D)),
                  full((D, D)), full((1, D))],
        out_specs=[row_spec, row_spec],
        out_shape=[
            jax.ShapeDtypeStruct((B, D), jnp.float32),
            jax.ShapeDtypeStruct((B, D), jnp.float32),
        ],
    )(ne, npf, nf0, wf, bf2, w1, b12)


def _attend_t1_body(qr, agg0r, nf1, w1, b1, w2, b2, w, bb, wt, combo, atto):
    q = qr[...]
    agg0 = agg0r[...]
    agg1 = _attention(q, nf1, w1[...], b1[...])
    ta = jnp.concatenate([agg0, agg1], axis=1)
    mta = lax.dot_general(ta, wt[...], _DN, preferred_element_type=jnp.float32)
    mm = jnp.max(mta, axis=1, keepdims=True)
    ee = jnp.exp(mta - mm)
    att = ee / jnp.sum(ee, axis=1, keepdims=True)
    fin = att[:, 0:1] * agg0 + att[:, 1:2] * agg1
    fin = jnp.maximum(
        lax.dot_general(fin, w2[...], _DN, preferred_element_type=jnp.float32)
        + b2[...], 0.0)
    comb = jnp.concatenate([q, fin], axis=1)
    combo[...] = jnp.maximum(
        lax.dot_general(comb, w[...], _DN, preferred_element_type=jnp.float32)
        + bb[...], 0.0)
    atto[...] = att


def _attend_t1(qn, agg0, nf1, w1, b12, w2, b22, w, b2d, wt):
    hb = qn.shape[0]
    row_spec = pl.BlockSpec((_BB, D), lambda i: (i, 0))
    nf_spec = pl.BlockSpec((K, _BB, D), lambda i: (0, i, 0))
    full = lambda shape: pl.BlockSpec(shape, lambda i: tuple(0 for _ in shape))
    return pl.pallas_call(
        _attend_t1_body,
        grid=(hb // _BB,),
        in_specs=[row_spec, row_spec, nf_spec,
                  full((D, D)), full((1, D)),
                  full((D, D)), full((1, D)),
                  full((D, 2 * D)), full((1, D)),
                  full((T, 2 * D))],
        out_specs=[row_spec, pl.BlockSpec((_BB, T), lambda i: (i, 0))],
        out_shape=[
            jax.ShapeDtypeStruct((hb, D), jnp.float32),
            jax.ShapeDtypeStruct((hb, T), jnp.float32),
        ],
    )(qn, agg0, nf1, w1, b12, w2, b22, w, b2d, wt)


def kernel(nodes, neigh_idx_0, neigh_idx_1, node_emb, node_prof,
           neigh_emb_0, neigh_prof_0, neigh_emb_1, neigh_prof_1,
           Wf, bf, W1, b1, W2, b2, W, b, Wt):
    nodes_i = nodes.astype(jnp.int32)
    idx0t = neigh_idx_0.astype(jnp.int32).T.reshape(-1)
    bf2 = bf.reshape(1, D)

    f0 = _fuse_table(neigh_emb_0, neigh_prof_0, Wf, bf2)
    nf0, ne, npf = _build_gather_t0()(f0, idx0t, node_emb, node_prof,
                                      nodes_i)
    f1 = _fuse_table(neigh_emb_1, neigh_prof_1, Wf, bf2)
    qn, agg0 = _attend_t0(ne, npf, nf0.reshape(K, B, D), Wf, bf2,
                          W1, b1.reshape(1, D))
    hb = B // 2
    i1h = neigh_idx_1.astype(jnp.int32)
    combs, atts = [], []
    nf1h = [_build_gather_t1(hb)(f1, i1h[h * hb:(h + 1) * hb].T.reshape(-1))
            for h in range(2)]
    for h in range(2):
        sl = slice(h * hb, (h + 1) * hb)
        comb_h, att_h = _attend_t1(qn[sl], agg0[sl],
                                   nf1h[h].reshape(K, hb, D),
                                   W1, b1.reshape(1, D), W2,
                                   b2.reshape(1, D), W, b.reshape(1, D), Wt)
        combs.append(comb_h)
        atts.append(att_h)
    comb = jnp.concatenate(combs, axis=0)
    att = jnp.concatenate(atts, axis=0)
    return comb, att.reshape(B, T, 1)

# --- scband reference (transcript-rebuilt; emitter-appended) ---
"""Pipeline reference for scband-feature-agg-27401891348480 (READ-ONLY COPY).

The authoritative reference and input builder live on the scoring server;
editing this copy changes nothing except your own understanding.
"""

import jax, jax.numpy as jnp
import numpy as np

B, N, K, D, T = 4096, 50000, 32, 128, 2


def setup_inputs(seed: int = 0) -> dict:
    key = jax.random.key(seed)
    ks = jax.random.split(key, 20)
    inp = {}
    # forward arg
    inp["nodes"] = jax.random.randint(ks[0], (B,), 0, N, dtype=jnp.int64) if jax.config.jax_enable_x64 else jax.random.randint(ks[0], (B,), 0, N)
    # padded fixed-degree neighbor lists per neighbor type (constructor state nodes_neighbors, gathered for this batch)
    inp["neigh_idx_0"] = jax.random.randint(ks[1], (B, K), 0, N)
    inp["neigh_idx_1"] = jax.random.randint(ks[2], (B, K), 0, N)
    # node embedding table + profiles (nodes_embeddings.weight, nodes_profiles)
    inp["node_emb"] = jax.random.normal(ks[3], (N, D), dtype=jnp.float32) * 0.02
    inp["node_prof"] = jax.random.normal(ks[4], (N, D), dtype=jnp.float32)
    # per-type neighbor embedding tables + profiles
    inp["neigh_emb_0"] = jax.random.normal(ks[5], (N, D), dtype=jnp.float32) * 0.02
    inp["neigh_prof_0"] = jax.random.normal(ks[6], (N, D), dtype=jnp.float32)
    inp["neigh_emb_1"] = jax.random.normal(ks[7], (N, D), dtype=jnp.float32) * 0.02
    inp["neigh_prof_1"] = jax.random.normal(ks[8], (N, D), dtype=jnp.float32)
    # fusion module: Linear(2*D -> D) + relu
    inp["Wf"] = jax.random.normal(ks[9], (D, 2 * D), dtype=jnp.float32) / np.sqrt(2 * D)
    inp["bf"] = jnp.zeros((D,), dtype=jnp.float32)
    # linear_1, linear_2 (D -> D)
    inp["W1"] = jax.random.normal(ks[10], (D, D), dtype=jnp.float32) / np.sqrt(D)
    inp["b1"] = jnp.zeros((D,), dtype=jnp.float32)
    inp["W2"] = jax.random.normal(ks[11], (D, D), dtype=jnp.float32) / np.sqrt(D)
    inp["b2"] = jnp.zeros((D,), dtype=jnp.float32)
    # linear (2*D -> D)
    inp["W"] = jax.random.normal(ks[12], (D, 2 * D), dtype=jnp.float32) / np.sqrt(2 * D)
    inp["b"] = jnp.zeros((D,), dtype=jnp.float32)
    # w_type_att: Linear(D*T -> T, no bias)
    inp["Wt"] = jax.random.normal(ks[13], (T, D * T), dtype=jnp.float32) / np.sqrt(D * T)
    return inp


def reference(nodes, neigh_idx_0, neigh_idx_1, node_emb, node_prof,
              neigh_emb_0, neigh_prof_0, neigh_emb_1, neigh_prof_1,
              Wf, bf, W1, b1, W2, b2, W, b, Wt):
    def fusion(e, p):
        return jax.nn.relu(jnp.concatenate([e, p], axis=-1) @ Wf.T + bf)

    # nodes_fusion = fusion(nodes_embeddings.weight[nodes], nodes_profiles[nodes])
    nodes_fusion = fusion(jnp.take(node_emb, nodes, axis=0), jnp.take(node_prof, nodes, axis=0))  # [B, D]

    def aggregation(neigh_idx, emb_tab, prof_tab):
        # neighs_fusion: fusion of gathered neighbor embeddings/profiles
        nf = fusion(jnp.take(emb_tab, neigh_idx, axis=0), jnp.take(prof_tab, neigh_idx, axis=0))  # [B, K, D]
        # att(node_fusion, neighs_fusion): dot-product attention, softmax over neighbors
        scores = jnp.einsum('bd,bkd->bk', nodes_fusion, nf)
        a = jax.nn.softmax(scores, axis=1)  # [B, K]
        # neigh_feature_matrix = neighs_fusion^T @ attention  per row -> [B, D]
        feat = jnp.einsum('bk,bkd->bd', a, nf)
        return jax.nn.relu(feat @ W1.T + b1)

    agg0 = aggregation(neigh_idx_0, neigh_emb_0, neigh_prof_0)
    agg1 = aggregation(neigh_idx_1, neigh_emb_1, neigh_prof_1)
    type_agg = jnp.concatenate([agg0, agg1], axis=1)  # [B, T*D]

    map_type_agg = type_agg @ Wt.T  # [B, T]
    att = jax.nn.softmax(map_type_agg, axis=1).reshape(type_agg.shape[0], T, 1)
    neigh_agg_final = jnp.matmul(
        jnp.swapaxes(type_agg.reshape(type_agg.shape[0], T, D), 1, 2), att
    ).squeeze(-1)  # [B, D]
    neigh_agg_final = jax.nn.relu(neigh_agg_final @ W2.T + b2)

    combined_feature = jnp.concatenate([nodes_fusion, neigh_agg_final], axis=1)
    combined_feature = jax.nn.relu(combined_feature @ W.T + b)
    return (combined_feature, att)

if __name__ == "__main__":
    import jax
    _d = setup_inputs()
    print(jax.jit(kernel)(*tuple(_d.values())))

</pallas_src>

<mosaic_0001>
#map = affine_map<(d0, d1) -> (0, 0)>
#map1 = affine_map<(d0, d1) -> (0)>
module attributes {stable_mosaic.version = 14 : i64} {
  func.func @_gather_t1_body(%arg0: i32, %arg1: i32, %arg2: memref<50000x128xf32, #tpu.memory_space<hbm>>, %arg3: memref<65536xi32, #tpu.memory_space<hbm>>, %arg4: memref<65536x128xf32, #tpu.memory_space<hbm>>, %arg5: memref<256xi32, #tpu.memory_space<vmem>>, %arg6: memref<256xi32, #tpu.memory_space<vmem>>, %arg7: memref<256x128xf32, #tpu.memory_space<vmem>>, %arg8: memref<256x128xf32, #tpu.memory_space<vmem>>, %arg9: memref<!tpu.dma_semaphore, #tpu.memory_space<semaphore_mem>>, %arg10: memref<!tpu.dma_semaphore, #tpu.memory_space<semaphore_mem>>) attributes {dimension_semantics = [#tpu.dimension_semantics<core_parallel>, #tpu.dimension_semantics<subcore_parallel>], iteration_bounds = array<i64: 2, 16>, scalar_prefetch = 0 : i64, scratch_operands = 6 : i64, tpu.core_type = #tpu.core_type<sc_vector_subcore>, window_params = [{transform_indices = #map}, {transform_indices = #map1}, {transform_indices = #map}]} {
    %mul3A = arith.constant 2 : i32
    %mul3A_0 = arith.muli %arg1, %mul3A : i32
    %add3A = arith.addi %mul3A_0, %arg0 : i32
    %scan3A = arith.constant 0 : i32
    %scan3A_1 = arith.constant 0 : i32
    %scan3A_2 = arith.constant 4 : i32
    %scan3A_3 = arith.addi %scan3A_1, %scan3A_2 : i32
    %scan3A_4 = arith.constant 1 : i32
    scf.for %scan3A_21 = %scan3A_1 to %scan3A_3 step %scan3A_4  : i32 {
      %mul3A_22 = arith.constant 2 : i32
      %mul3A_23 = arith.muli %scan3A_21, %mul3A_22 : i32
      %add3A_24 = arith.constant 0 : i32
      %add3A_25 = arith.addi %mul3A_23, %add3A_24 : i32
      %mul3A_26 = arith.constant 2048 : i32
      %mul3A_27 = arith.muli %add3A, %mul3A_26 : i32
      %mul3A_28 = arith.constant 256 : i32
      %mul3A_29 = arith.muli %add3A_25, %mul3A_28 : i32
      %add3A_30 = arith.addi %mul3A_27, %mul3A_29 : i32
      %gt3A = arith.constant 0 : i32
      %gt3A_31 = arith.cmpi sgt, %scan3A_21, %gt3A : i32
      %convert_element_type3A = arith.extui %gt3A_31 : i1 to i32
      %cond3A = arith.constant 0 : i32
      %cond3A_32 = arith.cmpi ne, %convert_element_type3A, %cond3A : i32
      scf.if %cond3A_32 {
        %sub3A = arith.constant 512 : i32
        %sub3A_66 = arith.subi %add3A_30, %sub3A : i32
        %dma_wait3A_67 = arith.constant 0 : i32
        %dma_wait3A_68 = tpu.memref_slice %arg4[%sub3A_66, %dma_wait3A_67] : memref<65536x128xf32, #tpu.memory_space<hbm>> -> memref<256x128xf32, #tpu.memory_space<hbm>>
        %dma_wait3A_69 = arith.constant 0 : i32
        %dma_wait3A_70 = tpu.memref_slice %arg4[%sub3A_66, %dma_wait3A_69] : memref<65536x128xf32, #tpu.memory_space<hbm>> -> memref<256x128xf32, #tpu.memory_space<hbm>>
        tpu.wait_dma2 semaphore(%arg10 : memref<!tpu.dma_semaphore, #tpu.memory_space<semaphore_mem>>) src(%arg7 : memref<256x128xf32, #tpu.memory_space<vmem>>) dst(%dma_wait3A_70 : memref<256x128xf32, #tpu.memory_space<hbm>>)
      } else {
      }
      "tpu.region"() ({
        %run_scoped3A = tpu.sem_alloc : memref<!tpu.dma_semaphore, #tpu.memory_space<semaphore_mem>>
        %dma_start3A_66 = tpu.memref_slice %arg3[%add3A_30] : memref<65536xi32, #tpu.memory_space<hbm>> -> memref<256xi32, #tpu.memory_space<hbm>>
        %dma_start3A_67 = tpu.memref_slice %arg3[%add3A_30] : memref<65536xi32, #tpu.memory_space<hbm>> -> memref<256xi32, #tpu.memory_space<hbm>>
        tpu.enqueue_dma source(%dma_start3A_67 : memref<256xi32, #tpu.memory_space<hbm>>) target(%arg5 : memref<256xi32, #tpu.memory_space<vmem>>) target_semaphore(%run_scoped3A : memref<!tpu.dma_semaphore, #tpu.memory_space<semaphore_mem>>)
        %dma_wait3A_68 = tpu.memref_slice %arg3[%add3A_30] : memref<65536xi32, #tpu.memory_space<hbm>> -> memref<256xi32, #tpu.memory_space<hbm>>
        %dma_wait3A_69 = tpu.memref_slice %arg3[%add3A_30] : memref<65536xi32, #tpu.memory_space<hbm>> -> memref<256xi32, #tpu.memory_space<hbm>>
        tpu.wait_dma2 semaphore(%run_scoped3A : memref<!tpu.dma_semaphore, #tpu.memory_space<semaphore_mem>>) src(%dma_wait3A_69 : memref<256xi32, #tpu.memory_space<hbm>>) dst(%arg5 : memref<256xi32, #tpu.memory_space<vmem>>)
        tpu.yield
      }) : () -> ()
      %dma_start3A = arith.constant 0 : i32
      %dma_start3A_33 = arith.constant 0 : i32
      %dma_start3A_34 = tpu.memref_slice %arg2[%dma_start3A, %dma_start3A_33] : memref<50000x128xf32, #tpu.memory_space<hbm>> -> memref<50000x128xf32, #tpu.memory_space<hbm>>
      tpu.enqueue_indirect_dma source(%dma_start3A_34 : memref<50000x128xf32, #tpu.memory_space<hbm>>) target(%arg7 : memref<256x128xf32, #tpu.memory_space<vmem>>) offsets(%arg5 : memref<256xi32, #tpu.memory_space<vmem>>) semaphore(%arg9 : memref<!tpu.dma_semaphore, #tpu.memory_space<semaphore_mem>>)
      %dma_wait3A_35 = arith.constant 0 : i32
      %dma_wait3A_36 = arith.constant 0 : i32
      %dma_wait3A_37 = tpu.memref_slice %arg2[%dma_wait3A_35, %dma_wait3A_36] : memref<50000x128xf32, #tpu.memory_space<hbm>> -> memref<50000x128xf32, #tpu.memory_space<hbm>>
      tpu.wait_indirect_dma semaphore(%arg9 : memref<!tpu.dma_semaphore, #tpu.memory_space<semaphore_mem>>) src(%dma_wait3A_37 : memref<50000x128xf32, #tpu.memory_space<hbm>>) dst(%arg7 : memref<256x128xf32, #tpu.memory_space<vmem>>)
      %dma_start3A_38 = arith.constant 0 : i32
      %dma_start3A_39 = tpu.memref_slice %arg4[%add3A_30, %dma_start3A_38] : memref<65536x128xf32, #tpu.memory_space<hbm>> -> memref<256x128xf32, #tpu.memory_space<hbm>>
      %dma_start3A_40 = arith.constant 0 : i32
      %dma_start3A_41 = tpu.memref_slice %arg4[%add3A_30, %dma_start3A_40] : memref<65536x128xf32, #tpu.memory_space<hbm>> -> memref<256x128xf32, #tpu.memory_space<hbm>>
      tpu.enqueue_dma source(%arg7 : memref<256x128xf32, #tpu.memory_space<vmem>>) target(%dma_start3A_41 : memref<256x128xf32, #tpu.memory_space<hbm>>) target_semaphore(%arg10 : memref<!tpu.dma_semaphore, #tpu.memory_space<semaphore_mem>>)
      %mul3A_42 = arith.constant 2 : i32
      %mul3A_43 = arith.muli %scan3A_21, %mul3A_42 : i32
      %add3A_44 = arith.constant 1 : i32
      %add3A_45 = arith.addi %mul3A_43, %add3A_44 : i32
      %mul3A_46 = arith.constant 2048 : i32
      %mul3A_47 = arith.muli %add3A, %mul3A_46 : i32
      %mul3A_48 = arith.constant 256 : i32
      %mul3A_49 = arith.muli %add3A_45, %mul3A_48 : i32
      %add3A_50 = arith.addi %mul3A_47, %mul3A_49 : i32
      %gt3A_51 = arith.constant 0 : i32
      %gt3A_52 = arith.cmpi sgt, %scan3A_21, %gt3A_51 : i32
      %convert_element_type3A_53 = arith.extui %gt3A_52 : i1 to i32
      %cond3A_54 = arith.constant 0 : i32
      %cond3A_55 = arith.cmpi ne, %convert_element_type3A_53, %cond3A_54 : i32
      scf.if %cond3A_55 {
        %sub3A = arith.constant 512 : i32
        %sub3A_66 = arith.subi %add3A_50, %sub3A : i32
        %dma_wait3A_67 = arith.constant 0 : i32
        %dma_wait3A_68 = tpu.memref_slice %arg4[%sub3A_66, %dma_wait3A_67] : memref<65536x128xf32, #tpu.memory_space<hbm>> -> memref<256x128xf32, #tpu.memory_space<hbm>>
        %dma_wait3A_69 = arith.constant 0 : i32
        %dma_wait3A_70 = tpu.memref_slice %arg4[%sub3A_66, %dma_wait3A_69] : memref<65536x128xf32, #tpu.memory_space<hbm>> -> memref<256x128xf32, #tpu.memory_space<hbm>>
        tpu.wait_dma2 semaphore(%arg10 : memref<!tpu.dma_semaphore, #tpu.memory_space<semaphore_mem>>) src(%arg8 : memref<256x128xf32, #tpu.memory_space<vmem>>) dst(%dma_wait3A_70 : memref<256x128xf32, #tpu.memory_space<hbm>>)
      } else {
      }
      "tpu.region"() ({
        %run_scoped3A = tpu.sem_alloc : memref<!tpu.dma_semaphore, #tpu.memory_space<semaphore_mem>>
        %dma_start3A_66 = tpu.memref_slice %arg3[%add3A_50] : memref<65536xi32, #tpu.memory_space<hbm>> -> memref<256xi32, #tpu.memory_space<hbm>>
        %dma_start3A_67 = tpu.memref_slice %arg3[%add3A_50] : memref<65536xi32, #tpu.memory_space<hbm>> -> memref<256xi32, #tpu.memory_space<hbm>>
        tpu.enqueue_dma source(%dma_start3A_67 : memref<256xi32, #tpu.memory_space<hbm>>) target(%arg6 : memref<256xi32, #tpu.memory_space<vmem>>) target_semaphore(%run_scoped3A : memref<!tpu.dma_semaphore, #tpu.memory_space<semaphore_mem>>)
        %dma_wait3A_68 = tpu.memref_slice %arg3[%add3A_50] : memref<65536xi32, #tpu.memory_space<hbm>> -> memref<256xi32, #tpu.memory_space<hbm>>
        %dma_wait3A_69 = tpu.memref_slice %arg3[%add3A_50] : memref<65536xi32, #tpu.memory_space<hbm>> -> memref<256xi32, #tpu.memory_space<hbm>>
        tpu.wait_dma2 semaphore(%run_scoped3A : memref<!tpu.dma_semaphore, #tpu.memory_space<semaphore_mem>>) src(%dma_wait3A_69 : memref<256xi32, #tpu.memory_space<hbm>>) dst(%arg6 : memref<256xi32, #tpu.memory_space<vmem>>)
        tpu.yield
      }) : () -> ()
      %dma_start3A_56 = arith.constant 0 : i32
      %dma_start3A_57 = arith.constant 0 : i32
      %dma_start3A_58 = tpu.memref_slice %arg2[%dma_start3A_56, %dma_start3A_57] : memref<50000x128xf32, #tpu.memory_space<hbm>> -> memref<50000x128xf32, #tpu.memory_space<hbm>>
      tpu.enqueue_indirect_dma source(%dma_start3A_58 : memref<50000x128xf32, #tpu.memory_space<hbm>>) target(%arg8 : memref<256x128xf32, #tpu.memory_space<vmem>>) offsets(%arg6 : memref<256xi32, #tpu.memory_space<vmem>>) semaphore(%arg9 : memref<!tpu.dma_semaphore, #tpu.memory_space<semaphore_mem>>)
      %dma_wait3A_59 = arith.constant 0 : i32
      %dma_wait3A_60 = arith.constant 0 : i32
      %dma_wait3A_61 = tpu.memref_slice %arg2[%dma_wait3A_59, %dma_wait3A_60] : memref<50000x128xf32, #tpu.memory_space<hbm>> -> memref<50000x128xf32, #tpu.memory_space<hbm>>
      tpu.wait_indirect_dma semaphore(%arg9 : memref<!tpu.dma_semaphore, #tpu.memory_space<semaphore_mem>>) src(%dma_wait3A_61 : memref<50000x128xf32, #tpu.memory_space<hbm>>) dst(%arg8 : memref<256x128xf32, #tpu.memory_space<vmem>>)
      %dma_start3A_62 = arith.constant 0 : i32
      %dma_start3A_63 = tpu.memref_slice %arg4[%add3A_50, %dma_start3A_62] : memref<65536x128xf32, #tpu.memory_space<hbm>> -> memref<256x128xf32, #tpu.memory_space<hbm>>
      %dma_start3A_64 = arith.constant 0 : i32
      %dma_start3A_65 = tpu.memref_slice %arg4[%add3A_50, %dma_start3A_64] : memref<65536x128xf32, #tpu.memory_space<hbm>> -> memref<256x128xf32, #tpu.memory_space<hbm>>
      tpu.enqueue_dma source(%arg8 : memref<256x128xf32, #tpu.memory_space<vmem>>) target(%dma_start3A_65 : memref<256x128xf32, #tpu.memory_space<hbm>>) target_semaphore(%arg10 : memref<!tpu.dma_semaphore, #tpu.memory_space<semaphore_mem>>)
    }
    %scan3A_5 = arith.constant 4 : i32
    %mul3A_6 = arith.constant 2048 : i32
    %mul3A_7 = arith.muli %add3A, %mul3A_6 : i32
    %add3A_8 = arith.constant 1536 : i32
    %add3A_9 = arith.addi %mul3A_7, %add3A_8 : i32
    %dma_wait3A = arith.constant 0 : i32
    %dma_wait3A_10 = tpu.memref_slice %arg4[%add3A_9, %dma_wait3A] : memref<65536x128xf32, #tpu.memory_space<hbm>> -> memref<256x128xf32, #tpu.memory_space<hbm>>
    %dma_wait3A_11 = arith.constant 0 : i32
    %dma_wait3A_12 = tpu.memref_slice %arg4[%add3A_9, %dma_wait3A_11] : memref<65536x128xf32, #tpu.memory_space<hbm>> -> memref<256x128xf32, #tpu.memory_space<hbm>>
    tpu.wait_dma2 semaphore(%arg10 : memref<!tpu.dma_semaphore, #tpu.memory_space<semaphore_mem>>) src(%arg7 : memref<256x128xf32, #tpu.memory_space<vmem>>) dst(%dma_wait3A_12 : memref<256x128xf32, #tpu.memory_space<hbm>>)
    %mul3A_13 = arith.constant 2048 : i32
    %mul3A_14 = arith.muli %add3A, %mul3A_13 : i32
    %add3A_15 = arith.constant 1792 : i32
    %add3A_16 = arith.addi %mul3A_14, %add3A_15 : i32
    %dma_wait3A_17 = arith.constant 0 : i32
    %dma_wait3A_18 = tpu.memref_slice %arg4[%add3A_16, %dma_wait3A_17] : memref<65536x128xf32, #tpu.memory_space<hbm>> -> memref<256x128xf32, #tpu.memory_space<hbm>>
    %dma_wait3A_19 = arith.constant 0 : i32
    %dma_wait3A_20 = tpu.memref_slice %arg4[%add3A_16, %dma_wait3A_19] : memref<65536x128xf32, #tpu.memory_space<hbm>> -> memref<256x128xf32, #tpu.memory_space<hbm>>
    tpu.wait_dma2 semaphore(%arg10 : memref<!tpu.dma_semaphore, #tpu.memory_space<semaphore_mem>>) src(%arg8 : memref<256x128xf32, #tpu.memory_space<vmem>>) dst(%dma_wait3A_20 : memref<256x128xf32, #tpu.memory_space<hbm>>)
    return
  }
}

#map = affine_map<(d0, d1) -> (0, 0)>
#map1 = affine_map<(d0, d1) -> (0)>
module attributes {stable_mosaic.version = 14 : i64} {
  func.func @_gather_t1_body(%arg0: i32, %arg1: i32, %arg2: memref<50000x128xf32, #tpu.memory_space<hbm>>, %arg3: memref<65536xi32, #tpu.memory_space<hbm>>, %arg4: memref<65536x128xf32, #tpu.memory_space<hbm>>, %arg5: memref<256xi32, #tpu.memory_space<vmem>>, %arg6: memref<256xi32, #tpu.memory_space<vmem>>, %arg7: memref<256x128xf32, #tpu.memory_space<vmem>>, %arg8: memref<256x128xf32, #tpu.memory_space<vmem>>, %arg9: memref<!tpu.dma_semaphore, #tpu.memory_space<semaphore_mem>>, %arg10: memref<!tpu.dma_semaphore, #tpu.memory_space<semaphore_mem>>) attributes {dimension_semantics = [#tpu.dimension_semantics<core_parallel>, #tpu.dimension_semantics<subcore_parallel>], iteration_bounds = array<i64: 2, 16>, scalar_prefetch = 0 : i64, scratch_operands = 6 : i64, tpu.core_type = #tpu.core_type<sc_vector_subcore>, window_params = [{transform_indices = #map}, {transform_indices = #map1}, {transform_indices = #map}]} {
    %mul3A = arith.constant 2 : i32
    %mul3A_0 = arith.muli %arg1, %mul3A : i32
    %add3A = arith.addi %mul3A_0, %arg0 : i32
    %scan3A = arith.constant 0 : i32
    %scan3A_1 = arith.constant 0 : i32
    %scan3A_2 = arith.constant 4 : i32
    %scan3A_3 = arith.addi %scan3A_1, %scan3A_2 : i32
    %scan3A_4 = arith.constant 1 : i32
    scf.for %scan3A_21 = %scan3A_1 to %scan3A_3 step %scan3A_4  : i32 {
      %mul3A_22 = arith.constant 2 : i32
      %mul3A_23 = arith.muli %scan3A_21, %mul3A_22 : i32
      %add3A_24 = arith.constant 0 : i32
      %add3A_25 = arith.addi %mul3A_23, %add3A_24 : i32
      %mul3A_26 = arith.constant 2048 : i32
      %mul3A_27 = arith.muli %add3A, %mul3A_26 : i32
      %mul3A_28 = arith.constant 256 : i32
      %mul3A_29 = arith.muli %add3A_25, %mul3A_28 : i32
      %add3A_30 = arith.addi %mul3A_27, %mul3A_29 : i32
      %gt3A = arith.constant 0 : i32
      %gt3A_31 = arith.cmpi sgt, %scan3A_21, %gt3A : i32
      %convert_element_type3A = arith.extui %gt3A_31 : i1 to i32
      %cond3A = arith.constant 0 : i32
      %cond3A_32 = arith.cmpi ne, %convert_element_type3A, %cond3A : i32
      scf.if %cond3A_32 {
        %sub3A = arith.constant 512 : i32
        %sub3A_66 = arith.subi %add3A_30, %sub3A : i32
        %dma_wait3A_67 = arith.constant 0 : i32
        %dma_wait3A_68 = tpu.memref_slice %arg4[%sub3A_66, %dma_wait3A_67] : memref<65536x128xf32, #tpu.memory_space<hbm>> -> memref<256x128xf32, #tpu.memory_space<hbm>>
        %dma_wait3A_69 = arith.constant 0 : i32
        %dma_wait3A_70 = tpu.memref_slice %arg4[%sub3A_66, %dma_wait3A_69] : memref<65536x128xf32, #tpu.memory_space<hbm>> -> memref<256x128xf32, #tpu.memory_space<hbm>>
        tpu.wait_dma2 semaphore(%arg10 : memref<!tpu.dma_semaphore, #tpu.memory_space<semaphore_mem>>) src(%arg7 : memref<256x128xf32, #tpu.memory_space<vmem>>) dst(%dma_wait3A_70 : memref<256x128xf32, #tpu.memory_space<hbm>>)
      } else {
      }
      "tpu.region"() ({
        %run_scoped3A = tpu.sem_alloc : memref<!tpu.dma_semaphore, #tpu.memory_space<semaphore_mem>>
        %dma_start3A_66 = tpu.memref_slice %arg3[%add3A_30] : memref<65536xi32, #tpu.memory_space<hbm>> -> memref<256xi32, #tpu.memory_space<hbm>>
        %dma_start3A_67 = tpu.memref_slice %arg3[%add3A_30] : memref<65536xi32, #tpu.memory_space<hbm>> -> memref<256xi32, #tpu.memory_space<hbm>>
        tpu.enqueue_dma source(%dma_start3A_67 : memref<256xi32, #tpu.memory_space<hbm>>) target(%arg5 : memref<256xi32, #tpu.memory_space<vmem>>) target_semaphore(%run_scoped3A : memref<!tpu.dma_semaphore, #tpu.memory_space<semaphore_mem>>)
        %dma_wait3A_68 = tpu.memref_slice %arg3[%add3A_30] : memref<65536xi32, #tpu.memory_space<hbm>> -> memref<256xi32, #tpu.memory_space<hbm>>
        %dma_wait3A_69 = tpu.memref_slice %arg3[%add3A_30] : memref<65536xi32, #tpu.memory_space<hbm>> -> memref<256xi32, #tpu.memory_space<hbm>>
        tpu.wait_dma2 semaphore(%run_scoped3A : memref<!tpu.dma_semaphore, #tpu.memory_space<semaphore_mem>>) src(%dma_wait3A_69 : memref<256xi32, #tpu.memory_space<hbm>>) dst(%arg5 : memref<256xi32, #tpu.memory_space<vmem>>)
        tpu.yield
      }) : () -> ()
      %dma_start3A = arith.constant 0 : i32
      %dma_start3A_33 = arith.constant 0 : i32
      %dma_start3A_34 = tpu.memref_slice %arg2[%dma_start3A, %dma_start3A_33] : memref<50000x128xf32, #tpu.memory_space<hbm>> -> memref<50000x128xf32, #tpu.memory_space<hbm>>
      tpu.enqueue_indirect_dma source(%dma_start3A_34 : memref<50000x128xf32, #tpu.memory_space<hbm>>) target(%arg7 : memref<256x128xf32, #tpu.memory_space<vmem>>) offsets(%arg5 : memref<256xi32, #tpu.memory_space<vmem>>) semaphore(%arg9 : memref<!tpu.dma_semaphore, #tpu.memory_space<semaphore_mem>>)
      %dma_wait3A_35 = arith.constant 0 : i32
      %dma_wait3A_36 = arith.constant 0 : i32
      %dma_wait3A_37 = tpu.memref_slice %arg2[%dma_wait3A_35, %dma_wait3A_36] : memref<50000x128xf32, #tpu.memory_space<hbm>> -> memref<50000x128xf32, #tpu.memory_space<hbm>>
      tpu.wait_indirect_dma semaphore(%arg9 : memref<!tpu.dma_semaphore, #tpu.memory_space<semaphore_mem>>) src(%dma_wait3A_37 : memref<50000x128xf32, #tpu.memory_space<hbm>>) dst(%arg7 : memref<256x128xf32, #tpu.memory_space<vmem>>)
      %dma_start3A_38 = arith.constant 0 : i32
      %dma_start3A_39 = tpu.memref_slice %arg4[%add3A_30, %dma_start3A_38] : memref<65536x128xf32, #tpu.memory_space<hbm>> -> memref<256x128xf32, #tpu.memory_space<hbm>>
      %dma_start3A_40 = arith.constant 0 : i32
      %dma_start3A_41 = tpu.memref_slice %arg4[%add3A_30, %dma_start3A_40] : memref<65536x128xf32, #tpu.memory_space<hbm>> -> memref<256x128xf32, #tpu.memory_space<hbm>>
      tpu.enqueue_dma source(%arg7 : memref<256x128xf32, #tpu.memory_space<vmem>>) target(%dma_start3A_41 : memref<256x128xf32, #tpu.memory_space<hbm>>) target_semaphore(%arg10 : memref<!tpu.dma_semaphore, #tpu.memory_space<semaphore_mem>>)
      %mul3A_42 = arith.constant 2 : i32
      %mul3A_43 = arith.muli %scan3A_21, %mul3A_42 : i32
      %add3A_44 = arith.constant 1 : i32
      %add3A_45 = arith.addi %mul3A_43, %add3A_44 : i32
      %mul3A_46 = arith.constant 2048 : i32
      %mul3A_47 = arith.muli %add3A, %mul3A_46 : i32
      %mul3A_48 = arith.constant 256 : i32
      %mul3A_49 = arith.muli %add3A_45, %mul3A_48 : i32
      %add3A_50 = arith.addi %mul3A_47, %mul3A_49 : i32
      %gt3A_51 = arith.constant 0 : i32
      %gt3A_52 = arith.cmpi sgt, %scan3A_21, %gt3A_51 : i32
      %convert_element_type3A_53 = arith.extui %gt3A_52 : i1 to i32
      %cond3A_54 = arith.constant 0 : i32
      %cond3A_55 = arith.cmpi ne, %convert_element_type3A_53, %cond3A_54 : i32
      scf.if %cond3A_55 {
        %sub3A = arith.constant 512 : i32
        %sub3A_66 = arith.subi %add3A_50, %sub3A : i32
        %dma_wait3A_67 = arith.constant 0 : i32
        %dma_wait3A_68 = tpu.memref_slice %arg4[%sub3A_66, %dma_wait3A_67] : memref<65536x128xf32, #tpu.memory_space<hbm>> -> memref<256x128xf32, #tpu.memory_space<hbm>>
        %dma_wait3A_69 = arith.constant 0 : i32
        %dma_wait3A_70 = tpu.memref_slice %arg4[%sub3A_66, %dma_wait3A_69] : memref<65536x128xf32, #tpu.memory_space<hbm>> -> memref<256x128xf32, #tpu.memory_space<hbm>>
        tpu.wait_dma2 semaphore(%arg10 : memref<!tpu.dma_semaphore, #tpu.memory_space<semaphore_mem>>) src(%arg8 : memref<256x128xf32, #tpu.memory_space<vmem>>) dst(%dma_wait3A_70 : memref<256x128xf32, #tpu.memory_space<hbm>>)
      } else {
      }
      "tpu.region"() ({
        %run_scoped3A = tpu.sem_alloc : memref<!tpu.dma_semaphore, #tpu.memory_space<semaphore_mem>>
        %dma_start3A_66 = tpu.memref_slice %arg3[%add3A_50] : memref<65536xi32, #tpu.memory_space<hbm>> -> memref<256xi32, #tpu.memory_space<hbm>>
        %dma_start3A_67 = tpu.memref_slice %arg3[%add3A_50] : memref<65536xi32, #tpu.memory_space<hbm>> -> memref<256xi32, #tpu.memory_space<hbm>>
        tpu.enqueue_dma source(%dma_start3A_67 : memref<256xi32, #tpu.memory_space<hbm>>) target(%arg6 : memref<256xi32, #tpu.memory_space<vmem>>) target_semaphore(%run_scoped3A : memref<!tpu.dma_semaphore, #tpu.memory_space<semaphore_mem>>)
        %dma_wait3A_68 = tpu.memref_slice %arg3[%add3A_50] : memref<65536xi32, #tpu.memory_space<hbm>> -> memref<256xi32, #tpu.memory_space<hbm>>
        %dma_wait3A_69 = tpu.memref_slice %arg3[%add3A_50] : memref<65536xi32, #tpu.memory_space<hbm>> -> memref<256xi32, #tpu.memory_space<hbm>>
        tpu.wait_dma2 semaphore(%run_scoped3A : memref<!tpu.dma_semaphore, #tpu.memory_space<semaphore_mem>>) src(%dma_wait3A_69 : memref<256xi32, #tpu.memory_space<hbm>>) dst(%arg6 : memref<256xi32, #tpu.memory_space<vmem>>)
        tpu.yield
      }) : () -> ()
      %dma_start3A_56 = arith.constant 0 : i32
      %dma_start3A_57 = arith.constant 0 : i32
      %dma_start3A_58 = tpu.memref_slice %arg2[%dma_start3A_56, %dma_start3A_57] : memref<50000x128xf32, #tpu.memory_space<hbm>> -> memref<50000x128xf32, #tpu.memory_space<hbm>>
      tpu.enqueue_indirect_dma source(%dma_start3A_58 : memref<50000x128xf32, #tpu.memory_space<hbm>>) target(%arg8 : memref<256x128xf32, #tpu.memory_space<vmem>>) offsets(%arg6 : memref<256xi32, #tpu.memory_space<vmem>>) semaphore(%arg9 : memref<!tpu.dma_semaphore, #tpu.memory_space<semaphore_mem>>)
      %dma_wait3A_59 = arith.constant 0 : i32
      %dma_wait3A_60 = arith.constant 0 : i32
      %dma_wait3A_61 = tpu.memref_slice %arg2[%dma_wait3A_59, %dma_wait3A_60] : memref<50000x128xf32, #tpu.memory_space<hbm>> -> memref<50000x128xf32, #tpu.memory_space<hbm>>
      tpu.wait_indirect_dma semaphore(%arg9 : memref<!tpu.dma_semaphore, #tpu.memory_space<semaphore_mem>>) src(%dma_wait3A_61 : memref<50000x128xf32, #tpu.memory_space<hbm>>) dst(%arg8 : memref<256x128xf32, #tpu.memory_space<vmem>>)
      %dma_start3A_62 = arith.constant 0 : i32
      %dma_start3A_63 = tpu.memref_slice %arg4[%add3A_50, %dma_start3A_62] : memref<65536x128xf32, #tpu.memory_space<hbm>> -> memref<256x128xf32, #tpu.memory_space<hbm>>
      %dma_start3A_64 = arith.constant 0 : i32
      %dma_start3A_65 = tpu.memref_slice %arg4[%add3A_50, %dma_start3A_64] : memref<65536x128xf32, #tpu.memory_space<hbm>> -> memref<256x128xf32, #tpu.memory_space<hbm>>
      tpu.enqueue_dma source(%arg8 : memref<256x128xf32, #tpu.memory_space<vmem>>) target(%dma_start3A_65 : memref<256x128xf32, #tpu.memory_space<hbm>>) target_semaphore(%arg10 : memref<!tpu.dma_semaphore, #tpu.memory_space<semaphore_mem>>)
    }
    %scan3A_5 = arith.constant 4 : i32
    %mul3A_6 = arith.constant 2048 : i32
    %mul3A_7 = arith.muli %add3A, %mul3A_6 : i32
    %add3A_8 = arith.constant 1536 : i32
    %add3A_9 = arith.addi %mul3A_7, %add3A_8 : i32
    %dma_wait3A = arith.constant 0 : i32
    %dma_wait3A_10 = tpu.memref_slice %arg4[%add3A_9, %dma_wait3A] : memref<65536x128xf32, #tpu.memory_space<hbm>> -> memref<256x128xf32, #tpu.memory_space<hbm>>
    %dma_wait3A_11 = arith.constant 0 : i32
    %dma_wait3A_12 = tpu.memref_slice %arg4[%add3A_9, %dma_wait3A_11] : memref<65536x128xf32, #tpu.memory_space<hbm>> -> memref<256x128xf32, #tpu.memory_space<hbm>>
    tpu.wait_dma2 semaphore(%arg10 : memref<!tpu.dma_semaphore, #tpu.memory_space<semaphore_mem>>) src(%arg7 : memref<256x128xf32, #tpu.memory_space<vmem>>) dst(%dma_wait3A_12 : memref<256x128xf32, #tpu.memory_space<hbm>>)
    %mul3A_13 = arith.constant 2048 : i32
    %mul3A_14 = arith.muli %add3A, %mul3A_13 : i32
    %add3A_15 = arith.constant 1792 : i32
    %add3A_16 = arith.addi %mul3A_14, %add3A_15 : i32
    %dma_wait3A_17 = arith.constant 0 : i32
    %dma_wait3A_18 = tpu.memref_slice %arg4[%add3A_16, %dma_wait3A_17] : memref<65536x128xf32, #tpu.memory_space<hbm>> -> memref<256x128xf32, #tpu.memory_space<hbm>>
    %dma_wait3A_19 = arith.constant 0 : i32
    %dma_wait3A_20 = tpu.memref_slice %arg4[%add3A_16, %dma_wait3A_19] : memref<65536x128xf32, #tpu.memory_space<hbm>> -> memref<256x128xf32, #tpu.memory_space<hbm>>
    tpu.wait_dma2 semaphore(%arg10 : memref<!tpu.dma_semaphore, #tpu.memory_space<semaphore_mem>>) src(%arg8 : memref<256x128xf32, #tpu.memory_space<vmem>>) dst(%dma_wait3A_20 : memref<256x128xf32, #tpu.memory_space<hbm>>)
    return
  }
}

#map = affine_map<(d0, d1) -> (0, 0)>
#map1 = affine_map<(d0, d1) -> (0)>
module attributes {stable_mosaic.version = 14 : i64} {
  func.func @_gather_t0_body(%arg0: i32, %arg1: i32, %arg2: memref<50000x128xf32, #tpu.memory_space<hbm>>, %arg3: memref<131072xi32, #tpu.memory_space<hbm>>, %arg4: memref<50000x128xf32, #tpu.memory_space<hbm>>, %arg5: memref<50000x128xf32, #tpu.memory_space<hbm>>, %arg6: memref<4096xi32, #tpu.memory_space<hbm>>, %arg7: memref<131072x128xf32, #tpu.memory_space<hbm>>, %arg8: memref<4096x128xf32, #tpu.memory_space<hbm>>, %arg9: memref<4096x128xf32, #tpu.memory_space<hbm>>, %arg10: memref<256xi32, #tpu.memory_space<vmem>>, %arg11: memref<256xi32, #tpu.memory_space<vmem>>, %arg12: memref<256x128xf32, #tpu.memory_space<vmem>>, %arg13: memref<256x128xf32, #tpu.memory_space<vmem>>, %arg14: memref<128xi32, #tpu.memory_space<vmem>>, %arg15: memref<128x128xf32, #tpu.memory_space<vmem>>, %arg16: memref<!tpu.dma_semaphore, #tpu.memory_space<semaphore_mem>>, %arg17: memref<!tpu.dma_semaphore, #tpu.memory_space<semaphore_mem>>) attributes {dimension_semantics = [#tpu.dimension_semantics<core_parallel>, #tpu.dimension_semantics<subcore_parallel>], iteration_bounds = array<i64: 2, 16>, scalar_prefetch = 0 : i64, scratch_operands = 8 : i64, tpu.core_type = #tpu.core_type<sc_vector_subcore>, window_params = [{transform_indices = #map}, {transform_indices = #map1}, {transform_indices = #map}, {transform_indices = #map}, {transform_indices = #map1}, {transform_indices = #map}, {transform_indices = #map}, {transform_indices = #map}]} {
    %mul3A = arith.constant 2 : i32
    %mul3A_0 = arith.muli %arg1, %mul3A : i32
    %add3A = arith.addi %mul3A_0, %arg0 : i32
    %scan3A = arith.constant 0 : i32
    %scan3A_1 = arith.constant 0 : i32
    %scan3A_2 = arith.constant 8 : i32
    %scan3A_3 = arith.addi %scan3A_1, %scan3A_2 : i32
    %scan3A_4 = arith.constant 1 : i32
    scf.for %scan3A_34 = %scan3A_1 to %scan3A_3 step %scan3A_4  : i32 {
      %mul3A_35 = arith.constant 2 : i32
      %mul3A_36 = arith.muli %scan3A_34, %mul3A_35 : i32
      %add3A_37 = arith.constant 0 : i32
      %add3A_38 = arith.addi %mul3A_36, %add3A_37 : i32
      %mul3A_39 = arith.constant 4096 : i32
      %mul3A_40 = arith.muli %add3A, %mul3A_39 : i32
      %mul3A_41 = arith.constant 256 : i32
      %mul3A_42 = arith.muli %add3A_38, %mul3A_41 : i32
      %add3A_43 = arith.addi %mul3A_40, %mul3A_42 : i32
      %gt3A = arith.constant 0 : i32
      %gt3A_44 = arith.cmpi sgt, %scan3A_34, %gt3A : i32
      %convert_element_type3A = arith.extui %gt3A_44 : i1 to i32
      %cond3A = arith.constant 0 : i32
      %cond3A_45 = arith.cmpi ne, %convert_element_type3A, %cond3A : i32
      scf.if %cond3A_45 {
        %sub3A = arith.constant 512 : i32
        %sub3A_80 = arith.subi %add3A_43, %sub3A : i32
        %dma_wait3A_81 = arith.constant 0 : i32
        %dma_wait3A_82 = tpu.memref_slice %arg7[%sub3A_80, %dma_wait3A_81] : memref<131072x128xf32, #tpu.memory_space<hbm>> -> memref<256x128xf32, #tpu.memory_space<hbm>>
        %dma_wait3A_83 = arith.constant 0 : i32
        %dma_wait3A_84 = tpu.memref_slice %arg7[%sub3A_80, %dma_wait3A_83] : memref<131072x128xf32, #tpu.memory_space<hbm>> -> memref<256x128xf32, #tpu.memory_space<hbm>>
        tpu.wait_dma2 semaphore(%arg17 : memref<!tpu.dma_semaphore, #tpu.memory_space<semaphore_mem>>) src(%arg12 : memref<256x128xf32, #tpu.memory_space<vmem>>) dst(%dma_wait3A_84 : memref<256x128xf32, #tpu.memory_space<hbm>>)
      } else {
      }
      "tpu.region"() ({
        %run_scoped3A = tpu.sem_alloc : memref<!tpu.dma_semaphore, #tpu.memory_space<semaphore_mem>>
        %dma_start3A_80 = tpu.memref_slice %arg3[%add3A_43] : memref<131072xi32, #tpu.memory_space<hbm>> -> memref<256xi32, #tpu.memory_space<hbm>>
        %dma_start3A_81 = tpu.memref_slice %arg3[%add3A_43] : memref<131072xi32, #tpu.memory_space<hbm>> -> memref<256xi32, #tpu.memory_space<hbm>>
        tpu.enqueue_dma source(%dma_start3A_81 : memref<256xi32, #tpu.memory_space<hbm>>) target(%arg10 : memref<256xi32, #tpu.memory_space<vmem>>) target_semaphore(%run_scoped3A : memref<!tpu.dma_semaphore, #tpu.memory_space<semaphore_mem>>)
        %dma_wait3A_82 = tpu.memref_slice %arg3[%add3A_43] : memref<131072xi32, #tpu.memory_space<hbm>> -> memref<256xi32, #tpu.memory_space<hbm>>
        %dma_wait3A_83 = tpu.memref_slice %arg3[%add3A_43] : memref<131072xi32, #tpu.memory_space<hbm>> -> memref<256xi32, #tpu.memory_space<hbm>>
        tpu.wait_dma2 semaphore(%run_scoped3A : memref<!tpu.dma_semaphore, #tpu.memory_space<semaphore_mem>>) src(%dma_wait3A_83 : memref<256xi32, #tpu.memory_space<hbm>>) dst(%arg10 : memref<256xi32, #tpu.memory_space<vmem>>)
        tpu.yield
      }) : () -> ()
      %dma_start3A_46 = arith.constant 0 : i32
      %dma_start3A_47 = arith.constant 0 : i32
      %dma_start3A_48 = tpu.memref_slice %arg2[%dma_start3A_46, %dma_start3A_47] : memref<50000x128xf32, #tpu.memory_space<hbm>> -> memref<50000x128xf32, #tpu.memory_space<hbm>>
      tpu.enqueue_indirect_dma source(%dma_start3A_48 : memref<50000x128xf32, #tpu.memory_space<hbm>>) target(%arg12 : memref<256x128xf32, #tpu.memory_space<vmem>>) offsets(%arg10 : memref<256xi32, #tpu.memory_space<vmem>>) semaphore(%arg16 : memref<!tpu.dma_semaphore, #tpu.memory_space<semaphore_mem>>)
      %dma_wait3A_49 = arith.constant 0 : i32
      %dma_wait3A_50 = arith.constant 0 : i32
      %dma_wait3A_51 = tpu.memref_slice %arg2[%dma_wait3A_49, %dma_wait3A_50] : memref<50000x128xf32, #tpu.memory_space<hbm>> -> memref<50000x128xf32, #tpu.memory_space<hbm>>
      tpu.wait_indirect_dma semaphore(%arg16 : memref<!tpu.dma_semaphore, #tpu.memory_space<semaphore_mem>>) src(%dma_wait3A_51 : memref<50000x128xf32, #tpu.memory_space<hbm>>) dst(%arg12 : memref<256x128xf32, #tpu.memory_space<vmem>>)
      %dma_start3A_52 = arith.constant 0 : i32
      %dma_start3A_53 = tpu.memref_slice %arg7[%add3A_43, %dma_start3A_52] : memref<131072x128xf32, #tpu.memory_space<hbm>> -> memref<256x128xf32, #tpu.memory_space<hbm>>
      %dma_start3A_54 = arith.constant 0 : i32
      %dma_start3A_55 = tpu.memref_slice %arg7[%add3A_43, %dma_start3A_54] : memref<131072x128xf32, #tpu.memory_space<hbm>> -> memref<256x128xf32, #tpu.memory_space<hbm>>
      tpu.enqueue_dma source(%arg12 : memref<256x128xf32, #tpu.memory_space<vmem>>) target(%dma_start3A_55 : memref<256x128xf32, #tpu.memory_space<hbm>>) target_semaphore(%arg17 : memref<!tpu.dma_semaphore, #tpu.memory_space<semaphore_mem>>)
      %mul3A_56 = arith.constant 2 : i32
      %mul3A_57 = arith.muli %scan3A_34, %mul3A_56 : i32
      %add3A_58 = arith.constant 1 : i32
      %add3A_59 = arith.addi %mul3A_57, %add3A_58 : i32
      %mul3A_60 = arith.constant 4096 : i32
      %mul3A_61 = arith.muli %add3A, %mul3A_60 : i32
      %mul3A_62 = arith.constant 256 : i32
      %mul3A_63 = arith.muli %add3A_59, %mul3A_62 : i32
      %add3A_64 = arith.addi %mul3A_61, %mul3A_63 : i32
      %gt3A_65 = arith.constant 0 : i32
      %gt3A_66 = arith.cmpi sgt, %scan3A_34, %gt3A_65 : i32
      %convert_element_type3A_67 = arith.extui %gt3A_66 : i1 to i32
      %cond3A_68 = arith.constant 0 : i32
      %cond3A_69 = arith.cmpi ne, %convert_element_type3A_67, %cond3A_68 : i32
      scf.if %cond3A_69 {
        %sub3A = arith.constant 512 : i32
        %sub3A_80 = arith.subi %add3A_64, %sub3A : i32
        %dma_wait3A_81 = arith.constant 0 : i32
        %dma_wait3A_82 = tpu.memref_slice %arg7[%sub3A_80, %dma_wait3A_81] : memref<131072x128xf32, #tpu.memory_space<hbm>> -> memref<256x128xf32, #tpu.memory_space<hbm>>
        %dma_wait3A_83 = arith.constant 0 : i32
        %dma_wait3A_84 = tpu.memref_slice %arg7[%sub3A_80, %dma_wait3A_83] : memref<131072x128xf32, #tpu.memory_space<hbm>> -> memref<256x128xf32, #tpu.memory_space<hbm>>
        tpu.wait_dma2 semaphore(%arg17 : memref<!tpu.dma_semaphore, #tpu.memory_space<semaphore_mem>>) src(%arg13 : memref<256x128xf32, #tpu.memory_space<vmem>>) dst(%dma_wait3A_84 : memref<256x128xf32, #tpu.memory_space<hbm>>)
      } else {
      }
      "tpu.region"() ({
        %run_scoped3A = tpu.sem_alloc : memref<!tpu.dma_semaphore, #tpu.memory_space<semaphore_mem>>
        %dma_start3A_80 = tpu.memref_slice %arg3[%add3A_64] : memref<131072xi32, #tpu.memory_space<hbm>> -> memref<256xi32, #tpu.memory_space<hbm>>
        %dma_start3A_81 = tpu.memref_slice %arg3[%add3A_64] : memref<131072xi32, #tpu.memory_space<hbm>> -> memref<256xi32, #tpu.memory_space<hbm>>
        tpu.enqueue_dma source(%dma_start3A_81 : memref<256xi32, #tpu.memory_space<hbm>>) target(%arg11 : memref<256xi32, #tpu.memory_space<vmem>>) target_semaphore(%run_scoped3A : memref<!tpu.dma_semaphore, #tpu.memory_space<semaphore_mem>>)
        %dma_wait3A_82 = tpu.memref_slice %arg3[%add3A_64] : memref<131072xi32, #tpu.memory_space<hbm>> -> memref<256xi32, #tpu.memory_space<hbm>>
        %dma_wait3A_83 = tpu.memref_slice %arg3[%add3A_64] : memref<131072xi32, #tpu.memory_space<hbm>> -> memref<256xi32, #tpu.memory_space<hbm>>
        tpu.wait_dma2 semaphore(%run_scoped3A : memref<!tpu.dma_semaphore, #tpu.memory_space<semaphore_mem>>) src(%dma_wait3A_83 : memref<256xi32, #tpu.memory_space<hbm>>) dst(%arg11 : memref<256xi32, #tpu.memory_space<vmem>>)
        tpu.yield
      }) : () -> ()
      %dma_start3A_70 = arith.constant 0 : i32
      %dma_start3A_71 = arith.constant 0 : i32
      %dma_start3A_72 = tpu.memref_slice %arg2[%dma_start3A_70, %dma_start3A_71] : memref<50000x128xf32, #tpu.memory_space<hbm>> -> memref<50000x128xf32, #tpu.memory_space<hbm>>
      tpu.enqueue_indirect_dma source(%dma_start3A_72 : memref<50000x128xf32, #tpu.memory_space<hbm>>) target(%arg13 : memref<256x128xf32, #tpu.memory_space<vmem>>) offsets(%arg11 : memref<256xi32, #tpu.memory_space<vmem>>) semaphore(%arg16 : memref<!tpu.dma_semaphore, #tpu.memory_space<semaphore_mem>>)
      %dma_wait3A_73 = arith.constant 0 : i32
      %dma_wait3A_74 = arith.constant 0 : i32
      %dma_wait3A_75 = tpu.memref_slice %arg2[%dma_wait3A_73, %dma_wait3A_74] : memref<50000x128xf32, #tpu.memory_space<hbm>> -> memref<50000x128xf32, #tpu.memory_space<hbm>>
      tpu.wait_indirect_dma semaphore(%arg16 : memref<!tpu.dma_semaphore, #tpu.memory_space<semaphore_mem>>) src(%dma_wait3A_75 : memref<50000x128xf32, #tpu.memory_space<hbm>>) dst(%arg13 : memref<256x128xf32, #tpu.memory_space<vmem>>)
      %dma_start3A_76 = arith.constant 0 : i32
      %dma_start3A_77 = tpu.memref_slice %arg7[%add3A_64, %dma_start3A_76] : memref<131072x128xf32, #tpu.memory_space<hbm>> -> memref<256x128xf32, #tpu.memory_space<hbm>>
      %dma_start3A_78 = arith.constant 0 : i32
      %dma_start3A_79 = tpu.memref_slice %arg7[%add3A_64, %dma_start3A_78] : memref<131072x128xf32, #tpu.memory_space<hbm>> -> memref<256x128xf32, #tpu.memory_space<hbm>>
      tpu.enqueue_dma source(%arg13 : memref<256x128xf32, #tpu.memory_space<vmem>>) target(%dma_start3A_79 : memref<256x128xf32, #tpu.memory_space<hbm>>) target_semaphore(%arg17 : memref<!tpu.dma_semaphore, #tpu.memory_space<semaphore_mem>>)
    }
    %scan3A_5 = arith.constant 8 : i32
    %mul3A_6 = arith.constant 4096 : i32
    %mul3A_7 = arith.muli %add3A, %mul3A_6 : i32
    %add3A_8 = arith.constant 3584 : i32
    %add3A_9 = arith.addi %mul3A_7, %add3A_8 : i32
    %dma_wait3A = arith.constant 0 : i32
    %dma_wait3A_10 = tpu.memref_slice %arg7[%add3A_9, %dma_wait3A] : memref<131072x128xf32, #tpu.memory_space<hbm>> -> memref<256x128xf32, #tpu.memory_space<hbm>>
    %dma_wait3A_11 = arith.constant 0 : i32
    %dma_wait3A_12 = tpu.memref_slice %arg7[%add3A_9, %dma_wait3A_11] : memref<131072x128xf32, #tpu.memory_space<hbm>> -> memref<256x128xf32, #tpu.memory_space<hbm>>
    tpu.wait_dma2 semaphore(%arg17 : memref<!tpu.dma_semaphore, #tpu.memory_space<semaphore_mem>>) src(%arg12 : memref<256x128xf32, #tpu.memory_space<vmem>>) dst(%dma_wait3A_12 : memref<256x128xf32, #tpu.memory_space<hbm>>)
    %mul3A_13 = arith.constant 4096 : i32
    %mul3A_14 = arith.muli %add3A, %mul3A_13 : i32
    %add3A_15 = arith.constant 3840 : i32
    %add3A_16 = arith.addi %mul3A_14, %add3A_15 : i32
    %dma_wait3A_17 = arith.constant 0 : i32
    %dma_wait3A_18 = tpu.memref_slice %arg7[%add3A_16, %dma_wait3A_17] : memref<131072x128xf32, #tpu.memory_space<hbm>> -> memref<256x128xf32, #tpu.memory_space<hbm>>
    %dma_wait3A_19 = arith.constant 0 : i32
    %dma_wait3A_20 = tpu.memref_slice %arg7[%add3A_16, %dma_wait3A_19] : memref<131072x128xf32, #tpu.memory_space<hbm>> -> memref<256x128xf32, #tpu.memory_space<hbm>>
    tpu.wait_dma2 semaphore(%arg17 : memref<!tpu.dma_semaphore, #tpu.memory_space<semaphore_mem>>) src(%arg13 : memref<256x128xf32, #tpu.memory_space<vmem>>) dst(%dma_wait3A_20 : memref<256x128xf32, #tpu.memory_space<hbm>>)
    %mul3A_21 = arith.constant 128 : i32
    %mul3A_22 = arith.muli %add3A, %mul3A_21 : i32
    "tpu.region"() ({
      %run_scoped3A = tpu.sem_alloc : memref<!tpu.dma_semaphore, #tpu.memory_space<semaphore_mem>>
      %dma_start3A_34 = tpu.memref_slice %arg6[%mul3A_22] : memref<4096xi32, #tpu.memory_space<hbm>> -> memref<128xi32, #tpu.memory_space<hbm>>
      %dma_start3A_35 = tpu.memref_slice %arg6[%mul3A_22] : memref<4096xi32, #tpu.memory_space<hbm>> -> memref<128xi32, #tpu.memory_space<hbm>>
      tpu.enqueue_dma source(%dma_start3A_35 : memref<128xi32, #tpu.memory_space<hbm>>) target(%arg14 : memref<128xi32, #tpu.memory_space<vmem>>) target_semaphore(%run_scoped3A : memref<!tpu.dma_semaphore, #tpu.memory_space<semaphore_mem>>)
      %dma_wait3A_36 = tpu.memref_slice %arg6[%mul3A_22] : memref<4096xi32, #tpu.memory_space<hbm>> -> memref<128xi32, #tpu.memory_space<hbm>>
      %dma_wait3A_37 = tpu.memref_slice %arg6[%mul3A_22] : memref<4096xi32, #tpu.memory_space<hbm>> -> memref<128xi32, #tpu.memory_space<hbm>>
      tpu.wait_dma2 semaphore(%run_scoped3A : memref<!tpu.dma_semaphore, #tpu.memory_space<semaphore_mem>>) src(%dma_wait3A_37 : memref<128xi32, #tpu.memory_space<hbm>>) dst(%arg14 : memref<128xi32, #tpu.memory_space<vmem>>)
      tpu.yield
    }) : () -> ()
    %dma_start3A = arith.constant 0 : i32
    %dma_start3A_23 = arith.constant 0 : i32
    %dma_start3A_24 = tpu.memref_slice %arg4[%dma_start3A, %dma_start3A_23] : memref<50000x128xf32, #tpu.memory_space<hbm>> -> memref<50000x128xf32, #tpu.memory_space<hbm>>
    tpu.enqueue_indirect_dma source(%dma_start3A_24 : memref<50000x128xf32, #tpu.memory_space<hbm>>) target(%arg15 : memref<128x128xf32, #tpu.memory_space<vmem>>) offsets(%arg14 : memref<128xi32, #tpu.memory_space<vmem>>) semaphore(%arg16 : memref<!tpu.dma_semaphore, #tpu.memory_space<semaphore_mem>>)
    %dma_wait3A_25 = arith.constant 0 : i32
    %dma_wait3A_26 = arith.constant 0 : i32
    %dma_wait3A_27 = tpu.memref_slice %arg4[%dma_wait3A_25, %dma_wait3A_26] : memref<50000x128xf32, #tpu.memory_space<hbm>> -> memref<50000x128xf32, #tpu.memory_space<hbm>>
    tpu.wait_indirect_dma semaphore(%arg16 : memref<!tpu.dma_semaphore, #tpu.memory_space<semaphore_mem>>) src(%dma_wait3A_27 : memref<50000x128xf32, #tpu.memory_space<hbm>>) dst(%arg15 : memref<128x128xf32, #tpu.memory_space<vmem>>)
    "tpu.region"() ({
      %run_scoped3A = tpu.sem_alloc : memref<!tpu.dma_semaphore, #tpu.memory_space<semaphore_mem>>
      %dma_start3A_34 = arith.constant 0 : i32
      %dma_start3A_35 = tpu.memref_slice %arg8[%mul3A_22, %dma_start3A_34] : memref<4096x128xf32, #tpu.memory_space<hbm>> -> memref<128x128xf32, #tpu.memory_space<hbm>>
      %dma_start3A_36 = arith.constant 0 : i32
      %dma_start3A_37 = tpu.memref_slice %arg8[%mul3A_22, %dma_start3A_36] : memref<4096x128xf32, #tpu.memory_space<hbm>> -> memref<128x128xf32, #tpu.memory_space<hbm>>
      tpu.enqueue_dma source(%arg15 : memref<128x128xf32, #tpu.memory_space<vmem>>) target(%dma_start3A_37 : memref<128x128xf32, #tpu.memory_space<hbm>>) target_semaphore(%run_scoped3A : memref<!tpu.dma_semaphore, #tpu.memory_space<semaphore_mem>>)
      %dma_wait3A_38 = arith.constant 0 : i32
      %dma_wait3A_39 = tpu.memref_slice %arg8[%mul3A_22, %dma_wait3A_38] : memref<4096x128xf32, #tpu.memory_space<hbm>> -> memref<128x128xf32, #tpu.memory_space<hbm>>
      %dma_wait3A_40 = arith.constant 0 : i32
      %dma_wait3A_41 = tpu.memref_slice %arg8[%mul3A_22, %dma_wait3A_40] : memref<4096x128xf32, #tpu.memory_space<hbm>> -> memref<128x128xf32, #tpu.memory_space<hbm>>
      tpu.wait_dma2 semaphore(%run_scoped3A : memref<!tpu.dma_semaphore, #tpu.memory_space<semaphore_mem>>) src(%arg15 : memref<128x128xf32, #tpu.memory_space<vmem>>) dst(%dma_wait3A_41 : memref<128x128xf32, #tpu.memory_space<hbm>>)
      tpu.yield
    }) : () -> ()
    %dma_start3A_28 = arith.constant 0 : i32
    %dma_start3A_29 = arith.constant 0 : i32
    %dma_start3A_30 = tpu.memref_slice %arg5[%dma_start3A_28, %dma_start3A_29] : memref<50000x128xf32, #tpu.memory_space<hbm>> -> memref<50000x128xf32, #tpu.memory_space<hbm>>
    tpu.enqueue_indirect_dma source(%dma_start3A_30 : memref<50000x128xf32, #tpu.memory_space<hbm>>) target(%arg15 : memref<128x128xf32, #tpu.memory_space<vmem>>) offsets(%arg14 : memref<128xi32, #tpu.memory_space<vmem>>) semaphore(%arg16 : memref<!tpu.dma_semaphore, #tpu.memory_space<semaphore_mem>>)
    %dma_wait3A_31 = arith.constant 0 : i32
    %dma_wait3A_32 = arith.constant 0 : i32
    %dma_wait3A_33 = tpu.memref_slice %arg5[%dma_wait3A_31, %dma_wait3A_32] : memref<50000x128xf32, #tpu.memory_space<hbm>> -> memref<50000x128xf32, #tpu.memory_space<hbm>>
    tpu.wait_indirect_dma semaphore(%arg16 : memref<!tpu.dma_semaphore, #tpu.memory_space<semaphore_mem>>) src(%dma_wait3A_33 : memref<50000x128xf32, #tpu.memory_space<hbm>>) dst(%arg15 : memref<128x128xf32, #tpu.memory_space<vmem>>)
    "tpu.region"() ({
      %run_scoped3A = tpu.sem_alloc : memref<!tpu.dma_semaphore, #tpu.memory_space<semaphore_mem>>
      %dma_start3A_34 = arith.constant 0 : i32
      %dma_start3A_35 = tpu.memref_slice %arg9[%mul3A_22, %dma_start3A_34] : memref<4096x128xf32, #tpu.memory_space<hbm>> -> memref<128x128xf32, #tpu.memory_space<hbm>>
      %dma_start3A_36 = arith.constant 0 : i32
      %dma_start3A_37 = tpu.memref_slice %arg9[%mul3A_22, %dma_start3A_36] : memref<4096x128xf32, #tpu.memory_space<hbm>> -> memref<128x128xf32, #tpu.memory_space<hbm>>
      tpu.enqueue_dma source(%arg15 : memref<128x128xf32, #tpu.memory_space<vmem>>) target(%dma_start3A_37 : memref<128x128xf32, #tpu.memory_space<hbm>>) target_semaphore(%run_scoped3A : memref<!tpu.dma_semaphore, #tpu.memory_space<semaphore_mem>>)
      %dma_wait3A_38 = arith.constant 0 : i32
      %dma_wait3A_39 = tpu.memref_slice %arg9[%mul3A_22, %dma_wait3A_38] : memref<4096x128xf32, #tpu.memory_space<hbm>> -> memref<128x128xf32, #tpu.memory_space<hbm>>
      %dma_wait3A_40 = arith.constant 0 : i32
      %dma_wait3A_41 = tpu.memref_slice %arg9[%mul3A_22, %dma_wait3A_40] : memref<4096x128xf32, #tpu.memory_space<hbm>> -> memref<128x128xf32, #tpu.memory_space<hbm>>
      tpu.wait_dma2 semaphore(%run_scoped3A : memref<!tpu.dma_semaphore, #tpu.memory_space<semaphore_mem>>) src(%arg15 : memref<128x128xf32, #tpu.memory_space<vmem>>) dst(%dma_wait3A_41 : memref<128x128xf32, #tpu.memory_space<hbm>>)
      tpu.yield
    }) : () -> ()
    return
  }
}

module attributes {stable_mosaic.version = 14 : i64} {
  func.func @_fuse_table_body(%arg0: i32, %arg1: memref<2000x128xf32, #tpu.memory_space<vmem>>, %arg2: memref<2000x128xf32, #tpu.memory_space<vmem>>, %arg3: memref<128x256xf32, #tpu.memory_space<vmem>>, %arg4: memref<1x128xf32, #tpu.memory_space<vmem>>, %arg5: memref<2000x128xf32, #tpu.memory_space<vmem>>) attributes {dimension_semantics = [#tpu.dimension_semantics<arbitrary>], iteration_bounds = array<i64: 25>, scalar_prefetch = 0 : i64, scratch_operands = 0 : i64, tpu.core_type = #tpu.core_type<tc>, window_params = [{transform_indices = @transform_0, window_bounds = array<i64: 2000, 128>}, {transform_indices = @transform_1, window_bounds = array<i64: 2000, 128>}, {pipeline_mode = #tpu.pipeline_mode<synchronous>, transform_indices = @transform_2, window_bounds = array<i64: 128, 256>}, {pipeline_mode = #tpu.pipeline_mode<synchronous>, transform_indices = @transform_3, window_bounds = array<i64: 1, 128>}, {transform_indices = @transform_4, window_bounds = array<i64: 2000, 128>}]} {
    %get3A = arith.constant 0 : index
    %get3A_0 = arith.constant 0 : index
    %get3A_1 = vector.load %arg1[%get3A, %get3A_0] : memref<2000x128xf32, #tpu.memory_space<vmem>>, vector<2000x128xf32>
    %get3A_2 = arith.constant 0 : index
    %get3A_3 = arith.constant 0 : index
    %get3A_4 = vector.load %arg3[%get3A_2, %get3A_3] : memref<128x256xf32, #tpu.memory_space<vmem>>, vector<128x128xf32>
    %dot_general3A = arith.constant dense<0.000000e+00> : vector<2000x128xf32>
    %dot_general3A_5 = tpu.matmul %get3A_1, %get3A_4, %dot_general3A {dimension_numbers = #tpu.dot_dimension_numbers<[1], [1], [0], [0], [0, 0, 1, 0], [], []>, transpose_lhs_hint = false} : vector<2000x128xf32>, vector<128x128xf32>, vector<2000x128xf32> -> vector<2000x128xf32>
    %get3A_6 = arith.constant 0 : index
    %get3A_7 = arith.constant 0 : index
    %get3A_8 = vector.load %arg2[%get3A_6, %get3A_7] : memref<2000x128xf32, #tpu.memory_space<vmem>>, vector<2000x128xf32>
    %get3A_9 = arith.constant 0 : index
    %get3A_10 = arith.constant 128 : index
    %get3A_11 = vector.load %arg3[%get3A_9, %get3A_10] : memref<128x256xf32, #tpu.memory_space<vmem>>, vector<128x128xf32>
    %dot_general3A_12 = arith.constant dense<0.000000e+00> : vector<2000x128xf32>
    %dot_general3A_13 = tpu.matmul %get3A_8, %get3A_11, %dot_general3A_12 {dimension_numbers = #tpu.dot_dimension_numbers<[1], [1], [0], [0], [0, 0, 1, 0], [], []>, transpose_lhs_hint = false} : vector<2000x128xf32>, vector<128x128xf32>, vector<2000x128xf32> -> vector<2000x128xf32>
    %add3A = arith.addf %dot_general3A_5, %dot_general3A_13 : vector<2000x128xf32>
    %get3A_14 = arith.constant 0 : index
    %get3A_15 = arith.constant 0 : index
    %get3A_16 = vector.load %arg4[%get3A_14, %get3A_15] : memref<1x128xf32, #tpu.memory_space<vmem>>, vector<1x128xf32>
    %add3A_17 = vector.broadcast %get3A_16 : vector<1x128xf32> to vector<2000x128xf32>
    %add3A_18 = arith.addf %add3A, %add3A_17 : vector<2000x128xf32>
    %max3A = arith.constant 0.000000e+00 : f32
    %max3A_19 = vector.broadcast %max3A : f32 to vector<2000x128xf32>
    %max3A_20 = arith.maximumf %add3A_18, %max3A_19 : vector<2000x128xf32>
    %swap3A = arith.constant 0 : index
    %swap3A_21 = arith.constant 0 : index
    %swap3A_22 = vector.load %arg5[%swap3A, %swap3A_21] : memref<2000x128xf32, #tpu.memory_space<vmem>>, vector<2000x128xf32>
    tpu.vector_store %arg5[%swap3A, %swap3A_21], %max3A_20 {strides = array<i32>} : memref<2000x128xf32, #tpu.memory_space<vmem>>, vector<2000x128xf32>,
    return
  }
  func.func @transform_0(%arg0: i32) -> (i32, i32) {
    %c0_i32 = arith.constant 0 : i32
    %c0_i32_0 = arith.constant 0 : i32
    return %arg0, %c0_i32 : i32, i32
  }
  func.func @transform_1(%arg0: i32) -> (i32, i32) {
    %c0_i32 = arith.constant 0 : i32
    %c0_i32_0 = arith.constant 0 : i32
    return %arg0, %c0_i32 : i32, i32
  }
  func.func @transform_2(%arg0: i32) -> (i32, i32) {
    %c0_i32 = arith.constant 0 : i32
    %c0_i32_0 = arith.constant 0 : i32
    %c0_i32_1 = arith.constant 0 : i32
    return %c0_i32, %c0_i32_0 : i32, i32
  }
  func.func @transform_3(%arg0: i32) -> (i32, i32) {
    %c0_i32 = arith.constant 0 : i32
    %c0_i32_0 = arith.constant 0 : i32
    %c0_i32_1 = arith.constant 0 : i32
    return %c0_i32, %c0_i32_0 : i32, i32
  }
  func.func @transform_4(%arg0: i32) -> (i32, i32) {
    %c0_i32 = arith.constant 0 : i32
    %c0_i32_0 = arith.constant 0 : i32
    return %arg0, %c0_i32 : i32, i32
  }
}

module attributes {stable_mosaic.version = 14 : i64} {
  func.func @_attend_t0_body(%arg0: i32, %arg1: memref<512x128xf32, #tpu.memory_space<vmem>>, %arg2: memref<512x128xf32, #tpu.memory_space<vmem>>, %arg3: memref<32x512x128xf32, #tpu.memory_space<vmem>>, %arg4: memref<128x256xf32, #tpu.memory_space<vmem>>, %arg5: memref<1x128xf32, #tpu.memory_space<vmem>>, %arg6: memref<128x128xf32, #tpu.memory_space<vmem>>, %arg7: memref<1x128xf32, #tpu.memory_space<vmem>>, %arg8: memref<512x128xf32, #tpu.memory_space<vmem>>, %arg9: memref<512x128xf32, #tpu.memory_space<vmem>>) attributes {dimension_semantics = [#tpu.dimension_semantics<arbitrary>], iteration_bounds = array<i64: 8>, scalar_prefetch = 0 : i64, scratch_operands = 0 : i64, tpu.core_type = #tpu.core_type<tc>, window_params = [{transform_indices = @transform_0, window_bounds = array<i64: 512, 128>}, {transform_indices = @transform_1, window_bounds = array<i64: 512, 128>}, {transform_indices = @transform_2, window_bounds = array<i64: 32, 512, 128>}, {pipeline_mode = #tpu.pipeline_mode<synchronous>, transform_indices = @transform_3, window_bounds = array<i64: 128, 256>}, {pipeline_mode = #tpu.pipeline_mode<synchronous>, transform_indices = @transform_4, window_bounds = array<i64: 1, 128>}, {pipeline_mode = #tpu.pipeline_mode<synchronous>, transform_indices = @transform_5, window_bounds = array<i64: 128, 128>}, {pipeline_mode = #tpu.pipeline_mode<synchronous>, transform_indices = @transform_6, window_bounds = array<i64: 1, 128>}, {transform_indices = @transform_7, window_bounds = array<i64: 512, 128>}, {transform_indices = @transform_8, window_bounds = array<i64: 512, 128>}]} {
    %get3A = arith.constant 0 : index
    %get3A_0 = arith.constant 0 : index
    %get3A_1 = vector.load %arg1[%get3A, %get3A_0] : memref<512x128xf32, #tpu.memory_space<vmem>>, vector<512x128xf32>
    %get3A_2 = arith.constant 0 : index
    %get3A_3 = arith.constant 0 : index
    %get3A_4 = vector.load %arg4[%get3A_2, %get3A_3] : memref<128x256xf32, #tpu.memory_space<vmem>>, vector<128x128xf32>
    %dot_general3A = arith.constant dense<0.000000e+00> : vector<512x128xf32>
    %dot_general3A_5 = tpu.matmul %get3A_1, %get3A_4, %dot_general3A {dimension_numbers = #tpu.dot_dimension_numbers<[1], [1], [0], [0], [0, 0, 1, 0], [], []>, transpose_lhs_hint = false} : vector<512x128xf32>, vector<128x128xf32>, vector<512x128xf32> -> vector<512x128xf32>
    %get3A_6 = arith.constant 0 : index
    %get3A_7 = arith.constant 0 : index
    %get3A_8 = vector.load %arg2[%get3A_6, %get3A_7] : memref<512x128xf32, #tpu.memory_space<vmem>>, vector<512x128xf32>
    %get3A_9 = arith.constant 0 : index
    %get3A_10 = arith.constant 128 : index
    %get3A_11 = vector.load %arg4[%get3A_9, %get3A_10] : memref<128x256xf32, #tpu.memory_space<vmem>>, vector<128x128xf32>
    %dot_general3A_12 = arith.constant dense<0.000000e+00> : vector<512x128xf32>
    %dot_general3A_13 = tpu.matmul %get3A_8, %get3A_11, %dot_general3A_12 {dimension_numbers = #tpu.dot_dimension_numbers<[1], [1], [0], [0], [0, 0, 1, 0], [], []>, transpose_lhs_hint = false} : vector<512x128xf32>, vector<128x128xf32>, vector<512x128xf32> -> vector<512x128xf32>
    %add3A = arith.addf %dot_general3A_5, %dot_general3A_13 : vector<512x128xf32>
    %get3A_14 = arith.constant 0 : index
    %get3A_15 = arith.constant 0 : index
    %get3A_16 = vector.load %arg5[%get3A_14, %get3A_15] : memref<1x128xf32, #tpu.memory_space<vmem>>, vector<1x128xf32>
    %add3A_17 = vector.broadcast %get3A_16 : vector<1x128xf32> to vector<512x128xf32>
    %add3A_18 = arith.addf %add3A, %add3A_17 : vector<512x128xf32>
    %max3A = arith.constant 0.000000e+00 : f32
    %max3A_19 = vector.broadcast %max3A : f32 to vector<512x128xf32>
    %max3A_20 = arith.maximumf %add3A_18, %max3A_19 : vector<512x128xf32>
    %swap3A = arith.constant 0 : index
    %swap3A_21 = arith.constant 0 : index
    %swap3A_22 = vector.load %arg8[%swap3A, %swap3A_21] : memref<512x128xf32, #tpu.memory_space<vmem>>, vector<512x128xf32>
    tpu.vector_store %arg8[%swap3A, %swap3A_21], %max3A_20 {strides = array<i32>} : memref<512x128xf32, #tpu.memory_space<vmem>>, vector<512x128xf32>,
    %get3A_23 = arith.constant 0 : index
    %get3A_24 = arith.constant 0 : index
    %get3A_25 = vector.load %arg6[%get3A_23, %get3A_24] : memref<128x128xf32, #tpu.memory_space<vmem>>, vector<128x128xf32>
    %get3A_26 = arith.constant 0 : index
    %get3A_27 = arith.constant 0 : index
    %get3A_28 = vector.load %arg7[%get3A_26, %get3A_27] : memref<1x128xf32, #tpu.memory_space<vmem>>, vector<1x128xf32>
    %broadcast_in_dim3A = arith.constant 1.000000e+00 : f32
    %broadcast_in_dim3A_29 = vector.broadcast %broadcast_in_dim3A : f32 to vector<128x32xf32>
    %iota3A = tpu.iota {dimensions = array<i32: 1>} : vector<1x32xi32>
    %broadcast_in_dim3A_30 = arith.constant 1.000000e+00 : f32
    %broadcast_in_dim3A_31 = vector.broadcast %broadcast_in_dim3A_30 : f32 to vector<1x128xf32>
    %broadcast_in_dim3A_32 = arith.constant 0.000000e+00 : f32
    %broadcast_in_dim3A_33 = vector.broadcast %broadcast_in_dim3A_32 : f32 to vector<512x32xf32>
    %get3A_34 = arith.constant 0 : index
    %get3A_35 = arith.constant 0 : index
    %get3A_36 = arith.constant 0 : index
    %get3A_37 = vector.load %arg3[%get3A_34, %get3A_35, %get3A_36] : memref<32x512x128xf32, #tpu.memory_space<vmem>>, vector<1x512x128xf32>
    %get3A_38 = vector.shape_cast %get3A_37 : vector<1x512x128xf32> to vector<512x128xf32>
    %mul3A = arith.mulf %max3A_20, %get3A_38 : vector<512x128xf32>
    %eq3A = arith.constant 0 : i32
    %eq3A_39 = vector.broadcast %eq3A : i32 to vector<1x32xi32>
    %eq3A_40 = arith.cmpi eq, %iota3A, %eq3A_39 : vector<1x32xi32>
    %convert_element_type3A = arith.extui %eq3A_40 : vector<1x32xi1> to vector<1x32xi32>
    %convert_element_type3A_41 = arith.sitofp %convert_element_type3A : vector<1x32xi32> to vector<1x32xf32>
    %mul3A_42 = vector.broadcast %convert_element_type3A_41 : vector<1x32xf32> to vector<128x32xf32>
    %mul3A_43 = arith.mulf %broadcast_in_dim3A_29, %mul3A_42 : vector<128x32xf32>
    %dot_general3A_44 = arith.constant dense<0.000000e+00> : vector<512x32xf32>
    %dot_general3A_45 = tpu.matmul %mul3A, %mul3A_43, %dot_general3A_44 {dimension_numbers = #tpu.dot_dimension_numbers<[1], [0], [0], [1], [0, 0, 1, 1], [], []>, transpose_lhs_hint = false} : vector<512x128xf32>, vector<128x32xf32>, vector<512x32xf32> -> vector<512x32xf32>
    %add3A_46 = arith.addf %broadcast_in_dim3A_33, %dot_general3A_45 : vector<512x32xf32>
    %get3A_47 = arith.constant 1 : index
    %get3A_48 = arith.constant 0 : index
    %get3A_49 = arith.constant 0 : index
    %get3A_50 = vector.load %arg3[%get3A_47, %get3A_48, %get3A_49] : memref<32x512x128xf32, #tpu.memory_space<vmem>>, vector<1x512x128xf32>
    %get3A_51 = vector.shape_cast %get3A_50 : vector<1x512x128xf32> to vector<512x128xf32>
    %mul3A_52 = arith.mulf %max3A_20, %get3A_51 : vector<512x128xf32>
    %eq3A_53 = arith.constant 1 : i32
    %eq3A_54 = vector.broadcast %eq3A_53 : i32 to vector<1x32xi32>
    %eq3A_55 = arith.cmpi eq, %iota3A, %eq3A_54 : vector<1x32xi32>
    %convert_element_type3A_56 = arith.extui %eq3A_55 : vector<1x32xi1> to vector<1x32xi32>
    %convert_element_type3A_57 = arith.sitofp %convert_element_type3A_56 : vector<1x32xi32> to vector<1x32xf32>
    %mul3A_58 = vector.broadcast %convert_element_type3A_57 : vector<1x32xf32> to vector<128x32xf32>
    %mul3A_59 = arith.mulf %broadcast_in_dim3A_29, %mul3A_58 : vector<128x32xf32>
    %dot_general3A_60 = arith.constant dense<0.000000e+00> : vector<512x32xf32>
    %dot_general3A_61 = tpu.matmul %mul3A_52, %mul3A_59, %dot_general3A_60 {dimension_numbers = #tpu.dot_dimension_numbers<[1], [0], [0], [1], [0, 0, 1, 1], [], []>, transpose_lhs_hint = false} : vector<512x128xf32>, vector<128x32xf32>, vector<512x32xf32> -> vector<512x32xf32>
    %add3A_62 = arith.addf %add3A_46, %dot_general3A_61 : vector<512x32xf32>
    %get3A_63 = arith.constant 2 : index
    %get3A_64 = arith.constant 0 : index
    %get3A_65 = arith.constant 0 : index
    %get3A_66 = vector.load %arg3[%get3A_63, %get3A_64, %get3A_65] : memref<32x512x128xf32, #tpu.memory_space<vmem>>, vector<1x512x128xf32>
    %get3A_67 = vector.shape_cast %get3A_66 : vector<1x512x128xf32> to vector<512x128xf32>
    %mul3A_68 = arith.mulf %max3A_20, %get3A_67 : vector<512x128xf32>
    %eq3A_69 = arith.constant 2 : i32
    %eq3A_70 = vector.broadcast %eq3A_69 : i32 to vector<1x32xi32>
    %eq3A_71 = arith.cmpi eq, %iota3A, %eq3A_70 : vector<1x32xi32>
    %convert_element_type3A_72 = arith.extui %eq3A_71 : vector<1x32xi1> to vector<1x32xi32>
    %convert_element_type3A_73 = arith.sitofp %convert_element_type3A_72 : vector<1x32xi32> to vector<1x32xf32>
    %mul3A_74 = vector.broadcast %convert_element_type3A_73 : vector<1x32xf32> to vector<128x32xf32>
    %mul3A_75 = arith.mulf %broadcast_in_dim3A_29, %mul3A_74 : vector<128x32xf32>
    %dot_general3A_76 = arith.constant dense<0.000000e+00> : vector<512x32xf32>
    %dot_general3A_77 = tpu.matmul %mul3A_68, %mul3A_75, %dot_general3A_76 {dimension_numbers = #tpu.dot_dimension_numbers<[1], [0], [0], [1], [0, 0, 1, 1], [], []>, transpose_lhs_hint = false} : vector<512x128xf32>, vector<128x32xf32>, vector<512x32xf32> -> vector<512x32xf32>
    %add3A_78 = arith.addf %add3A_62, %dot_general3A_77 : vector<512x32xf32>
    %get3A_79 = arith.constant 3 : index
    %get3A_80 = arith.constant 0 : index
    %get3A_81 = arith.constant 0 : index
    %get3A_82 = vector.load %arg3[%get3A_79, %get3A_80, %get3A_81] : memref<32x512x128xf32, #tpu.memory_space<vmem>>, vector<1x512x128xf32>
    %get3A_83 = vector.shape_cast %get3A_82 : vector<1x512x128xf32> to vector<512x128xf32>
    %mul3A_84 = arith.mulf %max3A_20, %get3A_83 : vector<512x128xf32>
    %eq3A_85 = arith.constant 3 : i32
    %eq3A_86 = vector.broadcast %eq3A_85 : i32 to vector<1x32xi32>
    %eq3A_87 = arith.cmpi eq, %iota3A, %eq3A_86 : vector<1x32xi32>
    %convert_element_type3A_88 = arith.extui %eq3A_87 : vector<1x32xi1> to vector<1x32xi32>
    %convert_element_type3A_89 = arith.sitofp %convert_element_type3A_88 : vector<1x32xi32> to vector<1x32xf32>
    %mul3A_90 = vector.broadcast %convert_element_type3A_89 : vector<1x32xf32> to vector<128x32xf32>
    %mul3A_91 = arith.mulf %broadcast_in_dim3A_29, %mul3A_90 : vector<128x32xf32>
    %dot_general3A_92 = arith.constant dense<0.000000e+00> : vector<512x32xf32>
    %dot_general3A_93 = tpu.matmul %mul3A_84, %mul3A_91, %dot_general3A_92 {dimension_numbers = #tpu.dot_dimension_numbers<[1], [0], [0], [1], [0, 0, 1, 1], [], []>, transpose_lhs_hint = false} : vector<512x128xf32>, vector<128x32xf32>, vector<512x32xf32> -> vector<512x32xf32>
    %add3A_94 = arith.addf %add3A_78, %dot_general3A_93 : vector<512x32xf32>
    %get3A_95 = arith.constant 4 : index
    %get3A_96 = arith.constant 0 : index
    %get3A_97 = arith.constant 0 : index
    %get3A_98 = vector.load %arg3[%get3A_95, %get3A_96, %get3A_97] : memref<32x512x128xf32, #tpu.memory_space<vmem>>, vector<1x512x128xf32>
    %get3A_99 = vector.shape_cast %get3A_98 : vector<1x512x128xf32> to vector<512x128xf32>
    %mul3A_100 = arith.mulf %max3A_20, %get3A_99 : vector<512x128xf32>
    %eq3A_101 = arith.constant 4 : i32
    %eq3A_102 = vector.broadcast %eq3A_101 : i32 to vector<1x32xi32>
    %eq3A_103 = arith.cmpi eq, %iota3A, %eq3A_102 : vector<1x32xi32>
    %convert_element_type3A_104 = arith.extui %eq3A_103 : vector<1x32xi1> to vector<1x32xi32>
    %convert_element_type3A_105 = arith.sitofp %convert_element_type3A_104 : vector<1x32xi32> to vector<1x32xf32>
    %mul3A_106 = vector.broadcast %convert_element_type3A_105 : vector<1x32xf32> to vector<128x32xf32>
    %mul3A_107 = arith.mulf %broadcast_in_dim3A_29, %mul3A_106 : vector<128x32xf32>
    %dot_general3A_108 = arith.constant dense<0.000000e+00> : vector<512x32xf32>
    %dot_general3A_109 = tpu.matmul %mul3A_100, %mul3A_107, %dot_general3A_108 {dimension_numbers = #tpu.dot_dimension_numbers<[1], [0], [0], [1], [0, 0, 1, 1], [], []>, transpose_lhs_hint = false} : vector<512x128xf32>, vector<128x32xf32>, vector<512x32xf32> -> vector<512x32xf32>
    %add3A_110 = arith.addf %add3A_94, %dot_general3A_109 : vector<512x32xf32>
    %get3A_111 = arith.constant 5 : index
    %get3A_112 = arith.constant 0 : index
    %get3A_113 = arith.constant 0 : index
    %get3A_114 = vector.load %arg3[%get3A_111, %get3A_112, %get3A_113] : memref<32x512x128xf32, #tpu.memory_space<vmem>>, vector<1x512x128xf32>
    %get3A_115 = vector.shape_cast %get3A_114 : vector<1x512x128xf32> to vector<512x128xf32>
    %mul3A_116 = arith.mulf %max3A_20, %get3A_115 : vector<512x128xf32>
    %eq3A_117 = arith.constant 5 : i32
    %eq3A_118 = vector.broadcast %eq3A_117 : i32 to vector<1x32xi32>
    %eq3A_119 = arith.cmpi eq, %iota3A, %eq3A_118 : vector<1x32xi32>
    %convert_element_type3A_120 = arith.extui %eq3A_119 : vector<1x32xi1> to vector<1x32xi32>
    %convert_element_type3A_121 = arith.sitofp %convert_element_type3A_120 : vector<1x32xi32> to vector<1x32xf32>
    %mul3A_122 = vector.broadcast %convert_element_type3A_121 : vector<1x32xf32> to vector<128x32xf32>
    %mul3A_123 = arith.mulf %broadcast_in_dim3A_29, %mul3A_122 : vector<128x32xf32>
    %dot_general3A_124 = arith.constant dense<0.000000e+00> : vector<512x32xf32>
    %dot_general3A_125 = tpu.matmul %mul3A_116, %mul3A_123, %dot_general3A_124 {dimension_numbers = #tpu.dot_dimension_numbers<[1], [0], [0], [1], [0, 0, 1, 1], [], []>, transpose_lhs_hint = false} : vector<512x128xf32>, vector<128x32xf32>, vector<512x32xf32> -> vector<512x32xf32>
    %add3A_126 = arith.addf %add3A_110, %dot_general3A_125 : vector<512x32xf32>
    %get3A_127 = arith.constant 6 : index
    %get3A_128 = arith.constant 0 : index
    %get3A_129 = arith.constant 0 : index
    %get3A_130 = vector.load %arg3[%get3A_127, %get3A_128, %get3A_129] : memref<32x512x128xf32, #tpu.memory_space<vmem>>, vector<1x512x128xf32>
    %get3A_131 = vector.shape_cast %get3A_130 : vector<1x512x128xf32> to vector<512x128xf32>
    %mul3A_132 = arith.mulf %max3A_20, %get3A_131 : vector<512x128xf32>
    %eq3A_133 = arith.constant 6 : i32
    %eq3A_134 = vector.broadcast %eq3A_133 : i32 to vector<1x32xi32>
    %eq3A_135 = arith.cmpi eq, %iota3A, %eq3A_134 : vector<1x32xi32>
    %convert_element_type3A_136 = arith.extui %eq3A_135 : vector<1x32xi1> to vector<1x32xi32>
    %convert_element_type3A_137 = arith.sitofp %convert_element_type3A_136 : vector<1x32xi32> to vector<1x32xf32>
    %mul3A_138 = vector.broadcast %convert_element_type3A_137 : vector<1x32xf32> to vector<128x32xf32>
    %mul3A_139 = arith.mulf %broadcast_in_dim3A_29, %mul3A_138 : vector<128x32xf32>
    %dot_general3A_140 = arith.constant dense<0.000000e+00> : vector<512x32xf32>
    %dot_general3A_141 = tpu.matmul %mul3A_132, %mul3A_139, %dot_general3A_140 {dimension_numbers = #tpu.dot_dimension_numbers<[1], [0], [0], [1], [0, 0, 1, 1], [], []>, transpose_lhs_hint = false} : vector<512x128xf32>, vector<128x32xf32>, vector<512x32xf32> -> vector<512x32xf32>
    %add3A_142 = arith.addf %add3A_126, %dot_general3A_141 : vector<512x32xf32>
    %get3A_143 = arith.constant 7 : index
    %get3A_144 = arith.constant 0 : index
    %get3A_145 = arith.constant 0 : index
    %get3A_146 = vector.load %arg3[%get3A_143, %get3A_144, %get3A_145] : memref<32x512x128xf32, #tpu.memory_space<vmem>>, vector<1x512x128xf32>
    %get3A_147 = vector.shape_cast %get3A_146 : vector<1x512x128xf32> to vector<512x128xf32>
    %mul3A_148 = arith.mulf %max3A_20, %get3A_147 : vector<512x128xf32>
    %eq3A_149 = arith.constant 7 : i32
    %eq3A_150 = vector.broadcast %eq3A_149 : i32 to vector<1x32xi32>
    %eq3A_151 = arith.cmpi eq, %iota3A, %eq3A_150 : vector<1x32xi32>
    %convert_element_type3A_152 = arith.extui %eq3A_151 : vector<1x32xi1> to vector<1x32xi32>
    %convert_element_type3A_153 = arith.sitofp %convert_element_type3A_152 : vector<1x32xi32> to vector<1x32xf32>
    %mul3A_154 = vector.broadcast %convert_element_type3A_153 : vector<1x32xf32> to vector<128x32xf32>
    %mul3A_155 = arith.mulf %broadcast_in_dim3A_29, %mul3A_154 : vector<128x32xf32>
    %dot_general3A_156 = arith.constant dense<0.000000e+00> : vector<512x32xf32>
    %dot_general3A_157 = tpu.matmul %mul3A_148, %mul3A_155, %dot_general3A_156 {dimension_numbers = #tpu.dot_dimension_numbers<[1], [0], [0], [1], [0, 0, 1, 1], [], []>, transpose_lhs_hint = false} : vector<512x128xf32>, vector<128x32xf32>, vector<512x32xf32> -> vector<512x32xf32>
    %add3A_158 = arith.addf %add3A_142, %dot_general3A_157 : vector<512x32xf32>
    %get3A_159 = arith.constant 8 : index
    %get3A_160 = arith.constant 0 : index
    %get3A_161 = arith.constant 0 : index
    %get3A_162 = vector.load %arg3[%get3A_159, %get3A_160, %get3A_161] : memref<32x512x128xf32, #tpu.memory_space<vmem>>, vector<1x512x128xf32>
    %get3A_163 = vector.shape_cast %get3A_162 : vector<1x512x128xf32> to vector<512x128xf32>
    %mul3A_164 = arith.mulf %max3A_20, %get3A_163 : vector<512x128xf32>
    %eq3A_165 = arith.constant 8 : i32
    %eq3A_166 = vector.broadcast %eq3A_165 : i32 to vector<1x32xi32>
    %eq3A_167 = arith.cmpi eq, %iota3A, %eq3A_166 : vector<1x32xi32>
    %convert_element_type3A_168 = arith.extui %eq3A_167 : vector<1x32xi1> to vector<1x32xi32>
    %convert_element_type3A_169 = arith.sitofp %convert_element_type3A_168 : vector<1x32xi32> to vector<1x32xf32>
    %mul3A_170 = vector.broadcast %convert_element_type3A_169 : vector<1x32xf32> to vector<128x32xf32>
    %mul3A_171 = arith.mulf %broadcast_in_dim3A_29, %mul3A_170 : vector<128x32xf32>
    %dot_general3A_172 = arith.constant dense<0.000000e+00> : vector<512x32xf32>
    %dot_general3A_173 = tpu.matmul %mul3A_164, %mul3A_171, %dot_general3A_172 {dimension_numbers = #tpu.dot_dimension_numbers<[1], [0], [0], [1], [0, 0, 1, 1], [], []>, transpose_lhs_hint = false} : vector<512x128xf32>, vector<128x32xf32>, vector<512x32xf32> -> vector<512x32xf32>
    %add3A_174 = arith.addf %add3A_158, %dot_general3A_173 : vector<512x32xf32>
    %get3A_175 = arith.constant 9 : index
    %get3A_176 = arith.constant 0 : index
    %get3A_177 = arith.constant 0 : index
    %get3A_178 = vector.load %arg3[%get3A_175, %get3A_176, %get3A_177] : memref<32x512x128xf32, #tpu.memory_space<vmem>>, vector<1x512x128xf32>
    %get3A_179 = vector.shape_cast %get3A_178 : vector<1x512x128xf32> to vector<512x128xf32>
    %mul3A_180 = arith.mulf %max3A_20, %get3A_179 : vector<512x128xf32>
    %eq3A_181 = arith.constant 9 : i32
    %eq3A_182 = vector.broadcast %eq3A_181 : i32 to vector<1x32xi32>
    %eq3A_183 = arith.cmpi eq, %iota3A, %eq3A_182 : vector<1x32xi32>
    %convert_element_type3A_184 = arith.extui %eq3A_183 : vector<1x32xi1> to vector<1x32xi32>
    %convert_element_type3A_185 = arith.sitofp %convert_element_type3A_184 : vector<1x32xi32> to vector<1x32xf32>
    %mul3A_186 = vector.broadcast %convert_element_type3A_185 : vector<1x32xf32> to vector<128x32xf32>
    %mul3A_187 = arith.mulf %broadcast_in_dim3A_29, %mul3A_186 : vector<128x32xf32>
    %dot_general3A_188 = arith.constant dense<0.000000e+00> : vector<512x32xf32>
    %dot_general3A_189 = tpu.matmul %mul3A_180, %mul3A_187, %dot_general3A_188 {dimension_numbers = #tpu.dot_dimension_numbers<[1], [0], [0], [1], [0, 0, 1, 1], [], []>, transpose_lhs_hint = false} : vector<512x128xf32>, vector<128x32xf32>, vector<512x32xf32> -> vector<512x32xf32>
    %add3A_190 = arith.addf %add3A_174, %dot_general3A_189 : vector<512x32xf32>
    %get3A_191 = arith.constant 10 : index
    %get3A_192 = arith.constant 0 : index
    %get3A_193 = arith.constant 0 : index
    %get3A_194 = vector.load %arg3[%get3A_191, %get3A_192, %get3A_193] : memref<32x512x128xf32, #tpu.memory_space<vmem>>, vector<1x512x128xf32>
    %get3A_195 = vector.shape_cast %get3A_194 : vector<1x512x128xf32> to vector<512x128xf32>
    %mul3A_196 = arith.mulf %max3A_20, %get3A_195 : vector<512x128xf32>
    %eq3A_197 = arith.constant 10 : i32
    %eq3A_198 = vector.broadcast %eq3A_197 : i32 to vector<1x32xi32>
    %eq3A_199 = arith.cmpi eq, %iota3A, %eq3A_198 : vector<1x32xi32>
    %convert_element_type3A_200 = arith.extui %eq3A_199 : vector<1x32xi1> to vector<1x32xi32>
    %convert_element_type3A_201 = arith.sitofp %convert_element_type3A_200 : vector<1x32xi32> to vector<1x32xf32>
    %mul3A_202 = vector.broadcast %convert_element_type3A_201 : vector<1x32xf32> to vector<128x32xf32>
    %mul3A_203 = arith.mulf %broadcast_in_dim3A_29, %mul3A_202 : vector<128x32xf32>
    %dot_general3A_204 = arith.constant dense<0.000000e+00> : vector<512x32xf32>
    %dot_general3A_205 = tpu.matmul %mul3A_196, %mul3A_203, %dot_general3A_204 {dimension_numbers = #tpu.dot_dimension_numbers<[1], [0], [0], [1], [0, 0, 1, 1], [], []>, transpose_lhs_hint = false} : vector<512x128xf32>, vector<128x32xf32>, vector<512x32xf32> -> vector<512x32xf32>
    %add3A_206 = arith.addf %add3A_190, %dot_general3A_205 : vector<512x32xf32>
    %get3A_207 = arith.constant 11 : index
    %get3A_208 = arith.constant 0 : index
    %get3A_209 = arith.constant 0 : index
    %get3A_210 = vector.load %arg3[%get3A_207, %get3A_208, %get3A_209] : memref<32x512x128xf32, #tpu.memory_space<vmem>>, vector<1x512x128xf32>
    %get3A_211 = vector.shape_cast %get3A_210 : vector<1x512x128xf32> to vector<512x128xf32>
    %mul3A_212 = arith.mulf %max3A_20, %get3A_211 : vector<512x128xf32>
    %eq3A_213 = arith.constant 11 : i32
    %eq3A_214 = vector.broadcast %eq3A_213 : i32 to vector<1x32xi32>
    %eq3A_215 = arith.cmpi eq, %iota3A, %eq3A_214 : vector<1x32xi32>
    %convert_element_type3A_216 = arith.extui %eq3A_215 : vector<1x32xi1> to vector<1x32xi32>
    %convert_element_type3A_217 = arith.sitofp %convert_element_type3A_216 : vector<1x32xi32> to vector<1x32xf32>
    %mul3A_218 = vector.broadcast %convert_element_type3A_217 : vector<1x32xf32> to vector<128x32xf32>
    %mul3A_219 = arith.mulf %broadcast_in_dim3A_29, %mul3A_218 : vector<128x32xf32>
    %dot_general3A_220 = arith.constant dense<0.000000e+00> : vector<512x32xf32>
    %dot_general3A_221 = tpu.matmul %mul3A_212, %mul3A_219, %dot_general3A_220 {dimension_numbers = #tpu.dot_dimension_numbers<[1], [0], [0], [1], [0, 0, 1, 1], [], []>, transpose_lhs_hint = false} : vector<512x128xf32>, vector<128x32xf32>, vector<512x32xf32> -> vector<512x32xf32>
    %add3A_222 = arith.addf %add3A_206, %dot_general3A_221 : vector<512x32xf32>
    %get3A_223 = arith.constant 12 : index
    %get3A_224 = arith.constant 0 : index
    %get3A_225 = arith.constant 0 : index
    %get3A_226 = vector.load %arg3[%get3A_223, %get3A_224, %get3A_225] : memref<32x512x128xf32, #tpu.memory_space<vmem>>, vector<1x512x128xf32>
    %get3A_227 = vector.shape_cast %get3A_226 : vector<1x512x128xf32> to vector<512x128xf32>
    %mul3A_228 = arith.mulf %max3A_20, %get3A_227 : vector<512x128xf32>
    %eq3A_229 = arith.constant 12 : i32
    %eq3A_230 = vector.broadcast %eq3A_229 : i32 to vector<1x32xi32>
    %eq3A_231 = arith.cmpi eq, %iota3A, %eq3A_230 : vector<1x32xi32>
    %convert_element_type3A_232 = arith.extui %eq3A_231 : vector<1x32xi1> to vector<1x32xi32>
    %convert_element_type3A_233 = arith.sitofp %convert_element_type3A_232 : vector<1x32xi32> to vector<1x32xf32>
    %mul3A_234 = vector.broadcast %convert_element_type3A_233 : vector<1x32xf32> to vector<128x32xf32>
    %mul3A_235 = arith.mulf %broadcast_in_dim3A_29, %mul3A_234 : vector<128x32xf32>
    %dot_general3A_236 = arith.constant dense<0.000000e+00> : vector<512x32xf32>
    %dot_general3A_237 = tpu.matmul %mul3A_228, %mul3A_235, %dot_general3A_236 {dimension_numbers = #tpu.dot_dimension_numbers<[1], [0], [0], [1], [0, 0, 1, 1], [], []>, transpose_lhs_hint = false} : vector<512x128xf32>, vector<128x32xf32>, vector<512x32xf32> -> vector<512x32xf32>
    %add3A_238 = arith.addf %add3A_222, %dot_general3A_237 : vector<512x32xf32>
    %get3A_239 = arith.constant 13 : index
    %get3A_240 = arith.constant 0 : index
    %get3A_241 = arith.constant 0 : index
    %get3A_242 = vector.load %arg3[%get3A_239, %get3A_240, %get3A_241] : memref<32x512x128xf32, #tpu.memory_space<vmem>>, vector<1x512x128xf32>
    %get3A_243 = vector.shape_cast %get3A_242 : vector<1x512x128xf32> to vector<512x128xf32>
    %mul3A_244 = arith.mulf %max3A_20, %get3A_243 : vector<512x128xf32>
    %eq3A_245 = arith.constant 13 : i32
    %eq3A_246 = vector.broadcast %eq3A_245 : i32 to vector<1x32xi32>
    %eq3A_247 = arith.cmpi eq, %iota3A, %eq3A_246 : vector<1x32xi32>
    %convert_element_type3A_248 = arith.extui %eq3A_247 : vector<1x32xi1> to vector<1x32xi32>
    %convert_element_type3A_249 = arith.sitofp %convert_element_type3A_248 : vector<1x32xi32> to vector<1x32xf32>
    %mul3A_250 = vector.broadcast %convert_element_type3A_249 : vector<1x32xf32> to vector<128x32xf32>
    %mul3A_251 = arith.mulf %broadcast_in_dim3A_29, %mul3A_250 : vector<128x32xf32>
    %dot_general3A_252 = arith.constant dense<0.000000e+00> : vector<512x32xf32>
    %dot_general3A_253 = tpu.matmul %mul3A_244, %mul3A_251, %dot_general3A_252 {dimension_numbers = #tpu.dot_dimension_numbers<[1], [0], [0], [1], [0, 0, 1, 1], [], []>, transpose_lhs_hint = false} : vector<512x128xf32>, vector<128x32xf32>, vector<512x32xf32> -> vector<512x32xf32>
    %add3A_254 = arith.addf %add3A_238, %dot_general3A_253 : vector<512x32xf32>
    %get3A_255 = arith.constant 14 : index
    %get3A_256 = arith.constant 0 : index
    %get3A_257 = arith.constant 0 : index
    %get3A_258 = vector.load %arg3[%get3A_255, %get3A_256, %get3A_257] : memref<32x512x128xf32, #tpu.memory_space<vmem>>, vector<1x512x128xf32>
    %get3A_259 = vector.shape_cast %get3A_258 : vector<1x512x128xf32> to vector<512x128xf32>
    %mul3A_260 = arith.mulf %max3A_20, %get3A_259 : vector<512x128xf32>
    %eq3A_261 = arith.constant 14 : i32
    %eq3A_262 = vector.broadcast %eq3A_261 : i32 to vector<1x32xi32>
    %eq3A_263 = arith.cmpi eq, %iota3A, %eq3A_262 : vector<1x32xi32>
    %convert_element_type3A_264 = arith.extui %eq3A_263 : vector<1x32xi1> to vector<1x32xi32>
    %convert_element_type3A_265 = arith.sitofp %convert_element_type3A_264 : vector<1x32xi32> to vector<1x32xf32>
    %mul3A_266 = vector.broadcast %convert_element_type3A_265 : vector<1x32xf32> to vector<128x32xf32>
    %mul3A_267 = arith.mulf %broadcast_in_dim3A_29, %mul3A_266 : vector<128x32xf32>
    %dot_general3A_268 = arith.constant dense<0.000000e+00> : vector<512x32xf32>
    %dot_general3A_269 = tpu.matmul %mul3A_260, %mul3A_267, %dot_general3A_268 {dimension_numbers = #tpu.dot_dimension_numbers<[1], [0], [0], [1], [0, 0, 1, 1], [], []>, transpose_lhs_hint = false} : vector<512x128xf32>, vector<128x32xf32>, vector<512x32xf32> -> vector<512x32xf32>
    %add3A_270 = arith.addf %add3A_254, %dot_general3A_269 : vector<512x32xf32>
    %get3A_271 = arith.constant 15 : index
    %get3A_272 = arith.constant 0 : index
    %get3A_273 = arith.constant 0 : index
    %get3A_274 = vector.load %arg3[%get3A_271, %get3A_272, %get3A_273] : memref<32x512x128xf32, #tpu.memory_space<vmem>>, vector<1x512x128xf32>
    %get3A_275 = vector.shape_cast %get3A_274 : vector<1x512x128xf32> to vector<512x128xf32>
    %mul3A_276 = arith.mulf %max3A_20, %get3A_275 : vector<512x128xf32>
    %eq3A_277 = arith.constant 15 : i32
    %eq3A_278 = vector.broadcast %eq3A_277 : i32 to vector<1x32xi32>
    %eq3A_279 = arith.cmpi eq, %iota3A, %eq3A_278 : vector<1x32xi32>
    %convert_element_type3A_280 = arith.extui %eq3A_279 : vector<1x32xi1> to vector<1x32xi32>
    %convert_element_type3A_281 = arith.sitofp %convert_element_type3A_280 : vector<1x32xi32> to vector<1x32xf32>
    %mul3A_282 = vector.broadcast %convert_element_type3A_281 : vector<1x32xf32> to vector<128x32xf32>
    %mul3A_283 = arith.mulf %broadcast_in_dim3A_29, %mul3A_282 : vector<128x32xf32>
    %dot_general3A_284 = arith.constant dense<0.000000e+00> : vector<512x32xf32>
    %dot_general3A_285 = tpu.matmul %mul3A_276, %mul3A_283, %dot_general3A_284 {dimension_numbers = #tpu.dot_dimension_numbers<[1], [0], [0], [1], [0, 0, 1, 1], [], []>, transpose_lhs_hint = false} : vector<512x128xf32>, vector<128x32xf32>, vector<512x32xf32> -> vector<512x32xf32>
    %add3A_286 = arith.addf %add3A_270, %dot_general3A_285 : vector<512x32xf32>
    %get3A_287 = arith.constant 16 : index
    %get3A_288 = arith.constant 0 : index
    %get3A_289 = arith.constant 0 : index
    %get3A_290 = vector.load %arg3[%get3A_287, %get3A_288, %get3A_289] : memref<32x512x128xf32, #tpu.memory_space<vmem>>, vector<1x512x128xf32>
    %get3A_291 = vector.shape_cast %get3A_290 : vector<1x512x128xf32> to vector<512x128xf32>
    %mul3A_292 = arith.mulf %max3A_20, %get3A_291 : vector<512x128xf32>
    %eq3A_293 = arith.constant 16 : i32
    %eq3A_294 = vector.broadcast %eq3A_293 : i32 to vector<1x32xi32>
    %eq3A_295 = arith.cmpi eq, %iota3A, %eq3A_294 : vector<1x32xi32>
    %convert_element_type3A_296 = arith.extui %eq3A_295 : vector<1x32xi1> to vector<1x32xi32>
    %convert_element_type3A_297 = arith.sitofp %convert_element_type3A_296 : vector<1x32xi32> to vector<1x32xf32>
    %mul3A_298 = vector.broadcast %convert_element_type3A_297 : vector<1x32xf32> to vector<128x32xf32>
    %mul3A_299 = arith.mulf %broadcast_in_dim3A_29, %mul3A_298 : vector<128x32xf32>
    %dot_general3A_300 = arith.constant dense<0.000000e+00> : vector<512x32xf32>
    %dot_general3A_301 = tpu.matmul %mul3A_292, %mul3A_299, %dot_general3A_300 {dimension_numbers = #tpu.dot_dimension_numbers<[1], [0], [0], [1], [0, 0, 1, 1], [], []>, transpose_lhs_hint = false} : vector<512x128xf32>, vector<128x32xf32>, vector<512x32xf32> -> vector<512x32xf32>
    %add3A_302 = arith.addf %add3A_286, %dot_general3A_301 : vector<512x32xf32>
    %get3A_303 = arith.constant 17 : index
    %get3A_304 = arith.constant 0 : index
    %get3A_305 = arith.constant 0 : index
    %get3A_306 = vector.load %arg3[%get3A_303, %get3A_304, %get3A_305] : memref<32x512x128xf32, #tpu.memory_space<vmem>>, vector<1x512x128xf32>
    %get3A_307 = vector.shape_cast %get3A_306 : vector<1x512x128xf32> to vector<512x128xf32>
    %mul3A_308 = arith.mulf %max3A_20, %get3A_307 : vector<512x128xf32>
    %eq3A_309 = arith.constant 17 : i32
    %eq3A_310 = vector.broadcast %eq3A_309 : i32 to vector<1x32xi32>
    %eq3A_311 = arith.cmpi eq, %iota3A, %eq3A_310 : vector<1x32xi32>
    %convert_element_type3A_312 = arith.extui %eq3A_311 : vector<1x32xi1> to vector<1x32xi32>
    %convert_element_type3A_313 = arith.sitofp %convert_element_type3A_312 : vector<1x32xi32> to vector<1x32xf32>
    %mul3A_314 = vector.broadcast %convert_element_type3A_313 : vector<1x32xf32> to vector<128x32xf32>
    %mul3A_315 = arith.mulf %broadcast_in_dim3A_29, %mul3A_314 : vector<128x32xf32>
    %dot_general3A_316 = arith.constant dense<0.000000e+00> : vector<512x32xf32>
    %dot_general3A_317 = tpu.matmul %mul3A_308, %mul3A_315, %dot_general3A_316 {dimension_numbers = #tpu.dot_dimension_numbers<[1], [0], [0], [1], [0, 0, 1, 1], [], []>, transpose_lhs_hint = false} : vector<512x128xf32>, vector<128x32xf32>, vector<512x32xf32> -> vector<512x32xf32>
    %add3A_318 = arith.addf %add3A_302, %dot_general3A_317 : vector<512x32xf32>
    %get3A_319 = arith.constant 18 : index
    %get3A_320 = arith.constant 0 : index
    %get3A_321 = arith.constant 0 : index
    %get3A_322 = vector.load %arg3[%get3A_319, %get3A_320, %get3A_321] : memref<32x512x128xf32, #tpu.memory_space<vmem>>, vector<1x512x128xf32>
    %get3A_323 = vector.shape_cast %get3A_322 : vector<1x512x128xf32> to vector<512x128xf32>
    %mul3A_324 = arith.mulf %max3A_20, %get3A_323 : vector<512x128xf32>
    %eq3A_325 = arith.constant 18 : i32
    %eq3A_326 = vector.broadcast %eq3A_325 : i32 to vector<1x32xi32>
    %eq3A_327 = arith.cmpi eq, %iota3A, %eq3A_326 : vector<1x32xi32>
    %convert_element_type3A_328 = arith.extui %eq3A_327 : vector<1x32xi1> to vector<1x32xi32>
    %convert_element_type3A_329 = arith.sitofp %convert_element_type3A_328 : vector<1x32xi32> to vector<1x32xf32>
    %mul3A_330 = vector.broadcast %convert_element_type3A_329 : vector<1x32xf32> to vector<128x32xf32>
    %mul3A_331 = arith.mulf %broadcast_in_dim3A_29, %mul3A_330 : vector<128x32xf32>
    %dot_general3A_332 = arith.constant dense<0.000000e+00> : vector<512x32xf32>
    %dot_general3A_333 = tpu.matmul %mul3A_324, %mul3A_331, %dot_general3A_332 {dimension_numbers = #tpu.dot_dimension_numbers<[1], [0], [0], [1], [0, 0, 1, 1], [], []>, transpose_lhs_hint = false} : vector<512x128xf32>, vector<128x32xf32>, vector<512x32xf32> -> vector<512x32xf32>
    %add3A_334 = arith.addf %add3A_318, %dot_general3A_333 : vector<512x32xf32>
    %get3A_335 = arith.constant 19 : index
    %get3A_336 = arith.constant 0 : index
    %get3A_337 = arith.constant 0 : index
    %get3A_338 = vector.load %arg3[%get3A_335, %get3A_336, %get3A_337] : memref<32x512x128xf32, #tpu.memory_space<vmem>>, vector<1x512x128xf32>
    %get3A_339 = vector.shape_cast %get3A_338 : vector<1x512x128xf32> to vector<512x128xf32>
    %mul3A_340 = arith.mulf %max3A_20, %get3A_339 : vector<512x128xf32>
    %eq3A_341 = arith.constant 19 : i32
    %eq3A_342 = vector.broadcast %eq3A_341 : i32 to vector<1x32xi32>
    %eq3A_343 = arith.cmpi eq, %iota3A, %eq3A_342 : vector<1x32xi32>
    %convert_element_type3A_344 = arith.extui %eq3A_343 : vector<1x32xi1> to vector<1x32xi32>
    %convert_element_type3A_345 = arith.sitofp %convert_element_type3A_344 : vector<1x32xi32> to vector<1x32xf32>
    %mul3A_346 = vector.broadcast %convert_element_type3A_345 : vector<1x32xf32> to vector<128x32xf32>
    %mul3A_347 = arith.mulf %broadcast_in_dim3A_29, %mul3A_346 : vector<128x32xf32>
    %dot_general3A_348 = arith.constant dense<0.000000e+00> : vector<512x32xf32>
    %dot_general3A_349 = tpu.matmul %mul3A_340, %mul3A_347, %dot_general3A_348 {dimension_numbers = #tpu.dot_dimension_numbers<[1], [0], [0], [1], [0, 0, 1, 1], [], []>, transpose_lhs_hint = false} : vector<512x128xf32>, vector<128x32xf32>, vector<512x32xf32> -> vector<512x32xf32>
    %add3A_350 = arith.addf %add3A_334, %dot_general3A_349 : vector<512x32xf32>
    %get3A_351 = arith.constant 20 : index
    %get3A_352 = arith.constant 0 : index
    %get3A_353 = arith.constant 0 : index
    %get3A_354 = vector.load %arg3[%get3A_351, %get3A_352, %get3A_353] : memref<32x512x128xf32, #tpu.memory_space<vmem>>, vector<1x512x128xf32>
    %get3A_355 = vector.shape_cast %get3A_354 : vector<1x512x128xf32> to vector<512x128xf32>
    %mul3A_356 = arith.mulf %max3A_20, %get3A_355 : vector<512x128xf32>
    %eq3A_357 = arith.constant 20 : i32
    %eq3A_358 = vector.broadcast %eq3A_357 : i32 to vector<1x32xi32>
    %eq3A_359 = arith.cmpi eq, %iota3A, %eq3A_358 : vector<1x32xi32>
    %convert_element_type3A_360 = arith.extui %eq3A_359 : vector<1x32xi1> to vector<1x32xi32>
    %convert_element_type3A_361 = arith.sitofp %convert_element_type3A_360 : vector<1x32xi32> to vector<1x32xf32>
    %mul3A_362 = vector.broadcast %convert_element_type3A_361 : vector<1x32xf32> to vector<128x32xf32>
    %mul3A_363 = arith.mulf %broadcast_in_dim3A_29, %mul3A_362 : vector<128x32xf32>
    %dot_general3A_364 = arith.constant dense<0.000000e+00> : vector<512x32xf32>
    %dot_general3A_365 = tpu.matmul %mul3A_356, %mul3A_363, %dot_general3A_364 {dimension_numbers = #tpu.dot_dimension_numbers<[1], [0], [0], [1], [0, 0, 1, 1], [], []>, transpose_lhs_hint = false} : vector<512x128xf32>, vector<128x32xf32>, vector<512x32xf32> -> vector<512x32xf32>
    %add3A_366 = arith.addf %add3A_350, %dot_general3A_365 : vector<512x32xf32>
    %get3A_367 = arith.constant 21 : index
    %get3A_368 = arith.constant 0 : index
    %get3A_369 = arith.constant 0 : index
    %get3A_370 = vector.load %arg3[%get3A_367, %get3A_368, %get3A_369] : memref<32x512x128xf32, #tpu.memory_space<vmem>>, vector<1x512x128xf32>
    %get3A_371 = vector.shape_cast %get3A_370 : vector<1x512x128xf32> to vector<512x128xf32>
    %mul3A_372 = arith.mulf %max3A_20, %get3A_371 : vector<512x128xf32>
    %eq3A_373 = arith.constant 21 : i32
    %eq3A_374 = vector.broadcast %eq3A_373 : i32 to vector<1x32xi32>
    %eq3A_375 = arith.cmpi eq, %iota3A, %eq3A_374 : vector<1x32xi32>
    %convert_element_type3A_376 = arith.extui %eq3A_375 : vector<1x32xi1> to vector<1x32xi32>
    %convert_element_type3A_377 = arith.sitofp %convert_element_type3A_376 : vector<1x32xi32> to vector<1x32xf32>
    %mul3A_378 = vector.broadcast %convert_element_type3A_377 : vector<1x32xf32> to vector<128x32xf32>
    %mul3A_379 = arith.mulf %broadcast_in_dim3A_29, %mul3A_378 : vector<128x32xf32>
    %dot_general3A_380 = arith.constant dense<0.000000e+00> : vector<512x32xf32>
    %dot_general3A_381 = tpu.matmul %mul3A_372, %mul3A_379, %dot_general3A_380 {dimension_numbers = #tpu.dot_dimension_numbers<[1], [0], [0], [1], [0, 0, 1, 1], [], []>, transpose_lhs_hint = false} : vector<512x128xf32>, vector<128x32xf32>, vector<512x32xf32> -> vector<512x32xf32>
    %add3A_382 = arith.addf %add3A_366, %dot_general3A_381 : vector<512x32xf32>
    %get3A_383 = arith.constant 22 : index
    %get3A_384 = arith.constant 0 : index
    %get3A_385 = arith.constant 0 : index
    %get3A_386 = vector.load %arg3[%get3A_383, %get3A_384, %get3A_385] : memref<32x512x128xf32, #tpu.memory_space<vmem>>, vector<1x512x128xf32>
    %get3A_387 = vector.shape_cast %get3A_386 : vector<1x512x128xf32> to vector<512x128xf32>
    %mul3A_388 = arith.mulf %max3A_20, %get3A_387 : vector<512x128xf32>
    %eq3A_389 = arith.constant 22 : i32
    %eq3A_390 = vector.broadcast %eq3A_389 : i32 to vector<1x32xi32>
    %eq3A_391 = arith.cmpi eq, %iota3A, %eq3A_390 : vector<1x32xi32>
    %convert_element_type3A_392 = arith.extui %eq3A_391 : vector<1x32xi1> to vector<1x32xi32>
    %convert_element_type3A_393 = arith.sitofp %convert_element_type3A_392 : vector<1x32xi32> to vector<1x32xf32>
    %mul3A_394 = vector.broadcast %convert_element_type3A_393 : vector<1x32xf32> to vector<128x32xf32>
    %mul3A_395 = arith.mulf %broadcast_in_dim3A_29, %mul3A_394 : vector<128x32xf32>
    %dot_general3A_396 = arith.constant dense<0.000000e+00> : vector<512x32xf32>
    %dot_general3A_397 = tpu.matmul %mul3A_388, %mul3A_395, %dot_general3A_396 {dimension_numbers = #tpu.dot_dimension_numbers<[1], [0], [0], [1], [0, 0, 1, 1], [], []>, transpose_lhs_hint = false} : vector<512x128xf32>, vector<128x32xf32>, vector<512x32xf32> -> vector<512x32xf32>
    %add3A_398 = arith.addf %add3A_382, %dot_general3A_397 : vector<512x32xf32>
    %get3A_399 = arith.constant 23 : index
    %get3A_400 = arith.constant 0 : index
    %get3A_401 = arith.constant 0 : index
    %get3A_402 = vector.load %arg3[%get3A_399, %get3A_400, %get3A_401] : memref<32x512x128xf32, #tpu.memory_space<vmem>>, vector<1x512x128xf32>
    %get3A_403 = vector.shape_cast %get3A_402 : vector<1x512x128xf32> to vector<512x128xf32>
    %mul3A_404 = arith.mulf %max3A_20, %get3A_403 : vector<512x128xf32>
    %eq3A_405 = arith.constant 23 : i32
    %eq3A_406 = vector.broadcast %eq3A_405 : i32 to vector<1x32xi32>
    %eq3A_407 = arith.cmpi eq, %iota3A, %eq3A_406 : vector<1x32xi32>
    %convert_element_type3A_408 = arith.extui %eq3A_407 : vector<1x32xi1> to vector<1x32xi32>
    %convert_element_type3A_409 = arith.sitofp %convert_element_type3A_408 : vector<1x32xi32> to vector<1x32xf32>
    %mul3A_410 = vector.broadcast %convert_element_type3A_409 : vector<1x32xf32> to vector<128x32xf32>
    %mul3A_411 = arith.mulf %broadcast_in_dim3A_29, %mul3A_410 : vector<128x32xf32>
    %dot_general3A_412 = arith.constant dense<0.000000e+00> : vector<512x32xf32>
    %dot_general3A_413 = tpu.matmul %mul3A_404, %mul3A_411, %dot_general3A_412 {dimension_numbers = #tpu.dot_dimension_numbers<[1], [0], [0], [1], [0, 0, 1, 1], [], []>, transpose_lhs_hint = false} : vector<512x128xf32>, vector<128x32xf32>, vector<512x32xf32> -> vector<512x32xf32>
    %add3A_414 = arith.addf %add3A_398, %dot_general3A_413 : vector<512x32xf32>
    %get3A_415 = arith.constant 24 : index
    %get3A_416 = arith.constant 0 : index
    %get3A_417 = arith.constant 0 : index
    %get3A_418 = vector.load %arg3[%get3A_415, %get3A_416, %get3A_417] : memref<32x512x128xf32, #tpu.memory_space<vmem>>, vector<1x512x128xf32>
    %get3A_419 = vector.shape_cast %get3A_418 : vector<1x512x128xf32> to vector<512x128xf32>
    %mul3A_420 = arith.mulf %max3A_20, %get3A_419 : vector<512x128xf32>
    %eq3A_421 = arith.constant 24 : i32
    %eq3A_422 = vector.broadcast %eq3A_421 : i32 to vector<1x32xi32>
    %eq3A_423 = arith.cmpi eq, %iota3A, %eq3A_422 : vector<1x32xi32>
    %convert_element_type3A_424 = arith.extui %eq3A_423 : vector<1x32xi1> to vector<1x32xi32>
    %convert_element_type3A_425 = arith.sitofp %convert_element_type3A_424 : vector<1x32xi32> to vector<1x32xf32>
    %mul3A_426 = vector.broadcast %convert_element_type3A_425 : vector<1x32xf32> to vector<128x32xf32>
    %mul3A_427 = arith.mulf %broadcast_in_dim3A_29, %mul3A_426 : vector<128x32xf32>
    %dot_general3A_428 = arith.constant dense<0.000000e+00> : vector<512x32xf32>
    %dot_general3A_429 = tpu.matmul %mul3A_420, %mul3A_427, %dot_general3A_428 {dimension_numbers = #tpu.dot_dimension_numbers<[1], [0], [0], [1], [0, 0, 1, 1], [], []>, transpose_lhs_hint = false} : vector<512x128xf32>, vector<128x32xf32>, vector<512x32xf32> -> vector<512x32xf32>
    %add3A_430 = arith.addf %add3A_414, %dot_general3A_429 : vector<512x32xf32>
    %get3A_431 = arith.constant 25 : index
    %get3A_432 = arith.constant 0 : index
    %get3A_433 = arith.constant 0 : index
    %get3A_434 = vector.load %arg3[%get3A_431, %get3A_432, %get3A_433] : memref<32x512x128xf32, #tpu.memory_space<vmem>>, vector<1x512x128xf32>
    %get3A_435 = vector.shape_cast %get3A_434 : vector<1x512x128xf32> to vector<512x128xf32>
    %mul3A_436 = arith.mulf %max3A_20, %get3A_435 : vector<512x128xf32>
    %eq3A_437 = arith.constant 25 : i32
    %eq3A_438 = vector.broadcast %eq3A_437 : i32 to vector<1x32xi32>
    %eq3A_439 = arith.cmpi eq, %iota3A, %eq3A_438 : vector<1x32xi32>
    %convert_element_type3A_440 = arith.extui %eq3A_439 : vector<1x32xi1> to vector<1x32xi32>
    %convert_element_type3A_441 = arith.sitofp %convert_element_type3A_440 : vector<1x32xi32> to vector<1x32xf32>
    %mul3A_442 = vector.broadcast %convert_element_type3A_441 : vector<1x32xf32> to vector<128x32xf32>
    %mul3A_443 = arith.mulf %broadcast_in_dim3A_29, %mul3A_442 : vector<128x32xf32>
    %dot_general3A_444 = arith.constant dense<0.000000e+00> : vector<512x32xf32>
    %dot_general3A_445 = tpu.matmul %mul3A_436, %mul3A_443, %dot_general3A_444 {dimension_numbers = #tpu.dot_dimension_numbers<[1], [0], [0], [1], [0, 0, 1, 1], [], []>, transpose_lhs_hint = false} : vector<512x128xf32>, vector<128x32xf32>, vector<512x32xf32> -> vector<512x32xf32>
    %add3A_446 = arith.addf %add3A_430, %dot_general3A_445 : vector<512x32xf32>
    %get3A_447 = arith.constant 26 : index
    %get3A_448 = arith.constant 0 : index
    %get3A_449 = arith.constant 0 : index
    %get3A_450 = vector.load %arg3[%get3A_447, %get3A_448, %get3A_449] : memref<32x512x128xf32, #tpu.memory_space<vmem>>, vector<1x512x128xf32>
    %get3A_451 = vector.shape_cast %get3A_450 : vector<1x512x128xf32> to vector<512x128xf32>
    %mul3A_452 = arith.mulf %max3A_20, %get3A_451 : vector<512x128xf32>
    %eq3A_453 = arith.constant 26 : i32
    %eq3A_454 = vector.broadcast %eq3A_453 : i32 to vector<1x32xi32>
    %eq3A_455 = arith.cmpi eq, %iota3A, %eq3A_454 : vector<1x32xi32>
    %convert_element_type3A_456 = arith.extui %eq3A_455 : vector<1x32xi1> to vector<1x32xi32>
    %convert_element_type3A_457 = arith.sitofp %convert_element_type3A_456 : vector<1x32xi32> to vector<1x32xf32>
    %mul3A_458 = vector.broadcast %convert_element_type3A_457 : vector<1x32xf32> to vector<128x32xf32>
    %mul3A_459 = arith.mulf %broadcast_in_dim3A_29, %mul3A_458 : vector<128x32xf32>
    %dot_general3A_460 = arith.constant dense<0.000000e+00> : vector<512x32xf32>
    %dot_general3A_461 = tpu.matmul %mul3A_452, %mul3A_459, %dot_general3A_460 {dimension_numbers = #tpu.dot_dimension_numbers<[1], [0], [0], [1], [0, 0, 1, 1], [], []>, transpose_lhs_hint = false} : vector<512x128xf32>, vector<128x32xf32>, vector<512x32xf32> -> vector<512x32xf32>
    %add3A_462 = arith.addf %add3A_446, %dot_general3A_461 : vector<512x32xf32>
    %get3A_463 = arith.constant 27 : index
    %get3A_464 = arith.constant 0 : index
    %get3A_465 = arith.constant 0 : index
    %get3A_466 = vector.load %arg3[%get3A_463, %get3A_464, %get3A_465] : memref<32x512x128xf32, #tpu.memory_space<vmem>>, vector<1x512x128xf32>
    %get3A_467 = vector.shape_cast %get3A_466 : vector<1x512x128xf32> to vector<512x128xf32>
    %mul3A_468 = arith.mulf %max3A_20, %get3A_467 : vector<512x128xf32>
    %eq3A_469 = arith.constant 27 : i32
    %eq3A_470 = vector.broadcast %eq3A_469 : i32 to vector<1x32xi32>
    %eq3A_471 = arith.cmpi eq, %iota3A, %eq3A_470 : vector<1x32xi32>
    %convert_element_type3A_472 = arith.extui %eq3A_471 : vector<1x32xi1> to vector<1x32xi32>
    %convert_element_type3A_473 = arith.sitofp %convert_element_type3A_472 : vector<1x32xi32> to vector<1x32xf32>
    %mul3A_474 = vector.broadcast %convert_element_type3A_473 : vector<1x32xf32> to vector<128x32xf32>
    %mul3A_475 = arith.mulf %broadcast_in_dim3A_29, %mul3A_474 : vector<128x32xf32>
    %dot_general3A_476 = arith.constant dense<0.000000e+00> : vector<512x32xf32>
    %dot_general3A_477 = tpu.matmul %mul3A_468, %mul3A_475, %dot_general3A_476 {dimension_numbers = #tpu.dot_dimension_numbers<[1], [0], [0], [1], [0, 0, 1, 1], [], []>, transpose_lhs_hint = false} : vector<512x128xf32>, vector<128x32xf32>, vector<512x32xf32> -> vector<512x32xf32>
    %add3A_478 = arith.addf %add3A_462, %dot_general3A_477 : vector<512x32xf32>
    %get3A_479 = arith.constant 28 : index
    %get3A_480 = arith.constant 0 : index
    %get3A_481 = arith.constant 0 : index
    %get3A_482 = vector.load %arg3[%get3A_479, %get3A_480, %get3A_481] : memref<32x512x128xf32, #tpu.memory_space<vmem>>, vector<1x512x128xf32>
    %get3A_483 = vector.shape_cast %get3A_482 : vector<1x512x128xf32> to vector<512x128xf32>
    %mul3A_484 = arith.mulf %max3A_20, %get3A_483 : vector<512x128xf32>
    %eq3A_485 = arith.constant 28 : i32
    %eq3A_486 = vector.broadcast %eq3A_485 : i32 to vector<1x32xi32>
    %eq3A_487 = arith.cmpi eq, %iota3A, %eq3A_486 : vector<1x32xi32>
    %convert_element_type3A_488 = arith.extui %eq3A_487 : vector<1x32xi1> to vector<1x32xi32>
    %convert_element_type3A_489 = arith.sitofp %convert_element_type3A_488 : vector<1x32xi32> to vector<1x32xf32>
    %mul3A_490 = vector.broadcast %convert_element_type3A_489 : vector<1x32xf32> to vector<128x32xf32>
    %mul3A_491 = arith.mulf %broadcast_in_dim3A_29, %mul3A_490 : vector<128x32xf32>
    %dot_general3A_492 = arith.constant dense<0.000000e+00> : vector<512x32xf32>
    %dot_general3A_493 = tpu.matmul %mul3A_484, %mul3A_491, %dot_general3A_492 {dimension_numbers = #tpu.dot_dimension_numbers<[1], [0], [0], [1], [0, 0, 1, 1], [], []>, transpose_lhs_hint = false} : vector<512x128xf32>, vector<128x32xf32>, vector<512x32xf32> -> vector<512x32xf32>
    %add3A_494 = arith.addf %add3A_478, %dot_general3A_493 : vector<512x32xf32>
    %get3A_495 = arith.constant 29 : index
    %get3A_496 = arith.constant 0 : index
    %get3A_497 = arith.constant 0 : index
    %get3A_498 = vector.load %arg3[%get3A_495, %get3A_496, %get3A_497] : memref<32x512x128xf32, #tpu.memory_space<vmem>>, vector<1x512x128xf32>
    %get3A_499 = vector.shape_cast %get3A_498 : vector<1x512x128xf32> to vector<512x128xf32>
    %mul3A_500 = arith.mulf %max3A_20, %get3A_499 : vector<512x128xf32>
    %eq3A_501 = arith.constant 29 : i32
    %eq3A_502 = vector.broadcast %eq3A_501 : i32 to vector<1x32xi32>
    %eq3A_503 = arith.cmpi eq, %iota3A, %eq3A_502 : vector<1x32xi32>
    %convert_element_type3A_504 = arith.extui %eq3A_503 : vector<1x32xi1> to vector<1x32xi32>
    %convert_element_type3A_505 = arith.sitofp %convert_element_type3A_504 : vector<1x32xi32> to vector<1x32xf32>
    %mul3A_506 = vector.broadcast %convert_element_type3A_505 : vector<1x32xf32> to vector<128x32xf32>
    %mul3A_507 = arith.mulf %broadcast_in_dim3A_29, %mul3A_506 : vector<128x32xf32>
    %dot_general3A_508 = arith.constant dense<0.000000e+00> : vector<512x32xf32>
    %dot_general3A_509 = tpu.matmul %mul3A_500, %mul3A_507, %dot_general3A_508 {dimension_numbers = #tpu.dot_dimension_numbers<[1], [0], [0], [1], [0, 0, 1, 1], [], []>, transpose_lhs_hint = false} : vector<512x128xf32>, vector<128x32xf32>, vector<512x32xf32> -> vector<512x32xf32>
    %add3A_510 = arith.addf %add3A_494, %dot_general3A_509 : vector<512x32xf32>
    %get3A_511 = arith.constant 30 : index
    %get3A_512 = arith.constant 0 : index
    %get3A_513 = arith.constant 0 : index
    %get3A_514 = vector.load %arg3[%get3A_511, %get3A_512, %get3A_513] : memref<32x512x128xf32, #tpu.memory_space<vmem>>, vector<1x512x128xf32>
    %get3A_515 = vector.shape_cast %get3A_514 : vector<1x512x128xf32> to vector<512x128xf32>
    %mul3A_516 = arith.mulf %max3A_20, %get3A_515 : vector<512x128xf32>
    %eq3A_517 = arith.constant 30 : i32
    %eq3A_518 = vector.broadcast %eq3A_517 : i32 to vector<1x32xi32>
    %eq3A_519 = arith.cmpi eq, %iota3A, %eq3A_518 : vector<1x32xi32>
    %convert_element_type3A_520 = arith.extui %eq3A_519 : vector<1x32xi1> to vector<1x32xi32>
    %convert_element_type3A_521 = arith.sitofp %convert_element_type3A_520 : vector<1x32xi32> to vector<1x32xf32>
    %mul3A_522 = vector.broadcast %convert_element_type3A_521 : vector<1x32xf32> to vector<128x32xf32>
    %mul3A_523 = arith.mulf %broadcast_in_dim3A_29, %mul3A_522 : vector<128x32xf32>
    %dot_general3A_524 = arith.constant dense<0.000000e+00> : vector<512x32xf32>
    %dot_general3A_525 = tpu.matmul %mul3A_516, %mul3A_523, %dot_general3A_524 {dimension_numbers = #tpu.dot_dimension_numbers<[1], [0], [0], [1], [0, 0, 1, 1], [], []>, transpose_lhs_hint = false} : vector<512x128xf32>, vector<128x32xf32>, vector<512x32xf32> -> vector<512x32xf32>
    %add3A_526 = arith.addf %add3A_510, %dot_general3A_525 : vector<512x32xf32>
    %get3A_527 = arith.constant 31 : index
    %get3A_528 = arith.constant 0 : index
    %get3A_529 = arith.constant 0 : index
    %get3A_530 = vector.load %arg3[%get3A_527, %get3A_528, %get3A_529] : memref<32x512x128xf32, #tpu.memory_space<vmem>>, vector<1x512x128xf32>
    %get3A_531 = vector.shape_cast %get3A_530 : vector<1x512x128xf32> to vector<512x128xf32>
    %mul3A_532 = arith.mulf %max3A_20, %get3A_531 : vector<512x128xf32>
    %eq3A_533 = arith.constant 31 : i32
    %eq3A_534 = vector.broadcast %eq3A_533 : i32 to vector<1x32xi32>
    %eq3A_535 = arith.cmpi eq, %iota3A, %eq3A_534 : vector<1x32xi32>
    %convert_element_type3A_536 = arith.extui %eq3A_535 : vector<1x32xi1> to vector<1x32xi32>
    %convert_element_type3A_537 = arith.sitofp %convert_element_type3A_536 : vector<1x32xi32> to vector<1x32xf32>
    %mul3A_538 = vector.broadcast %convert_element_type3A_537 : vector<1x32xf32> to vector<128x32xf32>
    %mul3A_539 = arith.mulf %broadcast_in_dim3A_29, %mul3A_538 : vector<128x32xf32>
    %dot_general3A_540 = arith.constant dense<0.000000e+00> : vector<512x32xf32>
    %dot_general3A_541 = tpu.matmul %mul3A_532, %mul3A_539, %dot_general3A_540 {dimension_numbers = #tpu.dot_dimension_numbers<[1], [0], [0], [1], [0, 0, 1, 1], [], []>, transpose_lhs_hint = false} : vector<512x128xf32>, vector<128x32xf32>, vector<512x32xf32> -> vector<512x32xf32>
    %add3A_542 = arith.addf %add3A_526, %dot_general3A_541 : vector<512x32xf32>
    %reduce_max3A = arith.constant dense<0xFF800000> : vector<512xf32>
    %reduce_max3A_543 = vector.multi_reduction <maximumf>, %add3A_542, %reduce_max3A [1] : vector<512x32xf32> to vector<512xf32>
    %broadcast_in_dim3A_544 = vector.shape_cast %reduce_max3A_543 : vector<512xf32> to vector<512x1xf32>
    %sub3A = vector.broadcast %broadcast_in_dim3A_544 : vector<512x1xf32> to vector<512x32xf32>
    %sub3A_545 = arith.subf %add3A_542, %sub3A : vector<512x32xf32>
    %exp3A = math.exp %sub3A_545 : vector<512x32xf32>
    %reduce_sum3A = arith.constant dense<0.000000e+00> : vector<512xf32>
    %reduce_sum3A_546 = vector.multi_reduction <add>, %exp3A, %reduce_sum3A [1] : vector<512x32xf32> to vector<512xf32>
    %broadcast_in_dim3A_547 = vector.shape_cast %reduce_sum3A_546 : vector<512xf32> to vector<512x1xf32>
    %div3A = vector.broadcast %broadcast_in_dim3A_547 : vector<512x1xf32> to vector<512x32xf32>
    %div3A_548 = arith.divf %exp3A, %div3A : vector<512x32xf32>
    %broadcast_in_dim3A_549 = arith.constant 0.000000e+00 : f32
    %broadcast_in_dim3A_550 = vector.broadcast %broadcast_in_dim3A_549 : f32 to vector<512x128xf32>
    %slice3A = vector.extract_strided_slice %div3A_548 {offsets = [0, 0], sizes = [512, 1], strides = [1, 1]} : vector<512x32xf32> to vector<512x1xf32>
    %dot_general3A_551 = arith.constant dense<0.000000e+00> : vector<512x128xf32>
    %dot_general3A_552 = tpu.matmul %slice3A, %broadcast_in_dim3A_31, %dot_general3A_551 {dimension_numbers = #tpu.dot_dimension_numbers<[1], [0], [0], [1], [0, 0, 1, 1], [], []>, transpose_lhs_hint = false} : vector<512x1xf32>, vector<1x128xf32>, vector<512x128xf32> -> vector<512x128xf32>
    %get3A_553 = arith.constant 0 : index
    %get3A_554 = arith.constant 0 : index
    %get3A_555 = arith.constant 0 : index
    %get3A_556 = vector.load %arg3[%get3A_553, %get3A_554, %get3A_555] : memref<32x512x128xf32, #tpu.memory_space<vmem>>, vector<1x512x128xf32>
    %get3A_557 = vector.shape_cast %get3A_556 : vector<1x512x128xf32> to vector<512x128xf32>
    %mul3A_558 = arith.mulf %dot_general3A_552, %get3A_557 : vector<512x128xf32>
    %add3A_559 = arith.addf %broadcast_in_dim3A_550, %mul3A_558 : vector<512x128xf32>
    %slice3A_560 = vector.extract_strided_slice %div3A_548 {offsets = [0, 1], sizes = [512, 1], strides = [1, 1]} : vector<512x32xf32> to vector<512x1xf32>
    %dot_general3A_561 = arith.constant dense<0.000000e+00> : vector<512x128xf32>
    %dot_general3A_562 = tpu.matmul %slice3A_560, %broadcast_in_dim3A_31, %dot_general3A_561 {dimension_numbers = #tpu.dot_dimension_numbers<[1], [0], [0], [1], [0, 0, 1, 1], [], []>, transpose_lhs_hint = false} : vector<512x1xf32>, vector<1x128xf32>, vector<512x128xf32> -> vector<512x128xf32>
    %get3A_563 = arith.constant 1 : index
    %get3A_564 = arith.constant 0 : index
    %get3A_565 = arith.constant 0 : index
    %get3A_566 = vector.load %arg3[%get3A_563, %get3A_564, %get3A_565] : memref<32x512x128xf32, #tpu.memory_space<vmem>>, vector<1x512x128xf32>
    %get3A_567 = vector.shape_cast %get3A_566 : vector<1x512x128xf32> to vector<512x128xf32>
    %mul3A_568 = arith.mulf %dot_general3A_562, %get3A_567 : vector<512x128xf32>
    %add3A_569 = arith.addf %add3A_559, %mul3A_568 : vector<512x128xf32>
    %slice3A_570 = vector.extract_strided_slice %div3A_548 {offsets = [0, 2], sizes = [512, 1], strides = [1, 1]} : vector<512x32xf32> to vector<512x1xf32>
    %dot_general3A_571 = arith.constant dense<0.000000e+00> : vector<512x128xf32>
    %dot_general3A_572 = tpu.matmul %slice3A_570, %broadcast_in_dim3A_31, %dot_general3A_571 {dimension_numbers = #tpu.dot_dimension_numbers<[1], [0], [0], [1], [0, 0, 1, 1], [], []>, transpose_lhs_hint = false} : vector<512x1xf32>, vector<1x128xf32>, vector<512x128xf32> -> vector<512x128xf32>
    %get3A_573 = arith.constant 2 : index
    %get3A_574 = arith.constant 0 : index
    %get3A_575 = arith.constant 0 : index
    %get3A_576 = vector.load %arg3[%get3A_573, %get3A_574, %get3A_575] : memref<32x512x128xf32, #tpu.memory_space<vmem>>, vector<1x512x128xf32>
    %get3A_577 = vector.shape_cast %get3A_576 : vector<1x512x128xf32> to vector<512x128xf32>
    %mul3A_578 = arith.mulf %dot_general3A_572, %get3A_577 : vector<512x128xf32>
    %add3A_579 = arith.addf %add3A_569, %mul3A_578 : vector<512x128xf32>
    %slice3A_580 = vector.extract_strided_slice %div3A_548 {offsets = [0, 3], sizes = [512, 1], strides = [1, 1]} : vector<512x32xf32> to vector<512x1xf32>
    %dot_general3A_581 = arith.constant dense<0.000000e+00> : vector<512x128xf32>
    %dot_general3A_582 = tpu.matmul %slice3A_580, %broadcast_in_dim3A_31, %dot_general3A_581 {dimension_numbers = #tpu.dot_dimension_numbers<[1], [0], [0], [1], [0, 0, 1, 1], [], []>, transpose_lhs_hint = false} : vector<512x1xf32>, vector<1x128xf32>, vector<512x128xf32> -> vector<512x128xf32>
    %get3A_583 = arith.constant 3 : index
    %get3A_584 = arith.constant 0 : index
    %get3A_585 = arith.constant 0 : index
    %get3A_586 = vector.load %arg3[%get3A_583, %get3A_584, %get3A_585] : memref<32x512x128xf32, #tpu.memory_space<vmem>>, vector<1x512x128xf32>
    %get3A_587 = vector.shape_cast %get3A_586 : vector<1x512x128xf32> to vector<512x128xf32>
    %mul3A_588 = arith.mulf %dot_general3A_582, %get3A_587 : vector<512x128xf32>
    %add3A_589 = arith.addf %add3A_579, %mul3A_588 : vector<512x128xf32>
    %slice3A_590 = vector.extract_strided_slice %div3A_548 {offsets = [0, 4], sizes = [512, 1], strides = [1, 1]} : vector<512x32xf32> to vector<512x1xf32>
    %dot_general3A_591 = arith.constant dense<0.000000e+00> : vector<512x128xf32>
    %dot_general3A_592 = tpu.matmul %slice3A_590, %broadcast_in_dim3A_31, %dot_general3A_591 {dimension_numbers = #tpu.dot_dimension_numbers<[1], [0], [0], [1], [0, 0, 1, 1], [], []>, transpose_lhs_hint = false} : vector<512x1xf32>, vector<1x128xf32>, vector<512x128xf32> -> vector<512x128xf32>
    %get3A_593 = arith.constant 4 : index
    %get3A_594 = arith.constant 0 : index
    %get3A_595 = arith.constant 0 : index
    %get3A_596 = vector.load %arg3[%get3A_593, %get3A_594, %get3A_595] : memref<32x512x128xf32, #tpu.memory_space<vmem>>, vector<1x512x128xf32>
    %get3A_597 = vector.shape_cast %get3A_596 : vector<1x512x128xf32> to vector<512x128xf32>
    %mul3A_598 = arith.mulf %dot_general3A_592, %get3A_597 : vector<512x128xf32>
    %add3A_599 = arith.addf %add3A_589, %mul3A_598 : vector<512x128xf32>
    %slice3A_600 = vector.extract_strided_slice %div3A_548 {offsets = [0, 5], sizes = [512, 1], strides = [1, 1]} : vector<512x32xf32> to vector<512x1xf32>
    %dot_general3A_601 = arith.constant dense<0.000000e+00> : vector<512x128xf32>
    %dot_general3A_602 = tpu.matmul %slice3A_600, %broadcast_in_dim3A_31, %dot_general3A_601 {dimension_numbers = #tpu.dot_dimension_numbers<[1], [0], [0], [1], [0, 0, 1, 1], [], []>, transpose_lhs_hint = false} : vector<512x1xf32>, vector<1x128xf32>, vector<512x128xf32> -> vector<512x128xf32>
    %get3A_603 = arith.constant 5 : index
    %get3A_604 = arith.constant 0 : index
    %get3A_605 = arith.constant 0 : index
    %get3A_606 = vector.load %arg3[%get3A_603, %get3A_604, %get3A_605] : memref<32x512x128xf32, #tpu.memory_space<vmem>>, vector<1x512x128xf32>
    %get3A_607 = vector.shape_cast %get3A_606 : vector<1x512x128xf32> to vector<512x128xf32>
    %mul3A_608 = arith.mulf %dot_general3A_602, %get3A_607 : vector<512x128xf32>
    %add3A_609 = arith.addf %add3A_599, %mul3A_608 : vector<512x128xf32>
    %slice3A_610 = vector.extract_strided_slice %div3A_548 {offsets = [0, 6], sizes = [512, 1], strides = [1, 1]} : vector<512x32xf32> to vector<512x1xf32>
    %dot_general3A_611 = arith.constant dense<0.000000e+00> : vector<512x128xf32>
    %dot_general3A_612 = tpu.matmul %slice3A_610, %broadcast_in_dim3A_31, %dot_general3A_611 {dimension_numbers = #tpu.dot_dimension_numbers<[1], [0], [0], [1], [0, 0, 1, 1], [], []>, transpose_lhs_hint = false} : vector<512x1xf32>, vector<1x128xf32>, vector<512x128xf32> -> vector<512x128xf32>
    %get3A_613 = arith.constant 6 : index
    %get3A_614 = arith.constant 0 : index
    %get3A_615 = arith.constant 0 : index
    %get3A_616 = vector.load %arg3[%get3A_613, %get3A_614, %get3A_615] : memref<32x512x128xf32, #tpu.memory_space<vmem>>, vector<1x512x128xf32>
    %get3A_617 = vector.shape_cast %get3A_616 : vector<1x512x128xf32> to vector<512x128xf32>
    %mul3A_618 = arith.mulf %dot_general3A_612, %get3A_617 : vector<512x128xf32>
    %add3A_619 = arith.addf %add3A_609, %mul3A_618 : vector<512x128xf32>
    %slice3A_620 = vector.extract_strided_slice %div3A_548 {offsets = [0, 7], sizes = [512, 1], strides = [1, 1]} : vector<512x32xf32> to vector<512x1xf32>
    %dot_general3A_621 = arith.constant dense<0.000000e+00> : vector<512x128xf32>
    %dot_general3A_622 = tpu.matmul %slice3A_620, %broadcast_in_dim3A_31, %dot_general3A_621 {dimension_numbers = #tpu.dot_dimension_numbers<[1], [0], [0], [1], [0, 0, 1, 1], [], []>, transpose_lhs_hint = false} : vector<512x1xf32>, vector<1x128xf32>, vector<512x128xf32> -> vector<512x128xf32>
    %get3A_623 = arith.constant 7 : index
    %get3A_624 = arith.constant 0 : index
    %get3A_625 = arith.constant 0 : index
    %get3A_626 = vector.load %arg3[%get3A_623, %get3A_624, %get3A_625] : memref<32x512x128xf32, #tpu.memory_space<vmem>>, vector<1x512x128xf32>
    %get3A_627 = vector.shape_cast %get3A_626 : vector<1x512x128xf32> to vector<512x128xf32>
    %mul3A_628 = arith.mulf %dot_general3A_622, %get3A_627 : vector<512x128xf32>
    %add3A_629 = arith.addf %add3A_619, %mul3A_628 : vector<512x128xf32>
    %slice3A_630 = vector.extract_strided_slice %div3A_548 {offsets = [0, 8], sizes = [512, 1], strides = [1, 1]} : vector<512x32xf32> to vector<512x1xf32>
    %dot_general3A_631 = arith.constant dense<0.000000e+00> : vector<512x128xf32>
    %dot_general3A_632 = tpu.matmul %slice3A_630, %broadcast_in_dim3A_31, %dot_general3A_631 {dimension_numbers = #tpu.dot_dimension_numbers<[1], [0], [0], [1], [0, 0, 1, 1], [], []>, transpose_lhs_hint = false} : vector<512x1xf32>, vector<1x128xf32>, vector<512x128xf32> -> vector<512x128xf32>
    %get3A_633 = arith.constant 8 : index
    %get3A_634 = arith.constant 0 : index
    %get3A_635 = arith.constant 0 : index
    %get3A_636 = vector.load %arg3[%get3A_633, %get3A_634, %get3A_635] : memref<32x512x128xf32, #tpu.memory_space<vmem>>, vector<1x512x128xf32>
    %get3A_637 = vector.shape_cast %get3A_636 : vector<1x512x128xf32> to vector<512x128xf32>
    %mul3A_638 = arith.mulf %dot_general3A_632, %get3A_637 : vector<512x128xf32>
    %add3A_639 = arith.addf %add3A_629, %mul3A_638 : vector<512x128xf32>
    %slice3A_640 = vector.extract_strided_slice %div3A_548 {offsets = [0, 9], sizes = [512, 1], strides = [1, 1]} : vector<512x32xf32> to vector<512x1xf32>
    %dot_general3A_641 = arith.constant dense<0.000000e+00> : vector<512x128xf32>
    %dot_general3A_642 = tpu.matmul %slice3A_640, %broadcast_in_dim3A_31, %dot_general3A_641 {dimension_numbers = #tpu.dot_dimension_numbers<[1], [0], [0], [1], [0, 0, 1, 1], [], []>, transpose_lhs_hint = false} : vector<512x1xf32>, vector<1x128xf32>, vector<512x128xf32> -> vector<512x128xf32>
    %get3A_643 = arith.constant 9 : index
    %get3A_644 = arith.constant 0 : index
    %get3A_645 = arith.constant 0 : index
    %get3A_646 = vector.load %arg3[%get3A_643, %get3A_644, %get3A_645] : memref<32x512x128xf32, #tpu.memory_space<vmem>>, vector<1x512x128xf32>
    %get3A_647 = vector.shape_cast %get3A_646 : vector<1x512x128xf32> to vector<512x128xf32>
    %mul3A_648 = arith.mulf %dot_general3A_642, %get3A_647 : vector<512x128xf32>
    %add3A_649 = arith.addf %add3A_639, %mul3A_648 : vector<512x128xf32>
    %slice3A_650 = vector.extract_strided_slice %div3A_548 {offsets = [0, 10], sizes = [512, 1], strides = [1, 1]} : vector<512x32xf32> to vector<512x1xf32>
    %dot_general3A_651 = arith.constant dense<0.000000e+00> : vector<512x128xf32>
    %dot_general3A_652 = tpu.matmul %slice3A_650, %broadcast_in_dim3A_31, %dot_general3A_651 {dimension_numbers = #tpu.dot_dimension_numbers<[1], [0], [0], [1], [0, 0, 1, 1], [], []>, transpose_lhs_hint = false} : vector<512x1xf32>, vector<1x128xf32>, vector<512x128xf32> -> vector<512x128xf32>
    %get3A_653 = arith.constant 10 : index
    %get3A_654 = arith.constant 0 : index
    %get3A_655 = arith.constant 0 : index
    %get3A_656 = vector.load %arg3[%get3A_653, %get3A_654, %get3A_655] : memref<32x512x128xf32, #tpu.memory_space<vmem>>, vector<1x512x128xf32>
    %get3A_657 = vector.shape_cast %get3A_656 : vector<1x512x128xf32> to vector<512x128xf32>
    %mul3A_658 = arith.mulf %dot_general3A_652, %get3A_657 : vector<512x128xf32>
    %add3A_659 = arith.addf %add3A_649, %mul3A_658 : vector<512x128xf32>
    %slice3A_660 = vector.extract_strided_slice %div3A_548 {offsets = [0, 11], sizes = [512, 1], strides = [1, 1]} : vector<512x32xf32> to vector<512x1xf32>
    %dot_general3A_661 = arith.constant dense<0.000000e+00> : vector<512x128xf32>
    %dot_general3A_662 = tpu.matmul %slice3A_660, %broadcast_in_dim3A_31, %dot_general3A_661 {dimension_numbers = #tpu.dot_dimension_numbers<[1], [0], [0], [1], [0, 0, 1, 1], [], []>, transpose_lhs_hint = false} : vector<512x1xf32>, vector<1x128xf32>, vector<512x128xf32> -> vector<512x128xf32>
    %get3A_663 = arith.constant 11 : index
    %get3A_664 = arith.constant 0 : index
    %get3A_665 = arith.constant 0 : index
    %get3A_666 = vector.load %arg3[%get3A_663, %get3A_664, %get3A_665] : memref<32x512x128xf32, #tpu.memory_space<vmem>>, vector<1x512x128xf32>
    %get3A_667 = vector.shape_cast %get3A_666 : vector<1x512x128xf32> to vector<512x128xf32>
    %mul3A_668 = arith.mulf %dot_general3A_662, %get3A_667 : vector<512x128xf32>
    %add3A_669 = arith.addf %add3A_659, %mul3A_668 : vector<512x128xf32>
    %slice3A_670 = vector.extract_strided_slice %div3A_548 {offsets = [0, 12], sizes = [512, 1], strides = [1, 1]} : vector<512x32xf32> to vector<512x1xf32>
    %dot_general3A_671 = arith.constant dense<0.000000e+00> : vector<512x128xf32>
    %dot_general3A_672 = tpu.matmul %slice3A_670, %broadcast_in_dim3A_31, %dot_general3A_671 {dimension_numbers = #tpu.dot_dimension_numbers<[1], [0], [0], [1], [0, 0, 1, 1], [], []>, transpose_lhs_hint = false} : vector<512x1xf32>, vector<1x128xf32>, vector<512x128xf32> -> vector<512x128xf32>
    %get3A_673 = arith.constant 12 : index
    %get3A_674 = arith.constant 0 : index
    %get3A_675 = arith.constant 0 : index
    %get3A_676 = vector.load %arg3[%get3A_673, %get3A_674, %get3A_675] : memref<32x512x128xf32, #tpu.memory_space<vmem>>, vector<1x512x128xf32>
    %get3A_677 = vector.shape_cast %get3A_676 : vector<1x512x128xf32> to vector<512x128xf32>
    %mul3A_678 = arith.mulf %dot_general3A_672, %get3A_677 : vector<512x128xf32>
    %add3A_679 = arith.addf %add3A_669, %mul3A_678 : vector<512x128xf32>
    %slice3A_680 = vector.extract_strided_slice %div3A_548 {offsets = [0, 13], sizes = [512, 1], strides = [1, 1]} : vector<512x32xf32> to vector<512x1xf32>
    %dot_general3A_681 = arith.constant dense<0.000000e+00> : vector<512x128xf32>
    %dot_general3A_682 = tpu.matmul %slice3A_680, %broadcast_in_dim3A_31, %dot_general3A_681 {dimension_numbers = #tpu.dot_dimension_numbers<[1], [0], [0], [1], [0, 0, 1, 1], [], []>, transpose_lhs_hint = false} : vector<512x1xf32>, vector<1x128xf32>, vector<512x128xf32> -> vector<512x128xf32>
    %get3A_683 = arith.constant 13 : index
    %get3A_684 = arith.constant 0 : index
    %get3A_685 = arith.constant 0 : index
    %get3A_686 = vector.load %arg3[%get3A_683, %get3A_684, %get3A_685] : memref<32x512x128xf32, #tpu.memory_space<vmem>>, vector<1x512x128xf32>
    %get3A_687 = vector.shape_cast %get3A_686 : vector<1x512x128xf32> to vector<512x128xf32>
    %mul3A_688 = arith.mulf %dot_general3A_682, %get3A_687 : vector<512x128xf32>
    %add3A_689 = arith.addf %add3A_679, %mul3A_688 : vector<512x128xf32>
    %slice3A_690 = vector.extract_strided_slice %div3A_548 {offsets = [0, 14], sizes = [512, 1], strides = [1, 1]} : vector<512x32xf32> to vector<512x1xf32>
    %dot_general3A_691 = arith.constant dense<0.000000e+00> : vector<512x128xf32>
    %dot_general3A_692 = tpu.matmul %slice3A_690, %broadcast_in_dim3A_31, %dot_general3A_691 {dimension_numbers = #tpu.dot_dimension_numbers<[1], [0], [0], [1], [0, 0, 1, 1], [], []>, transpose_lhs_hint = false} : vector<512x1xf32>, vector<1x128xf32>, vector<512x128xf32> -> vector<512x128xf32>
    %get3A_693 = arith.constant 14 : index
    %get3A_694 = arith.constant 0 : index
    %get3A_695 = arith.constant 0 : index
    %get3A_696 = vector.load %arg3[%get3A_693, %get3A_694, %get3A_695] : memref<32x512x128xf32, #tpu.memory_space<vmem>>, vector<1x512x128xf32>
    %get3A_697 = vector.shape_cast %get3A_696 : vector<1x512x128xf32> to vector<512x128xf32>
    %mul3A_698 = arith.mulf %dot_general3A_692, %get3A_697 : vector<512x128xf32>
    %add3A_699 = arith.addf %add3A_689, %mul3A_698 : vector<512x128xf32>
    %slice3A_700 = vector.extract_strided_slice %div3A_548 {offsets = [0, 15], sizes = [512, 1], strides = [1, 1]} : vector<512x32xf32> to vector<512x1xf32>
    %dot_general3A_701 = arith.constant dense<0.000000e+00> : vector<512x128xf32>
    %dot_general3A_702 = tpu.matmul %slice3A_700, %broadcast_in_dim3A_31, %dot_general3A_701 {dimension_numbers = #tpu.dot_dimension_numbers<[1], [0], [0], [1], [0, 0, 1, 1], [], []>, transpose_lhs_hint = false} : vector<512x1xf32>, vector<1x128xf32>, vector<512x128xf32> -> vector<512x128xf32>
    %get3A_703 = arith.constant 15 : index
    %get3A_704 = arith.constant 0 : index
    %get3A_705 = arith.constant 0 : index
    %get3A_706 = vector.load %arg3[%get3A_703, %get3A_704, %get3A_705] : memref<32x512x128xf32, #tpu.memory_space<vmem>>, vector<1x512x128xf32>
    %get3A_707 = vector.shape_cast %get3A_706 : vector<1x512x128xf32> to vector<512x128xf32>
    %mul3A_708 = arith.mulf %dot_general3A_702, %get3A_707 : vector<512x128xf32>
    %add3A_709 = arith.addf %add3A_699, %mul3A_708 : vector<512x128xf32>
    %slice3A_710 = vector.extract_strided_slice %div3A_548 {offsets = [0, 16], sizes = [512, 1], strides = [1, 1]} : vector<512x32xf32> to vector<512x1xf32>
    %dot_general3A_711 = arith.constant dense<0.000000e+00> : vector<512x128xf32>
    %dot_general3A_712 = tpu.matmul %slice3A_710, %broadcast_in_dim3A_31, %dot_general3A_711 {dimension_numbers = #tpu.dot_dimension_numbers<[1], [0], [0], [1], [0, 0, 1, 1], [], []>, transpose_lhs_hint = false} : vector<512x1xf32>, vector<1x128xf32>, vector<512x128xf32> -> vector<512x128xf32>
    %get3A_713 = arith.constant 16 : index
    %get3A_714 = arith.constant 0 : index
    %get3A_715 = arith.constant 0 : index
    %get3A_716 = vector.load %arg3[%get3A_713, %get3A_714, %get3A_715] : memref<32x512x128xf32, #tpu.memory_space<vmem>>, vector<1x512x128xf32>
    %get3A_717 = vector.shape_cast %get3A_716 : vector<1x512x128xf32> to vector<512x128xf32>
    %mul3A_718 = arith.mulf %dot_general3A_712, %get3A_717 : vector<512x128xf32>
    %add3A_719 = arith.addf %add3A_709, %mul3A_718 : vector<512x128xf32>
    %slice3A_720 = vector.extract_strided_slice %div3A_548 {offsets = [0, 17], sizes = [512, 1], strides = [1, 1]} : vector<512x32xf32> to vector<512x1xf32>
    %dot_general3A_721 = arith.constant dense<0.000000e+00> : vector<512x128xf32>
    %dot_general3A_722 = tpu.matmul %slice3A_720, %broadcast_in_dim3A_31, %dot_general3A_721 {dimension_numbers = #tpu.dot_dimension_numbers<[1], [0], [0], [1], [0, 0, 1, 1], [], []>, transpose_lhs_hint = false} : vector<512x1xf32>, vector<1x128xf32>, vector<512x128xf32> -> vector<512x128xf32>
    %get3A_723 = arith.constant 17 : index
    %get3A_724 = arith.constant 0 : index
    %get3A_725 = arith.constant 0 : index
    %get3A_726 = vector.load %arg3[%get3A_723, %get3A_724, %get3A_725] : memref<32x512x128xf32, #tpu.memory_space<vmem>>, vector<1x512x128xf32>
    %get3A_727 = vector.shape_cast %get3A_726 : vector<1x512x128xf32> to vector<512x128xf32>
    %mul3A_728 = arith.mulf %dot_general3A_722, %get3A_727 : vector<512x128xf32>
    %add3A_729 = arith.addf %add3A_719, %mul3A_728 : vector<512x128xf32>
    %slice3A_730 = vector.extract_strided_slice %div3A_548 {offsets = [0, 18], sizes = [512, 1], strides = [1, 1]} : vector<512x32xf32> to vector<512x1xf32>
    %dot_general3A_731 = arith.constant dense<0.000000e+00> : vector<512x128xf32>
    %dot_general3A_732 = tpu.matmul %slice3A_730, %broadcast_in_dim3A_31, %dot_general3A_731 {dimension_numbers = #tpu.dot_dimension_numbers<[1], [0], [0], [1], [0, 0, 1, 1], [], []>, transpose_lhs_hint = false} : vector<512x1xf32>, vector<1x128xf32>, vector<512x128xf32> -> vector<512x128xf32>
    %get3A_733 = arith.constant 18 : index
    %get3A_734 = arith.constant 0 : index
    %get3A_735 = arith.constant 0 : index
    %get3A_736 = vector.load %arg3[%get3A_733, %get3A_734, %get3A_735] : memref<32x512x128xf32, #tpu.memory_space<vmem>>, vector<1x512x128xf32>
    %get3A_737 = vector.shape_cast %get3A_736 : vector<1x512x128xf32> to vector<512x128xf32>
    %mul3A_738 = arith.mulf %dot_general3A_732, %get3A_737 : vector<512x128xf32>
    %add3A_739 = arith.addf %add3A_729, %mul3A_738 : vector<512x128xf32>
    %slice3A_740 = vector.extract_strided_slice %div3A_548 {offsets = [0, 19], sizes = [512, 1], strides = [1, 1]} : vector<512x32xf32> to vector<512x1xf32>
    %dot_general3A_741 = arith.constant dense<0.000000e+00> : vector<512x128xf32>
    %dot_general3A_742 = tpu.matmul %slice3A_740, %broadcast_in_dim3A_31, %dot_general3A_741 {dimension_numbers = #tpu.dot_dimension_numbers<[1], [0], [0], [1], [0, 0, 1, 1], [], []>, transpose_lhs_hint = false} : vector<512x1xf32>, vector<1x128xf32>, vector<512x128xf32> -> vector<512x128xf32>
    %get3A_743 = arith.constant 19 : index
    %get3A_744 = arith.constant 0 : index
    %get3A_745 = arith.constant 0 : index
    %get3A_746 = vector.load %arg3[%get3A_743, %get3A_744, %get3A_745] : memref<32x512x128xf32, #tpu.memory_space<vmem>>, vector<1x512x128xf32>
    %get3A_747 = vector.shape_cast %get3A_746 : vector<1x512x128xf32> to vector<512x128xf32>
    %mul3A_748 = arith.mulf %dot_general3A_742, %get3A_747 : vector<512x128xf32>
    %add3A_749 = arith.addf %add3A_739, %mul3A_748 : vector<512x128xf32>
    %slice3A_750 = vector.extract_strided_slice %div3A_548 {offsets = [0, 20], sizes = [512, 1], strides = [1, 1]} : vector<512x32xf32> to vector<512x1xf32>
    %dot_general3A_751 = arith.constant dense<0.000000e+00> : vector<512x128xf32>
    %dot_general3A_752 = tpu.matmul %slice3A_750, %broadcast_in_dim3A_31, %dot_general3A_751 {dimension_numbers = #tpu.dot_dimension_numbers<[1], [0], [0], [1], [0, 0, 1, 1], [], []>, transpose_lhs_hint = false} : vector<512x1xf32>, vector<1x128xf32>, vector<512x128xf32> -> vector<512x128xf32>
    %get3A_753 = arith.constant 20 : index
    %get3A_754 = arith.constant 0 : index
    %get3A_755 = arith.constant 0 : index
    %get3A_756 = vector.load %arg3[%get3A_753, %get3A_754, %get3A_755] : memref<32x512x128xf32, #tpu.memory_space<vmem>>, vector<1x512x128xf32>
    %get3A_757 = vector.shape_cast %get3A_756 : vector<1x512x128xf32> to vector<512x128xf32>
    %mul3A_758 = arith.mulf %dot_general3A_752, %get3A_757 : vector<512x128xf32>
    %add3A_759 = arith.addf %add3A_749, %mul3A_758 : vector<512x128xf32>
    %slice3A_760 = vector.extract_strided_slice %div3A_548 {offsets = [0, 21], sizes = [512, 1], strides = [1, 1]} : vector<512x32xf32> to vector<512x1xf32>
    %dot_general3A_761 = arith.constant dense<0.000000e+00> : vector<512x128xf32>
    %dot_general3A_762 = tpu.matmul %slice3A_760, %broadcast_in_dim3A_31, %dot_general3A_761 {dimension_numbers = #tpu.dot_dimension_numbers<[1], [0], [0], [1], [0, 0, 1, 1], [], []>, transpose_lhs_hint = false} : vector<512x1xf32>, vector<1x128xf32>, vector<512x128xf32> -> vector<512x128xf32>
    %get3A_763 = arith.constant 21 : index
    %get3A_764 = arith.constant 0 : index
    %get3A_765 = arith.constant 0 : index
    %get3A_766 = vector.load %arg3[%get3A_763, %get3A_764, %get3A_765] : memref<32x512x128xf32, #tpu.memory_space<vmem>>, vector<1x512x128xf32>
    %get3A_767 = vector.shape_cast %get3A_766 : vector<1x512x128xf32> to vector<512x128xf32>
    %mul3A_768 = arith.mulf %dot_general3A_762, %get3A_767 : vector<512x128xf32>
    %add3A_769 = arith.addf %add3A_759, %mul3A_768 : vector<512x128xf32>
    %slice3A_770 = vector.extract_strided_slice %div3A_548 {offsets = [0, 22], sizes = [512, 1], strides = [1, 1]} : vector<512x32xf32> to vector<512x1xf32>
    %dot_general3A_771 = arith.constant dense<0.000000e+00> : vector<512x128xf32>
    %dot_general3A_772 = tpu.matmul %slice3A_770, %broadcast_in_dim3A_31, %dot_general3A_771 {dimension_numbers = #tpu.dot_dimension_numbers<[1], [0], [0], [1], [0, 0, 1, 1], [], []>, transpose_lhs_hint = false} : vector<512x1xf32>, vector<1x128xf32>, vector<512x128xf32> -> vector<512x128xf32>
    %get3A_773 = arith.constant 22 : index
    %get3A_774 = arith.constant 0 : index
    %get3A_775 = arith.constant 0 : index
    %get3A_776 = vector.load %arg3[%get3A_773, %get3A_774, %get3A_775] : memref<32x512x128xf32, #tpu.memory_space<vmem>>, vector<1x512x128xf32>
    %get3A_777 = vector.shape_cast %get3A_776 : vector<1x512x128xf32> to vector<512x128xf32>
    %mul3A_778 = arith.mulf %dot_general3A_772, %get3A_777 : vector<512x128xf32>
    %add3A_779 = arith.addf %add3A_769, %mul3A_778 : vector<512x128xf32>
    %slice3A_780 = vector.extract_strided_slice %div3A_548 {offsets = [0, 23], sizes = [512, 1], strides = [1, 1]} : vector<512x32xf32> to vector<512x1xf32>
    %dot_general3A_781 = arith.constant dense<0.000000e+00> : vector<512x128xf32>
    %dot_general3A_782 = tpu.matmul %slice3A_780, %broadcast_in_dim3A_31, %dot_general3A_781 {dimension_numbers = #tpu.dot_dimension_numbers<[1], [0], [0], [1], [0, 0, 1, 1], [], []>, transpose_lhs_hint = false} : vector<512x1xf32>, vector<1x128xf32>, vector<512x128xf32> -> vector<512x128xf32>
    %get3A_783 = arith.constant 23 : index
    %get3A_784 = arith.constant 0 : index
    %get3A_785 = arith.constant 0 : index
    %get3A_786 = vector.load %arg3[%get3A_783, %get3A_784, %get3A_785] : memref<32x512x128xf32, #tpu.memory_space<vmem>>, vector<1x512x128xf32>
    %get3A_787 = vector.shape_cast %get3A_786 : vector<1x512x128xf32> to vector<512x128xf32>
    %mul3A_788 = arith.mulf %dot_general3A_782, %get3A_787 : vector<512x128xf32>
    %add3A_789 = arith.addf %add3A_779, %mul3A_788 : vector<512x128xf32>
    %slice3A_790 = vector.extract_strided_slice %div3A_548 {offsets = [0, 24], sizes = [512, 1], strides = [1, 1]} : vector<512x32xf32> to vector<512x1xf32>
    %dot_general3A_791 = arith.constant dense<0.000000e+00> : vector<512x128xf32>
    %dot_general3A_792 = tpu.matmul %slice3A_790, %broadcast_in_dim3A_31, %dot_general3A_791 {dimension_numbers = #tpu.dot_dimension_numbers<[1], [0], [0], [1], [0, 0, 1, 1], [], []>, transpose_lhs_hint = false} : vector<512x1xf32>, vector<1x128xf32>, vector<512x128xf32> -> vector<512x128xf32>
    %get3A_793 = arith.constant 24 : index
    %get3A_794 = arith.constant 0 : index
    %get3A_795 = arith.constant 0 : index
    %get3A_796 = vector.load %arg3[%get3A_793, %get3A_794, %get3A_795] : memref<32x512x128xf32, #tpu.memory_space<vmem>>, vector<1x512x128xf32>
    %get3A_797 = vector.shape_cast %get3A_796 : vector<1x512x128xf32> to vector<512x128xf32>
    %mul3A_798 = arith.mulf %dot_general3A_792, %get3A_797 : vector<512x128xf32>
    %add3A_799 = arith.addf %add3A_789, %mul3A_798 : vector<512x128xf32>
    %slice3A_800 = vector.extract_strided_slice %div3A_548 {offsets = [0, 25], sizes = [512, 1], strides = [1, 1]} : vector<512x32xf32> to vector<512x1xf32>
    %dot_general3A_801 = arith.constant dense<0.000000e+00> : vector<512x128xf32>
    %dot_general3A_802 = tpu.matmul %slice3A_800, %broadcast_in_dim3A_31, %dot_general3A_801 {dimension_numbers = #tpu.dot_dimension_numbers<[1], [0], [0], [1], [0, 0, 1, 1], [], []>, transpose_lhs_hint = false} : vector<512x1xf32>, vector<1x128xf32>, vector<512x128xf32> -> vector<512x128xf32>
    %get3A_803 = arith.constant 25 : index
    %get3A_804 = arith.constant 0 : index
    %get3A_805 = arith.constant 0 : index
    %get3A_806 = vector.load %arg3[%get3A_803, %get3A_804, %get3A_805] : memref<32x512x128xf32, #tpu.memory_space<vmem>>, vector<1x512x128xf32>
    %get3A_807 = vector.shape_cast %get3A_806 : vector<1x512x128xf32> to vector<512x128xf32>
    %mul3A_808 = arith.mulf %dot_general3A_802, %get3A_807 : vector<512x128xf32>
    %add3A_809 = arith.addf %add3A_799, %mul3A_808 : vector<512x128xf32>
    %slice3A_810 = vector.extract_strided_slice %div3A_548 {offsets = [0, 26], sizes = [512, 1], strides = [1, 1]} : vector<512x32xf32> to vector<512x1xf32>
    %dot_general3A_811 = arith.constant dense<0.000000e+00> : vector<512x128xf32>
    %dot_general3A_812 = tpu.matmul %slice3A_810, %broadcast_in_dim3A_31, %dot_general3A_811 {dimension_numbers = #tpu.dot_dimension_numbers<[1], [0], [0], [1], [0, 0, 1, 1], [], []>, transpose_lhs_hint = false} : vector<512x1xf32>, vector<1x128xf32>, vector<512x128xf32> -> vector<512x128xf32>
    %get3A_813 = arith.constant 26 : index
    %get3A_814 = arith.constant 0 : index
    %get3A_815 = arith.constant 0 : index
    %get3A_816 = vector.load %arg3[%get3A_813, %get3A_814, %get3A_815] : memref<32x512x128xf32, #tpu.memory_space<vmem>>, vector<1x512x128xf32>
    %get3A_817 = vector.shape_cast %get3A_816 : vector<1x512x128xf32> to vector<512x128xf32>
    %mul3A_818 = arith.mulf %dot_general3A_812, %get3A_817 : vector<512x128xf32>
    %add3A_819 = arith.addf %add3A_809, %mul3A_818 : vector<512x128xf32>
    %slice3A_820 = vector.extract_strided_slice %div3A_548 {offsets = [0, 27], sizes = [512, 1], strides = [1, 1]} : vector<512x32xf32> to vector<512x1xf32>
    %dot_general3A_821 = arith.constant dense<0.000000e+00> : vector<512x128xf32>
    %dot_general3A_822 = tpu.matmul %slice3A_820, %broadcast_in_dim3A_31, %dot_general3A_821 {dimension_numbers = #tpu.dot_dimension_numbers<[1], [0], [0], [1], [0, 0, 1, 1], [], []>, transpose_lhs_hint = false} : vector<512x1xf32>, vector<1x128xf32>, vector<512x128xf32> -> vector<512x128xf32>
    %get3A_823 = arith.constant 27 : index
    %get3A_824 = arith.constant 0 : index
    %get3A_825 = arith.constant 0 : index
    %get3A_826 = vector.load %arg3[%get3A_823, %get3A_824, %get3A_825] : memref<32x512x128xf32, #tpu.memory_space<vmem>>, vector<1x512x128xf32>
    %get3A_827 = vector.shape_cast %get3A_826 : vector<1x512x128xf32> to vector<512x128xf32>
    %mul3A_828 = arith.mulf %dot_general3A_822, %get3A_827 : vector<512x128xf32>
    %add3A_829 = arith.addf %add3A_819, %mul3A_828 : vector<512x128xf32>
    %slice3A_830 = vector.extract_strided_slice %div3A_548 {offsets = [0, 28], sizes = [512, 1], strides = [1, 1]} : vector<512x32xf32> to vector<512x1xf32>
    %dot_general3A_831 = arith.constant dense<0.000000e+00> : vector<512x128xf32>
    %dot_general3A_832 = tpu.matmul %slice3A_830, %broadcast_in_dim3A_31, %dot_general3A_831 {dimension_numbers = #tpu.dot_dimension_numbers<[1], [0], [0], [1], [0, 0, 1, 1], [], []>, transpose_lhs_hint = false} : vector<512x1xf32>, vector<1x128xf32>, vector<512x128xf32> -> vector<512x128xf32>
    %get3A_833 = arith.constant 28 : index
    %get3A_834 = arith.constant 0 : index
    %get3A_835 = arith.constant 0 : index
    %get3A_836 = vector.load %arg3[%get3A_833, %get3A_834, %get3A_835] : memref<32x512x128xf32, #tpu.memory_space<vmem>>, vector<1x512x128xf32>
    %get3A_837 = vector.shape_cast %get3A_836 : vector<1x512x128xf32> to vector<512x128xf32>
    %mul3A_838 = arith.mulf %dot_general3A_832, %get3A_837 : vector<512x128xf32>
    %add3A_839 = arith.addf %add3A_829, %mul3A_838 : vector<512x128xf32>
    %slice3A_840 = vector.extract_strided_slice %div3A_548 {offsets = [0, 29], sizes = [512, 1], strides = [1, 1]} : vector<512x32xf32> to vector<512x1xf32>
    %dot_general3A_841 = arith.constant dense<0.000000e+00> : vector<512x128xf32>
    %dot_general3A_842 = tpu.matmul %slice3A_840, %broadcast_in_dim3A_31, %dot_general3A_841 {dimension_numbers = #tpu.dot_dimension_numbers<[1], [0], [0], [1], [0, 0, 1, 1], [], []>, transpose_lhs_hint = false} : vector<512x1xf32>, vector<1x128xf32>, vector<512x128xf32> -> vector<512x128xf32>
    %get3A_843 = arith.constant 29 : index
    %get3A_844 = arith.constant 0 : index
    %get3A_845 = arith.constant 0 : index
    %get3A_846 = vector.load %arg3[%get3A_843, %get3A_844, %get3A_845] : memref<32x512x128xf32, #tpu.memory_space<vmem>>, vector<1x512x128xf32>
    %get3A_847 = vector.shape_cast %get3A_846 : vector<1x512x128xf32> to vector<512x128xf32>
    %mul3A_848 = arith.mulf %dot_general3A_842, %get3A_847 : vector<512x128xf32>
    %add3A_849 = arith.addf %add3A_839, %mul3A_848 : vector<512x128xf32>
    %slice3A_850 = vector.extract_strided_slice %div3A_548 {offsets = [0, 30], sizes = [512, 1], strides = [1, 1]} : vector<512x32xf32> to vector<512x1xf32>
    %dot_general3A_851 = arith.constant dense<0.000000e+00> : vector<512x128xf32>
    %dot_general3A_852 = tpu.matmul %slice3A_850, %broadcast_in_dim3A_31, %dot_general3A_851 {dimension_numbers = #tpu.dot_dimension_numbers<[1], [0], [0], [1], [0, 0, 1, 1], [], []>, transpose_lhs_hint = false} : vector<512x1xf32>, vector<1x128xf32>, vector<512x128xf32> -> vector<512x128xf32>
    %get3A_853 = arith.constant 30 : index
    %get3A_854 = arith.constant 0 : index
    %get3A_855 = arith.constant 0 : index
    %get3A_856 = vector.load %arg3[%get3A_853, %get3A_854, %get3A_855] : memref<32x512x128xf32, #tpu.memory_space<vmem>>, vector<1x512x128xf32>
    %get3A_857 = vector.shape_cast %get3A_856 : vector<1x512x128xf32> to vector<512x128xf32>
    %mul3A_858 = arith.mulf %dot_general3A_852, %get3A_857 : vector<512x128xf32>
    %add3A_859 = arith.addf %add3A_849, %mul3A_858 : vector<512x128xf32>
    %slice3A_860 = vector.extract_strided_slice %div3A_548 {offsets = [0, 31], sizes = [512, 1], strides = [1, 1]} : vector<512x32xf32> to vector<512x1xf32>
    %dot_general3A_861 = arith.constant dense<0.000000e+00> : vector<512x128xf32>
    %dot_general3A_862 = tpu.matmul %slice3A_860, %broadcast_in_dim3A_31, %dot_general3A_861 {dimension_numbers = #tpu.dot_dimension_numbers<[1], [0], [0], [1], [0, 0, 1, 1], [], []>, transpose_lhs_hint = false} : vector<512x1xf32>, vector<1x128xf32>, vector<512x128xf32> -> vector<512x128xf32>
    %get3A_863 = arith.constant 31 : index
    %get3A_864 = arith.constant 0 : index
    %get3A_865 = arith.constant 0 : index
    %get3A_866 = vector.load %arg3[%get3A_863, %get3A_864, %get3A_865] : memref<32x512x128xf32, #tpu.memory_space<vmem>>, vector<1x512x128xf32>
    %get3A_867 = vector.shape_cast %get3A_866 : vector<1x512x128xf32> to vector<512x128xf32>
    %mul3A_868 = arith.mulf %dot_general3A_862, %get3A_867 : vector<512x128xf32>
    %add3A_869 = arith.addf %add3A_859, %mul3A_868 : vector<512x128xf32>
    %dot_general3A_870 = arith.constant dense<0.000000e+00> : vector<512x128xf32>
    %dot_general3A_871 = tpu.matmul %add3A_869, %get3A_25, %dot_general3A_870 {dimension_numbers = #tpu.dot_dimension_numbers<[1], [1], [0], [0], [0, 0, 1, 0], [], []>, transpose_lhs_hint = false} : vector<512x128xf32>, vector<128x128xf32>, vector<512x128xf32> -> vector<512x128xf32>
    %add3A_872 = vector.broadcast %get3A_28 : vector<1x128xf32> to vector<512x128xf32>
    %add3A_873 = arith.addf %dot_general3A_871, %add3A_872 : vector<512x128xf32>
    %max3A_874 = arith.constant 0.000000e+00 : f32
    %max3A_875 = vector.broadcast %max3A_874 : f32 to vector<512x128xf32>
    %max3A_876 = arith.maximumf %add3A_873, %max3A_875 : vector<512x128xf32>
    %swap3A_877 = arith.constant 0 : index
    %swap3A_878 = arith.constant 0 : index
    %swap3A_879 = vector.load %arg9[%swap3A_877, %swap3A_878] : memref<512x128xf32, #tpu.memory_space<vmem>>, vector<512x128xf32>
    tpu.vector_store %arg9[%swap3A_877, %swap3A_878], %max3A_876 {strides = array<i32>} : memref<512x128xf32, #tpu.memory_space<vmem>>, vector<512x128xf32>,
    return
  }
  func.func @transform_0(%arg0: i32) -> (i32, i32) {
    %c0_i32 = arith.constant 0 : i32
    %c0_i32_0 = arith.constant 0 : i32
    return %arg0, %c0_i32 : i32, i32
  }
  func.func @transform_1(%arg0: i32) -> (i32, i32) {
    %c0_i32 = arith.constant 0 : i32
    %c0_i32_0 = arith.constant 0 : i32
    return %arg0, %c0_i32 : i32, i32
  }
  func.func @transform_2(%arg0: i32) -> (i32, i32, i32) {
    %c0_i32 = arith.constant 0 : i32
    %c0_i32_0 = arith.constant 0 : i32
    %c0_i32_1 = arith.constant 0 : i32
    return %c0_i32, %arg0, %c0_i32_0 : i32, i32, i32
  }
  func.func @transform_3(%arg0: i32) -> (i32, i32) {
    %c0_i32 = arith.constant 0 : i32
    %c0_i32_0 = arith.constant 0 : i32
    %c0_i32_1 = arith.constant 0 : i32
    return %c0_i32, %c0_i32_0 : i32, i32
  }
  func.func @transform_4(%arg0: i32) -> (i32, i32) {
    %c0_i32 = arith.constant 0 : i32
    %c0_i32_0 = arith.constant 0 : i32
    %c0_i32_1 = arith.constant 0 : i32
    return %c0_i32, %c0_i32_0 : i32, i32
  }
  func.func @transform_5(%arg0: i32) -> (i32, i32) {
    %c0_i32 = arith.constant 0 : i32
    %c0_i32_0 = arith.constant 0 : i32
    %c0_i32_1 = arith.constant 0 : i32
    return %c0_i32, %c0_i32_0 : i32, i32
  }
  func.func @transform_6(%arg0: i32) -> (i32, i32) {
    %c0_i32 = arith.constant 0 : i32
    %c0_i32_0 = arith.constant 0 : i32
    %c0_i32_1 = arith.constant 0 : i32
    return %c0_i32, %c0_i32_0 : i32, i32
  }
  func.func @transform_7(%arg0: i32) -> (i32, i32) {
    %c0_i32 = arith.constant 0 : i32
    %c0_i32_0 = arith.constant 0 : i32
    return %arg0, %c0_i32 : i32, i32
  }
  func.func @transform_8(%arg0: i32) -> (i32, i32) {
    %c0_i32 = arith.constant 0 : i32
    %c0_i32_0 = arith.constant 0 : i32
    return %arg0, %c0_i32 : i32, i32
  }
}

module attributes {stable_mosaic.version = 14 : i64} {
  func.func @_attend_t1_body(%arg0: i32, %arg1: memref<512x128xf32, #tpu.memory_space<vmem>>, %arg2: memref<512x128xf32, #tpu.memory_space<vmem>>, %arg3: memref<32x512x128xf32, #tpu.memory_space<vmem>>, %arg4: memref<128x128xf32, #tpu.memory_space<vmem>>, %arg5: memref<1x128xf32, #tpu.memory_space<vmem>>, %arg6: memref<128x128xf32, #tpu.memory_space<vmem>>, %arg7: memref<1x128xf32, #tpu.memory_space<vmem>>, %arg8: memref<128x256xf32, #tpu.memory_space<vmem>>, %arg9: memref<1x128xf32, #tpu.memory_space<vmem>>, %arg10: memref<2x256xf32, #tpu.memory_space<vmem>>, %arg11: memref<512x128xf32, #tpu.memory_space<vmem>>, %arg12: memref<512x2xf32, #tpu.memory_space<vmem>>) attributes {dimension_semantics = [#tpu.dimension_semantics<arbitrary>], iteration_bounds = array<i64: 4>, scalar_prefetch = 0 : i64, scratch_operands = 0 : i64, tpu.core_type = #tpu.core_type<tc>, window_params = [{transform_indices = @transform_0, window_bounds = array<i64: 512, 128>}, {transform_indices = @transform_1, window_bounds = array<i64: 512, 128>}, {transform_indices = @transform_2, window_bounds = array<i64: 32, 512, 128>}, {pipeline_mode = #tpu.pipeline_mode<synchronous>, transform_indices = @transform_3, window_bounds = array<i64: 128, 128>}, {pipeline_mode = #tpu.pipeline_mode<synchronous>, transform_indices = @transform_4, window_bounds = array<i64: 1, 128>}, {pipeline_mode = #tpu.pipeline_mode<synchronous>, transform_indices = @transform_5, window_bounds = array<i64: 128, 128>}, {pipeline_mode = #tpu.pipeline_mode<synchronous>, transform_indices = @transform_6, window_bounds = array<i64: 1, 128>}, {pipeline_mode = #tpu.pipeline_mode<synchronous>, transform_indices = @transform_7, window_bounds = array<i64: 128, 256>}, {pipeline_mode = #tpu.pipeline_mode<synchronous>, transform_indices = @transform_8, window_bounds = array<i64: 1, 128>}, {pipeline_mode = #tpu.pipeline_mode<synchronous>, transform_indices = @transform_9, window_bounds = array<i64: 2, 256>}, {transform_indices = @transform_10, window_bounds = array<i64: 512, 128>}, {transform_indices = @transform_11, window_bounds = array<i64: 512, 2>}]} {
    %get3A = arith.constant 0 : index
    %get3A_0 = arith.constant 0 : index
    %get3A_1 = vector.load %arg1[%get3A, %get3A_0] : memref<512x128xf32, #tpu.memory_space<vmem>>, vector<512x128xf32>
    %get3A_2 = arith.constant 0 : index
    %get3A_3 = arith.constant 0 : index
    %get3A_4 = vector.load %arg2[%get3A_2, %get3A_3] : memref<512x128xf32, #tpu.memory_space<vmem>>, vector<512x128xf32>
    %get3A_5 = arith.constant 0 : index
    %get3A_6 = arith.constant 0 : index
    %get3A_7 = vector.load %arg4[%get3A_5, %get3A_6] : memref<128x128xf32, #tpu.memory_space<vmem>>, vector<128x128xf32>
    %get3A_8 = arith.constant 0 : index
    %get3A_9 = arith.constant 0 : index
    %get3A_10 = vector.load %arg5[%get3A_8, %get3A_9] : memref<1x128xf32, #tpu.memory_space<vmem>>, vector<1x128xf32>
    %broadcast_in_dim3A = arith.constant 1.000000e+00 : f32
    %broadcast_in_dim3A_11 = vector.broadcast %broadcast_in_dim3A : f32 to vector<128x32xf32>
    %iota3A = tpu.iota {dimensions = array<i32: 1>} : vector<1x32xi32>
    %broadcast_in_dim3A_12 = arith.constant 1.000000e+00 : f32
    %broadcast_in_dim3A_13 = vector.broadcast %broadcast_in_dim3A_12 : f32 to vector<1x128xf32>
    %broadcast_in_dim3A_14 = arith.constant 0.000000e+00 : f32
    %broadcast_in_dim3A_15 = vector.broadcast %broadcast_in_dim3A_14 : f32 to vector<512x32xf32>
    %get3A_16 = arith.constant 0 : index
    %get3A_17 = arith.constant 0 : index
    %get3A_18 = arith.constant 0 : index
    %get3A_19 = vector.load %arg3[%get3A_16, %get3A_17, %get3A_18] : memref<32x512x128xf32, #tpu.memory_space<vmem>>, vector<1x512x128xf32>
    %get3A_20 = vector.shape_cast %get3A_19 : vector<1x512x128xf32> to vector<512x128xf32>
    %mul3A = arith.mulf %get3A_1, %get3A_20 : vector<512x128xf32>
    %eq3A = arith.constant 0 : i32
    %eq3A_21 = vector.broadcast %eq3A : i32 to vector<1x32xi32>
    %eq3A_22 = arith.cmpi eq, %iota3A, %eq3A_21 : vector<1x32xi32>
    %convert_element_type3A = arith.extui %eq3A_22 : vector<1x32xi1> to vector<1x32xi32>
    %convert_element_type3A_23 = arith.sitofp %convert_element_type3A : vector<1x32xi32> to vector<1x32xf32>
    %mul3A_24 = vector.broadcast %convert_element_type3A_23 : vector<1x32xf32> to vector<128x32xf32>
    %mul3A_25 = arith.mulf %broadcast_in_dim3A_11, %mul3A_24 : vector<128x32xf32>
    %dot_general3A = arith.constant dense<0.000000e+00> : vector<512x32xf32>
    %dot_general3A_26 = tpu.matmul %mul3A, %mul3A_25, %dot_general3A {dimension_numbers = #tpu.dot_dimension_numbers<[1], [0], [0], [1], [0, 0, 1, 1], [], []>, transpose_lhs_hint = false} : vector<512x128xf32>, vector<128x32xf32>, vector<512x32xf32> -> vector<512x32xf32>
    %add3A = arith.addf %broadcast_in_dim3A_15, %dot_general3A_26 : vector<512x32xf32>
    %get3A_27 = arith.constant 1 : index
    %get3A_28 = arith.constant 0 : index
    %get3A_29 = arith.constant 0 : index
    %get3A_30 = vector.load %arg3[%get3A_27, %get3A_28, %get3A_29] : memref<32x512x128xf32, #tpu.memory_space<vmem>>, vector<1x512x128xf32>
    %get3A_31 = vector.shape_cast %get3A_30 : vector<1x512x128xf32> to vector<512x128xf32>
    %mul3A_32 = arith.mulf %get3A_1, %get3A_31 : vector<512x128xf32>
    %eq3A_33 = arith.constant 1 : i32
    %eq3A_34 = vector.broadcast %eq3A_33 : i32 to vector<1x32xi32>
    %eq3A_35 = arith.cmpi eq, %iota3A, %eq3A_34 : vector<1x32xi32>
    %convert_element_type3A_36 = arith.extui %eq3A_35 : vector<1x32xi1> to vector<1x32xi32>
    %convert_element_type3A_37 = arith.sitofp %convert_element_type3A_36 : vector<1x32xi32> to vector<1x32xf32>
    %mul3A_38 = vector.broadcast %convert_element_type3A_37 : vector<1x32xf32> to vector<128x32xf32>
    %mul3A_39 = arith.mulf %broadcast_in_dim3A_11, %mul3A_38 : vector<128x32xf32>
    %dot_general3A_40 = arith.constant dense<0.000000e+00> : vector<512x32xf32>
    %dot_general3A_41 = tpu.matmul %mul3A_32, %mul3A_39, %dot_general3A_40 {dimension_numbers = #tpu.dot_dimension_numbers<[1], [0], [0], [1], [0, 0, 1, 1], [], []>, transpose_lhs_hint = false} : vector<512x128xf32>, vector<128x32xf32>, vector<512x32xf32> -> vector<512x32xf32>
    %add3A_42 = arith.addf %add3A, %dot_general3A_41 : vector<512x32xf32>
    %get3A_43 = arith.constant 2 : index
    %get3A_44 = arith.constant 0 : index
    %get3A_45 = arith.constant 0 : index
    %get3A_46 = vector.load %arg3[%get3A_43, %get3A_44, %get3A_45] : memref<32x512x128xf32, #tpu.memory_space<vmem>>, vector<1x512x128xf32>
    %get3A_47 = vector.shape_cast %get3A_46 : vector<1x512x128xf32> to vector<512x128xf32>
    %mul3A_48 = arith.mulf %get3A_1, %get3A_47 : vector<512x128xf32>
    %eq3A_49 = arith.constant 2 : i32
    %eq3A_50 = vector.broadcast %eq3A_49 : i32 to vector<1x32xi32>
    %eq3A_51 = arith.cmpi eq, %iota3A, %eq3A_50 : vector<1x32xi32>
    %convert_element_type3A_52 = arith.extui %eq3A_51 : vector<1x32xi1> to vector<1x32xi32>
    %convert_element_type3A_53 = arith.sitofp %convert_element_type3A_52 : vector<1x32xi32> to vector<1x32xf32>
    %mul3A_54 = vector.broadcast %convert_element_type3A_53 : vector<1x32xf32> to vector<128x32xf32>
    %mul3A_55 = arith.mulf %broadcast_in_dim3A_11, %mul3A_54 : vector<128x32xf32>
    %dot_general3A_56 = arith.constant dense<0.000000e+00> : vector<512x32xf32>
    %dot_general3A_57 = tpu.matmul %mul3A_48, %mul3A_55, %dot_general3A_56 {dimension_numbers = #tpu.dot_dimension_numbers<[1], [0], [0], [1], [0, 0, 1, 1], [], []>, transpose_lhs_hint = false} : vector<512x128xf32>, vector<128x32xf32>, vector<512x32xf32> -> vector<512x32xf32>
    %add3A_58 = arith.addf %add3A_42, %dot_general3A_57 : vector<512x32xf32>
    %get3A_59 = arith.constant 3 : index
    %get3A_60 = arith.constant 0 : index
    %get3A_61 = arith.constant 0 : index
    %get3A_62 = vector.load %arg3[%get3A_59, %get3A_60, %get3A_61] : memref<32x512x128xf32, #tpu.memory_space<vmem>>, vector<1x512x128xf32>
    %get3A_63 = vector.shape_cast %get3A_62 : vector<1x512x128xf32> to vector<512x128xf32>
    %mul3A_64 = arith.mulf %get3A_1, %get3A_63 : vector<512x128xf32>
    %eq3A_65 = arith.constant 3 : i32
    %eq3A_66 = vector.broadcast %eq3A_65 : i32 to vector<1x32xi32>
    %eq3A_67 = arith.cmpi eq, %iota3A, %eq3A_66 : vector<1x32xi32>
    %convert_element_type3A_68 = arith.extui %eq3A_67 : vector<1x32xi1> to vector<1x32xi32>
    %convert_element_type3A_69 = arith.sitofp %convert_element_type3A_68 : vector<1x32xi32> to vector<1x32xf32>
    %mul3A_70 = vector.broadcast %convert_element_type3A_69 : vector<1x32xf32> to vector<128x32xf32>
    %mul3A_71 = arith.mulf %broadcast_in_dim3A_11, %mul3A_70 : vector<128x32xf32>
    %dot_general3A_72 = arith.constant dense<0.000000e+00> : vector<512x32xf32>
    %dot_general3A_73 = tpu.matmul %mul3A_64, %mul3A_71, %dot_general3A_72 {dimension_numbers = #tpu.dot_dimension_numbers<[1], [0], [0], [1], [0, 0, 1, 1], [], []>, transpose_lhs_hint = false} : vector<512x128xf32>, vector<128x32xf32>, vector<512x32xf32> -> vector<512x32xf32>
    %add3A_74 = arith.addf %add3A_58, %dot_general3A_73 : vector<512x32xf32>
    %get3A_75 = arith.constant 4 : index
    %get3A_76 = arith.constant 0 : index
    %get3A_77 = arith.constant 0 : index
    %get3A_78 = vector.load %arg3[%get3A_75, %get3A_76, %get3A_77] : memref<32x512x128xf32, #tpu.memory_space<vmem>>, vector<1x512x128xf32>
    %get3A_79 = vector.shape_cast %get3A_78 : vector<1x512x128xf32> to vector<512x128xf32>
    %mul3A_80 = arith.mulf %get3A_1, %get3A_79 : vector<512x128xf32>
    %eq3A_81 = arith.constant 4 : i32
    %eq3A_82 = vector.broadcast %eq3A_81 : i32 to vector<1x32xi32>
    %eq3A_83 = arith.cmpi eq, %iota3A, %eq3A_82 : vector<1x32xi32>
    %convert_element_type3A_84 = arith.extui %eq3A_83 : vector<1x32xi1> to vector<1x32xi32>
    %convert_element_type3A_85 = arith.sitofp %convert_element_type3A_84 : vector<1x32xi32> to vector<1x32xf32>
    %mul3A_86 = vector.broadcast %convert_element_type3A_85 : vector<1x32xf32> to vector<128x32xf32>
    %mul3A_87 = arith.mulf %broadcast_in_dim3A_11, %mul3A_86 : vector<128x32xf32>
    %dot_general3A_88 = arith.constant dense<0.000000e+00> : vector<512x32xf32>
    %dot_general3A_89 = tpu.matmul %mul3A_80, %mul3A_87, %dot_general3A_88 {dimension_numbers = #tpu.dot_dimension_numbers<[1], [0], [0], [1], [0, 0, 1, 1], [], []>, transpose_lhs_hint = false} : vector<512x128xf32>, vector<128x32xf32>, vector<512x32xf32> -> vector<512x32xf32>
    %add3A_90 = arith.addf %add3A_74, %dot_general3A_89 : vector<512x32xf32>
    %get3A_91 = arith.constant 5 : index
    %get3A_92 = arith.constant 0 : index
    %get3A_93 = arith.constant 0 : index
    %get3A_94 = vector.load %arg3[%get3A_91, %get3A_92, %get3A_93] : memref<32x512x128xf32, #tpu.memory_space<vmem>>, vector<1x512x128xf32>
    %get3A_95 = vector.shape_cast %get3A_94 : vector<1x512x128xf32> to vector<512x128xf32>
    %mul3A_96 = arith.mulf %get3A_1, %get3A_95 : vector<512x128xf32>
    %eq3A_97 = arith.constant 5 : i32
    %eq3A_98 = vector.broadcast %eq3A_97 : i32 to vector<1x32xi32>
    %eq3A_99 = arith.cmpi eq, %iota3A, %eq3A_98 : vector<1x32xi32>
    %convert_element_type3A_100 = arith.extui %eq3A_99 : vector<1x32xi1> to vector<1x32xi32>
    %convert_element_type3A_101 = arith.sitofp %convert_element_type3A_100 : vector<1x32xi32> to vector<1x32xf32>
    %mul3A_102 = vector.broadcast %convert_element_type3A_101 : vector<1x32xf32> to vector<128x32xf32>
    %mul3A_103 = arith.mulf %broadcast_in_dim3A_11, %mul3A_102 : vector<128x32xf32>
    %dot_general3A_104 = arith.constant dense<0.000000e+00> : vector<512x32xf32>
    %dot_general3A_105 = tpu.matmul %mul3A_96, %mul3A_103, %dot_general3A_104 {dimension_numbers = #tpu.dot_dimension_numbers<[1], [0], [0], [1], [0, 0, 1, 1], [], []>, transpose_lhs_hint = false} : vector<512x128xf32>, vector<128x32xf32>, vector<512x32xf32> -> vector<512x32xf32>
    %add3A_106 = arith.addf %add3A_90, %dot_general3A_105 : vector<512x32xf32>
    %get3A_107 = arith.constant 6 : index
    %get3A_108 = arith.constant 0 : index
    %get3A_109 = arith.constant 0 : index
    %get3A_110 = vector.load %arg3[%get3A_107, %get3A_108, %get3A_109] : memref<32x512x128xf32, #tpu.memory_space<vmem>>, vector<1x512x128xf32>
    %get3A_111 = vector.shape_cast %get3A_110 : vector<1x512x128xf32> to vector<512x128xf32>
    %mul3A_112 = arith.mulf %get3A_1, %get3A_111 : vector<512x128xf32>
    %eq3A_113 = arith.constant 6 : i32
    %eq3A_114 = vector.broadcast %eq3A_113 : i32 to vector<1x32xi32>
    %eq3A_115 = arith.cmpi eq, %iota3A, %eq3A_114 : vector<1x32xi32>
    %convert_element_type3A_116 = arith.extui %eq3A_115 : vector<1x32xi1> to vector<1x32xi32>
    %convert_element_type3A_117 = arith.sitofp %convert_element_type3A_116 : vector<1x32xi32> to vector<1x32xf32>
    %mul3A_118 = vector.broadcast %convert_element_type3A_117 : vector<1x32xf32> to vector<128x32xf32>
    %mul3A_119 = arith.mulf %broadcast_in_dim3A_11, %mul3A_118 : vector<128x32xf32>
    %dot_general3A_120 = arith.constant dense<0.000000e+00> : vector<512x32xf32>
    %dot_general3A_121 = tpu.matmul %mul3A_112, %mul3A_119, %dot_general3A_120 {dimension_numbers = #tpu.dot_dimension_numbers<[1], [0], [0], [1], [0, 0, 1, 1], [], []>, transpose_lhs_hint = false} : vector<512x128xf32>, vector<128x32xf32>, vector<512x32xf32> -> vector<512x32xf32>
    %add3A_122 = arith.addf %add3A_106, %dot_general3A_121 : vector<512x32xf32>
    %get3A_123 = arith.constant 7 : index
    %get3A_124 = arith.constant 0 : index
    %get3A_125 = arith.constant 0 : index
    %get3A_126 = vector.load %arg3[%get3A_123, %get3A_124, %get3A_125] : memref<32x512x128xf32, #tpu.memory_space<vmem>>, vector<1x512x128xf32>
    %get3A_127 = vector.shape_cast %get3A_126 : vector<1x512x128xf32> to vector<512x128xf32>
    %mul3A_128 = arith.mulf %get3A_1, %get3A_127 : vector<512x128xf32>
    %eq3A_129 = arith.constant 7 : i32
    %eq3A_130 = vector.broadcast %eq3A_129 : i32 to vector<1x32xi32>
    %eq3A_131 = arith.cmpi eq, %iota3A, %eq3A_130 : vector<1x32xi32>
    %convert_element_type3A_132 = arith.extui %eq3A_131 : vector<1x32xi1> to vector<1x32xi32>
    %convert_element_type3A_133 = arith.sitofp %convert_element_type3A_132 : vector<1x32xi32> to vector<1x32xf32>
    %mul3A_134 = vector.broadcast %convert_element_type3A_133 : vector<1x32xf32> to vector<128x32xf32>
    %mul3A_135 = arith.mulf %broadcast_in_dim3A_11, %mul3A_134 : vector<128x32xf32>
    %dot_general3A_136 = arith.constant dense<0.000000e+00> : vector<512x32xf32>
    %dot_general3A_137 = tpu.matmul %mul3A_128, %mul3A_135, %dot_general3A_136 {dimension_numbers = #tpu.dot_dimension_numbers<[1], [0], [0], [1], [0, 0, 1, 1], [], []>, transpose_lhs_hint = false} : vector<512x128xf32>, vector<128x32xf32>, vector<512x32xf32> -> vector<512x32xf32>
    %add3A_138 = arith.addf %add3A_122, %dot_general3A_137 : vector<512x32xf32>
    %get3A_139 = arith.constant 8 : index
    %get3A_140 = arith.constant 0 : index
    %get3A_141 = arith.constant 0 : index
    %get3A_142 = vector.load %arg3[%get3A_139, %get3A_140, %get3A_141] : memref<32x512x128xf32, #tpu.memory_space<vmem>>, vector<1x512x128xf32>
    %get3A_143 = vector.shape_cast %get3A_142 : vector<1x512x128xf32> to vector<512x128xf32>
    %mul3A_144 = arith.mulf %get3A_1, %get3A_143 : vector<512x128xf32>
    %eq3A_145 = arith.constant 8 : i32
    %eq3A_146 = vector.broadcast %eq3A_145 : i32 to vector<1x32xi32>
    %eq3A_147 = arith.cmpi eq, %iota3A, %eq3A_146 : vector<1x32xi32>
    %convert_element_type3A_148 = arith.extui %eq3A_147 : vector<1x32xi1> to vector<1x32xi32>
    %convert_element_type3A_149 = arith.sitofp %convert_element_type3A_148 : vector<1x32xi32> to vector<1x32xf32>
    %mul3A_150 = vector.broadcast %convert_element_type3A_149 : vector<1x32xf32> to vector<128x32xf32>
    %mul3A_151 = arith.mulf %broadcast_in_dim3A_11, %mul3A_150 : vector<128x32xf32>
    %dot_general3A_152 = arith.constant dense<0.000000e+00> : vector<512x32xf32>
    %dot_general3A_153 = tpu.matmul %mul3A_144, %mul3A_151, %dot_general3A_152 {dimension_numbers = #tpu.dot_dimension_numbers<[1], [0], [0], [1], [0, 0, 1, 1], [], []>, transpose_lhs_hint = false} : vector<512x128xf32>, vector<128x32xf32>, vector<512x32xf32> -> vector<512x32xf32>
    %add3A_154 = arith.addf %add3A_138, %dot_general3A_153 : vector<512x32xf32>
    %get3A_155 = arith.constant 9 : index
    %get3A_156 = arith.constant 0 : index
    %get3A_157 = arith.constant 0 : index
    %get3A_158 = vector.load %arg3[%get3A_155, %get3A_156, %get3A_157] : memref<32x512x128xf32, #tpu.memory_space<vmem>>, vector<1x512x128xf32>
    %get3A_159 = vector.shape_cast %get3A_158 : vector<1x512x128xf32> to vector<512x128xf32>
    %mul3A_160 = arith.mulf %get3A_1, %get3A_159 : vector<512x128xf32>
    %eq3A_161 = arith.constant 9 : i32
    %eq3A_162 = vector.broadcast %eq3A_161 : i32 to vector<1x32xi32>
    %eq3A_163 = arith.cmpi eq, %iota3A, %eq3A_162 : vector<1x32xi32>
    %convert_element_type3A_164 = arith.extui %eq3A_163 : vector<1x32xi1> to vector<1x32xi32>
    %convert_element_type3A_165 = arith.sitofp %convert_element_type3A_164 : vector<1x32xi32> to vector<1x32xf32>
    %mul3A_166 = vector.broadcast %convert_element_type3A_165 : vector<1x32xf32> to vector<128x32xf32>
    %mul3A_167 = arith.mulf %broadcast_in_dim3A_11, %mul3A_166 : vector<128x32xf32>
    %dot_general3A_168 = arith.constant dense<0.000000e+00> : vector<512x32xf32>
    %dot_general3A_169 = tpu.matmul %mul3A_160, %mul3A_167, %dot_general3A_168 {dimension_numbers = #tpu.dot_dimension_numbers<[1], [0], [0], [1], [0, 0, 1, 1], [], []>, transpose_lhs_hint = false} : vector<512x128xf32>, vector<128x32xf32>, vector<512x32xf32> -> vector<512x32xf32>
    %add3A_170 = arith.addf %add3A_154, %dot_general3A_169 : vector<512x32xf32>
    %get3A_171 = arith.constant 10 : index
    %get3A_172 = arith.constant 0 : index
    %get3A_173 = arith.constant 0 : index
    %get3A_174 = vector.load %arg3[%get3A_171, %get3A_172, %get3A_173] : memref<32x512x128xf32, #tpu.memory_space<vmem>>, vector<1x512x128xf32>
    %get3A_175 = vector.shape_cast %get3A_174 : vector<1x512x128xf32> to vector<512x128xf32>
    %mul3A_176 = arith.mulf %get3A_1, %get3A_175 : vector<512x128xf32>
    %eq3A_177 = arith.constant 10 : i32
    %eq3A_178 = vector.broadcast %eq3A_177 : i32 to vector<1x32xi32>
    %eq3A_179 = arith.cmpi eq, %iota3A, %eq3A_178 : vector<1x32xi32>
    %convert_element_type3A_180 = arith.extui %eq3A_179 : vector<1x32xi1> to vector<1x32xi32>
    %convert_element_type3A_181 = arith.sitofp %convert_element_type3A_180 : vector<1x32xi32> to vector<1x32xf32>
    %mul3A_182 = vector.broadcast %convert_element_type3A_181 : vector<1x32xf32> to vector<128x32xf32>
    %mul3A_183 = arith.mulf %broadcast_in_dim3A_11, %mul3A_182 : vector<128x32xf32>
    %dot_general3A_184 = arith.constant dense<0.000000e+00> : vector<512x32xf32>
    %dot_general3A_185 = tpu.matmul %mul3A_176, %mul3A_183, %dot_general3A_184 {dimension_numbers = #tpu.dot_dimension_numbers<[1], [0], [0], [1], [0, 0, 1, 1], [], []>, transpose_lhs_hint = false} : vector<512x128xf32>, vector<128x32xf32>, vector<512x32xf32> -> vector<512x32xf32>
    %add3A_186 = arith.addf %add3A_170, %dot_general3A_185 : vector<512x32xf32>
    %get3A_187 = arith.constant 11 : index
    %get3A_188 = arith.constant 0 : index
    %get3A_189 = arith.constant 0 : index
    %get3A_190 = vector.load %arg3[%get3A_187, %get3A_188, %get3A_189] : memref<32x512x128xf32, #tpu.memory_space<vmem>>, vector<1x512x128xf32>
    %get3A_191 = vector.shape_cast %get3A_190 : vector<1x512x128xf32> to vector<512x128xf32>
    %mul3A_192 = arith.mulf %get3A_1, %get3A_191 : vector<512x128xf32>
    %eq3A_193 = arith.constant 11 : i32
    %eq3A_194 = vector.broadcast %eq3A_193 : i32 to vector<1x32xi32>
    %eq3A_195 = arith.cmpi eq, %iota3A, %eq3A_194 : vector<1x32xi32>
    %convert_element_type3A_196 = arith.extui %eq3A_195 : vector<1x32xi1> to vector<1x32xi32>
    %convert_element_type3A_197 = arith.sitofp %convert_element_type3A_196 : vector<1x32xi32> to vector<1x32xf32>
    %mul3A_198 = vector.broadcast %convert_element_type3A_197 : vector<1x32xf32> to vector<128x32xf32>
    %mul3A_199 = arith.mulf %broadcast_in_dim3A_11, %mul3A_198 : vector<128x32xf32>
    %dot_general3A_200 = arith.constant dense<0.000000e+00> : vector<512x32xf32>
    %dot_general3A_201 = tpu.matmul %mul3A_192, %mul3A_199, %dot_general3A_200 {dimension_numbers = #tpu.dot_dimension_numbers<[1], [0], [0], [1], [0, 0, 1, 1], [], []>, transpose_lhs_hint = false} : vector<512x128xf32>, vector<128x32xf32>, vector<512x32xf32> -> vector<512x32xf32>
    %add3A_202 = arith.addf %add3A_186, %dot_general3A_201 : vector<512x32xf32>
    %get3A_203 = arith.constant 12 : index
    %get3A_204 = arith.constant 0 : index
    %get3A_205 = arith.constant 0 : index
    %get3A_206 = vector.load %arg3[%get3A_203, %get3A_204, %get3A_205] : memref<32x512x128xf32, #tpu.memory_space<vmem>>, vector<1x512x128xf32>
    %get3A_207 = vector.shape_cast %get3A_206 : vector<1x512x128xf32> to vector<512x128xf32>
    %mul3A_208 = arith.mulf %get3A_1, %get3A_207 : vector<512x128xf32>
    %eq3A_209 = arith.constant 12 : i32
    %eq3A_210 = vector.broadcast %eq3A_209 : i32 to vector<1x32xi32>
    %eq3A_211 = arith.cmpi eq, %iota3A, %eq3A_210 : vector<1x32xi32>
    %convert_element_type3A_212 = arith.extui %eq3A_211 : vector<1x32xi1> to vector<1x32xi32>
    %convert_element_type3A_213 = arith.sitofp %convert_element_type3A_212 : vector<1x32xi32> to vector<1x32xf32>
    %mul3A_214 = vector.broadcast %convert_element_type3A_213 : vector<1x32xf32> to vector<128x32xf32>
    %mul3A_215 = arith.mulf %broadcast_in_dim3A_11, %mul3A_214 : vector<128x32xf32>
    %dot_general3A_216 = arith.constant dense<0.000000e+00> : vector<512x32xf32>
    %dot_general3A_217 = tpu.matmul %mul3A_208, %mul3A_215, %dot_general3A_216 {dimension_numbers = #tpu.dot_dimension_numbers<[1], [0], [0], [1], [0, 0, 1, 1], [], []>, transpose_lhs_hint = false} : vector<512x128xf32>, vector<128x32xf32>, vector<512x32xf32> -> vector<512x32xf32>
    %add3A_218 = arith.addf %add3A_202, %dot_general3A_217 : vector<512x32xf32>
    %get3A_219 = arith.constant 13 : index
    %get3A_220 = arith.constant 0 : index
    %get3A_221 = arith.constant 0 : index
    %get3A_222 = vector.load %arg3[%get3A_219, %get3A_220, %get3A_221] : memref<32x512x128xf32, #tpu.memory_space<vmem>>, vector<1x512x128xf32>
    %get3A_223 = vector.shape_cast %get3A_222 : vector<1x512x128xf32> to vector<512x128xf32>
    %mul3A_224 = arith.mulf %get3A_1, %get3A_223 : vector<512x128xf32>
    %eq3A_225 = arith.constant 13 : i32
    %eq3A_226 = vector.broadcast %eq3A_225 : i32 to vector<1x32xi32>
    %eq3A_227 = arith.cmpi eq, %iota3A, %eq3A_226 : vector<1x32xi32>
    %convert_element_type3A_228 = arith.extui %eq3A_227 : vector<1x32xi1> to vector<1x32xi32>
    %convert_element_type3A_229 = arith.sitofp %convert_element_type3A_228 : vector<1x32xi32> to vector<1x32xf32>
    %mul3A_230 = vector.broadcast %convert_element_type3A_229 : vector<1x32xf32> to vector<128x32xf32>
    %mul3A_231 = arith.mulf %broadcast_in_dim3A_11, %mul3A_230 : vector<128x32xf32>
    %dot_general3A_232 = arith.constant dense<0.000000e+00> : vector<512x32xf32>
    %dot_general3A_233 = tpu.matmul %mul3A_224, %mul3A_231, %dot_general3A_232 {dimension_numbers = #tpu.dot_dimension_numbers<[1], [0], [0], [1], [0, 0, 1, 1], [], []>, transpose_lhs_hint = false} : vector<512x128xf32>, vector<128x32xf32>, vector<512x32xf32> -> vector<512x32xf32>
    %add3A_234 = arith.addf %add3A_218, %dot_general3A_233 : vector<512x32xf32>
    %get3A_235 = arith.constant 14 : index
    %get3A_236 = arith.constant 0 : index
    %get3A_237 = arith.constant 0 : index
    %get3A_238 = vector.load %arg3[%get3A_235, %get3A_236, %get3A_237] : memref<32x512x128xf32, #tpu.memory_space<vmem>>, vector<1x512x128xf32>
    %get3A_239 = vector.shape_cast %get3A_238 : vector<1x512x128xf32> to vector<512x128xf32>
    %mul3A_240 = arith.mulf %get3A_1, %get3A_239 : vector<512x128xf32>
    %eq3A_241 = arith.constant 14 : i32
    %eq3A_242 = vector.broadcast %eq3A_241 : i32 to vector<1x32xi32>
    %eq3A_243 = arith.cmpi eq, %iota3A, %eq3A_242 : vector<1x32xi32>
    %convert_element_type3A_244 = arith.extui %eq3A_243 : vector<1x32xi1> to vector<1x32xi32>
    %convert_element_type3A_245 = arith.sitofp %convert_element_type3A_244 : vector<1x32xi32> to vector<1x32xf32>
    %mul3A_246 = vector.broadcast %convert_element_type3A_245 : vector<1x32xf32> to vector<128x32xf32>
    %mul3A_247 = arith.mulf %broadcast_in_dim3A_11, %mul3A_246 : vector<128x32xf32>
    %dot_general3A_248 = arith.constant dense<0.000000e+00> : vector<512x32xf32>
    %dot_general3A_249 = tpu.matmul %mul3A_240, %mul3A_247, %dot_general3A_248 {dimension_numbers = #tpu.dot_dimension_numbers<[1], [0], [0], [1], [0, 0, 1, 1], [], []>, transpose_lhs_hint = false} : vector<512x128xf32>, vector<128x32xf32>, vector<512x32xf32> -> vector<512x32xf32>
    %add3A_250 = arith.addf %add3A_234, %dot_general3A_249 : vector<512x32xf32>
    %get3A_251 = arith.constant 15 : index
    %get3A_252 = arith.constant 0 : index
    %get3A_253 = arith.constant 0 : index
    %get3A_254 = vector.load %arg3[%get3A_251, %get3A_252, %get3A_253] : memref<32x512x128xf32, #tpu.memory_space<vmem>>, vector<1x512x128xf32>
    %get3A_255 = vector.shape_cast %get3A_254 : vector<1x512x128xf32> to vector<512x128xf32>
    %mul3A_256 = arith.mulf %get3A_1, %get3A_255 : vector<512x128xf32>
    %eq3A_257 = arith.constant 15 : i32
    %eq3A_258 = vector.broadcast %eq3A_257 : i32 to vector<1x32xi32>
    %eq3A_259 = arith.cmpi eq, %iota3A, %eq3A_258 : vector<1x32xi32>
    %convert_element_type3A_260 = arith.extui %eq3A_259 : vector<1x32xi1> to vector<1x32xi32>
    %convert_element_type3A_261 = arith.sitofp %convert_element_type3A_260 : vector<1x32xi32> to vector<1x32xf32>
    %mul3A_262 = vector.broadcast %convert_element_type3A_261 : vector<1x32xf32> to vector<128x32xf32>
    %mul3A_263 = arith.mulf %broadcast_in_dim3A_11, %mul3A_262 : vector<128x32xf32>
    %dot_general3A_264 = arith.constant dense<0.000000e+00> : vector<512x32xf32>
    %dot_general3A_265 = tpu.matmul %mul3A_256, %mul3A_263, %dot_general3A_264 {dimension_numbers = #tpu.dot_dimension_numbers<[1], [0], [0], [1], [0, 0, 1, 1], [], []>, transpose_lhs_hint = false} : vector<512x128xf32>, vector<128x32xf32>, vector<512x32xf32> -> vector<512x32xf32>
    %add3A_266 = arith.addf %add3A_250, %dot_general3A_265 : vector<512x32xf32>
    %get3A_267 = arith.constant 16 : index
    %get3A_268 = arith.constant 0 : index
    %get3A_269 = arith.constant 0 : index
    %get3A_270 = vector.load %arg3[%get3A_267, %get3A_268, %get3A_269] : memref<32x512x128xf32, #tpu.memory_space<vmem>>, vector<1x512x128xf32>
    %get3A_271 = vector.shape_cast %get3A_270 : vector<1x512x128xf32> to vector<512x128xf32>
    %mul3A_272 = arith.mulf %get3A_1, %get3A_271 : vector<512x128xf32>
    %eq3A_273 = arith.constant 16 : i32
    %eq3A_274 = vector.broadcast %eq3A_273 : i32 to vector<1x32xi32>
    %eq3A_275 = arith.cmpi eq, %iota3A, %eq3A_274 : vector<1x32xi32>
    %convert_element_type3A_276 = arith.extui %eq3A_275 : vector<1x32xi1> to vector<1x32xi32>
    %convert_element_type3A_277 = arith.sitofp %convert_element_type3A_276 : vector<1x32xi32> to vector<1x32xf32>
    %mul3A_278 = vector.broadcast %convert_element_type3A_277 : vector<1x32xf32> to vector<128x32xf32>
    %mul3A_279 = arith.mulf %broadcast_in_dim3A_11, %mul3A_278 : vector<128x32xf32>
    %dot_general3A_280 = arith.constant dense<0.000000e+00> : vector<512x32xf32>
    %dot_general3A_281 = tpu.matmul %mul3A_272, %mul3A_279, %dot_general3A_280 {dimension_numbers = #tpu.dot_dimension_numbers<[1], [0], [0], [1], [0, 0, 1, 1], [], []>, transpose_lhs_hint = false} : vector<512x128xf32>, vector<128x32xf32>, vector<512x32xf32> -> vector<512x32xf32>
    %add3A_282 = arith.addf %add3A_266, %dot_general3A_281 : vector<512x32xf32>
    %get3A_283 = arith.constant 17 : index
    %get3A_284 = arith.constant 0 : index
    %get3A_285 = arith.constant 0 : index
    %get3A_286 = vector.load %arg3[%get3A_283, %get3A_284, %get3A_285] : memref<32x512x128xf32, #tpu.memory_space<vmem>>, vector<1x512x128xf32>
    %get3A_287 = vector.shape_cast %get3A_286 : vector<1x512x128xf32> to vector<512x128xf32>
    %mul3A_288 = arith.mulf %get3A_1, %get3A_287 : vector<512x128xf32>
    %eq3A_289 = arith.constant 17 : i32
    %eq3A_290 = vector.broadcast %eq3A_289 : i32 to vector<1x32xi32>
    %eq3A_291 = arith.cmpi eq, %iota3A, %eq3A_290 : vector<1x32xi32>
    %convert_element_type3A_292 = arith.extui %eq3A_291 : vector<1x32xi1> to vector<1x32xi32>
    %convert_element_type3A_293 = arith.sitofp %convert_element_type3A_292 : vector<1x32xi32> to vector<1x32xf32>
    %mul3A_294 = vector.broadcast %convert_element_type3A_293 : vector<1x32xf32> to vector<128x32xf32>
    %mul3A_295 = arith.mulf %broadcast_in_dim3A_11, %mul3A_294 : vector<128x32xf32>
    %dot_general3A_296 = arith.constant dense<0.000000e+00> : vector<512x32xf32>
    %dot_general3A_297 = tpu.matmul %mul3A_288, %mul3A_295, %dot_general3A_296 {dimension_numbers = #tpu.dot_dimension_numbers<[1], [0], [0], [1], [0, 0, 1, 1], [], []>, transpose_lhs_hint = false} : vector<512x128xf32>, vector<128x32xf32>, vector<512x32xf32> -> vector<512x32xf32>
    %add3A_298 = arith.addf %add3A_282, %dot_general3A_297 : vector<512x32xf32>
    %get3A_299 = arith.constant 18 : index
    %get3A_300 = arith.constant 0 : index
    %get3A_301 = arith.constant 0 : index
    %get3A_302 = vector.load %arg3[%get3A_299, %get3A_300, %get3A_301] : memref<32x512x128xf32, #tpu.memory_space<vmem>>, vector<1x512x128xf32>
    %get3A_303 = vector.shape_cast %get3A_302 : vector<1x512x128xf32> to vector<512x128xf32>
    %mul3A_304 = arith.mulf %get3A_1, %get3A_303 : vector<512x128xf32>
    %eq3A_305 = arith.constant 18 : i32
    %eq3A_306 = vector.broadcast %eq3A_305 : i32 to vector<1x32xi32>
    %eq3A_307 = arith.cmpi eq, %iota3A, %eq3A_306 : vector<1x32xi32>
    %convert_element_type3A_308 = arith.extui %eq3A_307 : vector<1x32xi1> to vector<1x32xi32>
    %convert_element_type3A_309 = arith.sitofp %convert_element_type3A_308 : vector<1x32xi32> to vector<1x32xf32>
    %mul3A_310 = vector.broadcast %convert_element_type3A_309 : vector<1x32xf32> to vector<128x32xf32>
    %mul3A_311 = arith.mulf %broadcast_in_dim3A_11, %mul3A_310 : vector<128x32xf32>
    %dot_general3A_312 = arith.constant dense<0.000000e+00> : vector<512x32xf32>
    %dot_general3A_313 = tpu.matmul %mul3A_304, %mul3A_311, %dot_general3A_312 {dimension_numbers = #tpu.dot_dimension_numbers<[1], [0], [0], [1], [0, 0, 1, 1], [], []>, transpose_lhs_hint = false} : vector<512x128xf32>, vector<128x32xf32>, vector<512x32xf32> -> vector<512x32xf32>
    %add3A_314 = arith.addf %add3A_298, %dot_general3A_313 : vector<512x32xf32>
    %get3A_315 = arith.constant 19 : index
    %get3A_316 = arith.constant 0 : index
    %get3A_317 = arith.constant 0 : index
    %get3A_318 = vector.load %arg3[%get3A_315, %get3A_316, %get3A_317] : memref<32x512x128xf32, #tpu.memory_space<vmem>>, vector<1x512x128xf32>
    %get3A_319 = vector.shape_cast %get3A_318 : vector<1x512x128xf32> to vector<512x128xf32>
    %mul3A_320 = arith.mulf %get3A_1, %get3A_319 : vector<512x128xf32>
    %eq3A_321 = arith.constant 19 : i32
    %eq3A_322 = vector.broadcast %eq3A_321 : i32 to vector<1x32xi32>
    %eq3A_323 = arith.cmpi eq, %iota3A, %eq3A_322 : vector<1x32xi32>
    %convert_element_type3A_324 = arith.extui %eq3A_323 : vector<1x32xi1> to vector<1x32xi32>
    %convert_element_type3A_325 = arith.sitofp %convert_element_type3A_324 : vector<1x32xi32> to vector<1x32xf32>
    %mul3A_326 = vector.broadcast %convert_element_type3A_325 : vector<1x32xf32> to vector<128x32xf32>
    %mul3A_327 = arith.mulf %broadcast_in_dim3A_11, %mul3A_326 : vector<128x32xf32>
    %dot_general3A_328 = arith.constant dense<0.000000e+00> : vector<512x32xf32>
    %dot_general3A_329 = tpu.matmul %mul3A_320, %mul3A_327, %dot_general3A_328 {dimension_numbers = #tpu.dot_dimension_numbers<[1], [0], [0], [1], [0, 0, 1, 1], [], []>, transpose_lhs_hint = false} : vector<512x128xf32>, vector<128x32xf32>, vector<512x32xf32> -> vector<512x32xf32>
    %add3A_330 = arith.addf %add3A_314, %dot_general3A_329 : vector<512x32xf32>
    %get3A_331 = arith.constant 20 : index
    %get3A_332 = arith.constant 0 : index
    %get3A_333 = arith.constant 0 : index
    %get3A_334 = vector.load %arg3[%get3A_331, %get3A_332, %get3A_333] : memref<32x512x128xf32, #tpu.memory_space<vmem>>, vector<1x512x128xf32>
    %get3A_335 = vector.shape_cast %get3A_334 : vector<1x512x128xf32> to vector<512x128xf32>
    %mul3A_336 = arith.mulf %get3A_1, %get3A_335 : vector<512x128xf32>
    %eq3A_337 = arith.constant 20 : i32
    %eq3A_338 = vector.broadcast %eq3A_337 : i32 to vector<1x32xi32>
    %eq3A_339 = arith.cmpi eq, %iota3A, %eq3A_338 : vector<1x32xi32>
    %convert_element_type3A_340 = arith.extui %eq3A_339 : vector<1x32xi1> to vector<1x32xi32>
    %convert_element_type3A_341 = arith.sitofp %convert_element_type3A_340 : vector<1x32xi32> to vector<1x32xf32>
    %mul3A_342 = vector.broadcast %convert_element_type3A_341 : vector<1x32xf32> to vector<128x32xf32>
    %mul3A_343 = arith.mulf %broadcast_in_dim3A_11, %mul3A_342 : vector<128x32xf32>
    %dot_general3A_344 = arith.constant dense<0.000000e+00> : vector<512x32xf32>
    %dot_general3A_345 = tpu.matmul %mul3A_336, %mul3A_343, %dot_general3A_344 {dimension_numbers = #tpu.dot_dimension_numbers<[1], [0], [0], [1], [0, 0, 1, 1], [], []>, transpose_lhs_hint = false} : vector<512x128xf32>, vector<128x32xf32>, vector<512x32xf32> -> vector<512x32xf32>
    %add3A_346 = arith.addf %add3A_330, %dot_general3A_345 : vector<512x32xf32>
    %get3A_347 = arith.constant 21 : index
    %get3A_348 = arith.constant 0 : index
    %get3A_349 = arith.constant 0 : index
    %get3A_350 = vector.load %arg3[%get3A_347, %get3A_348, %get3A_349] : memref<32x512x128xf32, #tpu.memory_space<vmem>>, vector<1x512x128xf32>
    %get3A_351 = vector.shape_cast %get3A_350 : vector<1x512x128xf32> to vector<512x128xf32>
    %mul3A_352 = arith.mulf %get3A_1, %get3A_351 : vector<512x128xf32>
    %eq3A_353 = arith.constant 21 : i32
    %eq3A_354 = vector.broadcast %eq3A_353 : i32 to vector<1x32xi32>
    %eq3A_355 = arith.cmpi eq, %iota3A, %eq3A_354 : vector<1x32xi32>
    %convert_element_type3A_356 = arith.extui %eq3A_355 : vector<1x32xi1> to vector<1x32xi32>
    %convert_element_type3A_357 = arith.sitofp %convert_element_type3A_356 : vector<1x32xi32> to vector<1x32xf32>
    %mul3A_358 = vector.broadcast %convert_element_type3A_357 : vector<1x32xf32> to vector<128x32xf32>
    %mul3A_359 = arith.mulf %broadcast_in_dim3A_11, %mul3A_358 : vector<128x32xf32>
    %dot_general3A_360 = arith.constant dense<0.000000e+00> : vector<512x32xf32>
    %dot_general3A_361 = tpu.matmul %mul3A_352, %mul3A_359, %dot_general3A_360 {dimension_numbers = #tpu.dot_dimension_numbers<[1], [0], [0], [1], [0, 0, 1, 1], [], []>, transpose_lhs_hint = false} : vector<512x128xf32>, vector<128x32xf32>, vector<512x32xf32> -> vector<512x32xf32>
    %add3A_362 = arith.addf %add3A_346, %dot_general3A_361 : vector<512x32xf32>
    %get3A_363 = arith.constant 22 : index
    %get3A_364 = arith.constant 0 : index
    %get3A_365 = arith.constant 0 : index
    %get3A_366 = vector.load %arg3[%get3A_363, %get3A_364, %get3A_365] : memref<32x512x128xf32, #tpu.memory_space<vmem>>, vector<1x512x128xf32>
    %get3A_367 = vector.shape_cast %get3A_366 : vector<1x512x128xf32> to vector<512x128xf32>
    %mul3A_368 = arith.mulf %get3A_1, %get3A_367 : vector<512x128xf32>
    %eq3A_369 = arith.constant 22 : i32
    %eq3A_370 = vector.broadcast %eq3A_369 : i32 to vector<1x32xi32>
    %eq3A_371 = arith.cmpi eq, %iota3A, %eq3A_370 : vector<1x32xi32>
    %convert_element_type3A_372 = arith.extui %eq3A_371 : vector<1x32xi1> to vector<1x32xi32>
    %convert_element_type3A_373 = arith.sitofp %convert_element_type3A_372 : vector<1x32xi32> to vector<1x32xf32>
    %mul3A_374 = vector.broadcast %convert_element_type3A_373 : vector<1x32xf32> to vector<128x32xf32>
    %mul3A_375 = arith.mulf %broadcast_in_dim3A_11, %mul3A_374 : vector<128x32xf32>
    %dot_general3A_376 = arith.constant dense<0.000000e+00> : vector<512x32xf32>
    %dot_general3A_377 = tpu.matmul %mul3A_368, %mul3A_375, %dot_general3A_376 {dimension_numbers = #tpu.dot_dimension_numbers<[1], [0], [0], [1], [0, 0, 1, 1], [], []>, transpose_lhs_hint = false} : vector<512x128xf32>, vector<128x32xf32>, vector<512x32xf32> -> vector<512x32xf32>
    %add3A_378 = arith.addf %add3A_362, %dot_general3A_377 : vector<512x32xf32>
    %get3A_379 = arith.constant 23 : index
    %get3A_380 = arith.constant 0 : index
    %get3A_381 = arith.constant 0 : index
    %get3A_382 = vector.load %arg3[%get3A_379, %get3A_380, %get3A_381] : memref<32x512x128xf32, #tpu.memory_space<vmem>>, vector<1x512x128xf32>
    %get3A_383 = vector.shape_cast %get3A_382 : vector<1x512x128xf32> to vector<512x128xf32>
    %mul3A_384 = arith.mulf %get3A_1, %get3A_383 : vector<512x128xf32>
    %eq3A_385 = arith.constant 23 : i32
    %eq3A_386 = vector.broadcast %eq3A_385 : i32 to vector<1x32xi32>
    %eq3A_387 = arith.cmpi eq, %iota3A, %eq3A_386 : vector<1x32xi32>
    %convert_element_type3A_388 = arith.extui %eq3A_387 : vector<1x32xi1> to vector<1x32xi32>
    %convert_element_type3A_389 = arith.sitofp %convert_element_type3A_388 : vector<1x32xi32> to vector<1x32xf32>
    %mul3A_390 = vector.broadcast %convert_element_type3A_389 : vector<1x32xf32> to vector<128x32xf32>
    %mul3A_391 = arith.mulf %broadcast_in_dim3A_11, %mul3A_390 : vector<128x32xf32>
    %dot_general3A_392 = arith.constant dense<0.000000e+00> : vector<512x32xf32>
    %dot_general3A_393 = tpu.matmul %mul3A_384, %mul3A_391, %dot_general3A_392 {dimension_numbers = #tpu.dot_dimension_numbers<[1], [0], [0], [1], [0, 0, 1, 1], [], []>, transpose_lhs_hint = false} : vector<512x128xf32>, vector<128x32xf32>, vector<512x32xf32> -> vector<512x32xf32>
    %add3A_394 = arith.addf %add3A_378, %dot_general3A_393 : vector<512x32xf32>
    %get3A_395 = arith.constant 24 : index
    %get3A_396 = arith.constant 0 : index
    %get3A_397 = arith.constant 0 : index
    %get3A_398 = vector.load %arg3[%get3A_395, %get3A_396, %get3A_397] : memref<32x512x128xf32, #tpu.memory_space<vmem>>, vector<1x512x128xf32>
    %get3A_399 = vector.shape_cast %get3A_398 : vector<1x512x128xf32> to vector<512x128xf32>
    %mul3A_400 = arith.mulf %get3A_1, %get3A_399 : vector<512x128xf32>
    %eq3A_401 = arith.constant 24 : i32
    %eq3A_402 = vector.broadcast %eq3A_401 : i32 to vector<1x32xi32>
    %eq3A_403 = arith.cmpi eq, %iota3A, %eq3A_402 : vector<1x32xi32>
    %convert_element_type3A_404 = arith.extui %eq3A_403 : vector<1x32xi1> to vector<1x32xi32>
    %convert_element_type3A_405 = arith.sitofp %convert_element_type3A_404 : vector<1x32xi32> to vector<1x32xf32>
    %mul3A_406 = vector.broadcast %convert_element_type3A_405 : vector<1x32xf32> to vector<128x32xf32>
    %mul3A_407 = arith.mulf %broadcast_in_dim3A_11, %mul3A_406 : vector<128x32xf32>
    %dot_general3A_408 = arith.constant dense<0.000000e+00> : vector<512x32xf32>
    %dot_general3A_409 = tpu.matmul %mul3A_400, %mul3A_407, %dot_general3A_408 {dimension_numbers = #tpu.dot_dimension_numbers<[1], [0], [0], [1], [0, 0, 1, 1], [], []>, transpose_lhs_hint = false} : vector<512x128xf32>, vector<128x32xf32>, vector<512x32xf32> -> vector<512x32xf32>
    %add3A_410 = arith.addf %add3A_394, %dot_general3A_409 : vector<512x32xf32>
    %get3A_411 = arith.constant 25 : index
    %get3A_412 = arith.constant 0 : index
    %get3A_413 = arith.constant 0 : index
    %get3A_414 = vector.load %arg3[%get3A_411, %get3A_412, %get3A_413] : memref<32x512x128xf32, #tpu.memory_space<vmem>>, vector<1x512x128xf32>
    %get3A_415 = vector.shape_cast %get3A_414 : vector<1x512x128xf32> to vector<512x128xf32>
    %mul3A_416 = arith.mulf %get3A_1, %get3A_415 : vector<512x128xf32>
    %eq3A_417 = arith.constant 25 : i32
    %eq3A_418 = vector.broadcast %eq3A_417 : i32 to vector<1x32xi32>
    %eq3A_419 = arith.cmpi eq, %iota3A, %eq3A_418 : vector<1x32xi32>
    %convert_element_type3A_420 = arith.extui %eq3A_419 : vector<1x32xi1> to vector<1x32xi32>
    %convert_element_type3A_421 = arith.sitofp %convert_element_type3A_420 : vector<1x32xi32> to vector<1x32xf32>
    %mul3A_422 = vector.broadcast %convert_element_type3A_421 : vector<1x32xf32> to vector<128x32xf32>
    %mul3A_423 = arith.mulf %broadcast_in_dim3A_11, %mul3A_422 : vector<128x32xf32>
    %dot_general3A_424 = arith.constant dense<0.000000e+00> : vector<512x32xf32>
    %dot_general3A_425 = tpu.matmul %mul3A_416, %mul3A_423, %dot_general3A_424 {dimension_numbers = #tpu.dot_dimension_numbers<[1], [0], [0], [1], [0, 0, 1, 1], [], []>, transpose_lhs_hint = false} : vector<512x128xf32>, vector<128x32xf32>, vector<512x32xf32> -> vector<512x32xf32>
    %add3A_426 = arith.addf %add3A_410, %dot_general3A_425 : vector<512x32xf32>
    %get3A_427 = arith.constant 26 : index
    %get3A_428 = arith.constant 0 : index
    %get3A_429 = arith.constant 0 : index
    %get3A_430 = vector.load %arg3[%get3A_427, %get3A_428, %get3A_429] : memref<32x512x128xf32, #tpu.memory_space<vmem>>, vector<1x512x128xf32>
    %get3A_431 = vector.shape_cast %get3A_430 : vector<1x512x128xf32> to vector<512x128xf32>
    %mul3A_432 = arith.mulf %get3A_1, %get3A_431 : vector<512x128xf32>
    %eq3A_433 = arith.constant 26 : i32
    %eq3A_434 = vector.broadcast %eq3A_433 : i32 to vector<1x32xi32>
    %eq3A_435 = arith.cmpi eq, %iota3A, %eq3A_434 : vector<1x32xi32>
    %convert_element_type3A_436 = arith.extui %eq3A_435 : vector<1x32xi1> to vector<1x32xi32>
    %convert_element_type3A_437 = arith.sitofp %convert_element_type3A_436 : vector<1x32xi32> to vector<1x32xf32>
    %mul3A_438 = vector.broadcast %convert_element_type3A_437 : vector<1x32xf32> to vector<128x32xf32>
    %mul3A_439 = arith.mulf %broadcast_in_dim3A_11, %mul3A_438 : vector<128x32xf32>
    %dot_general3A_440 = arith.constant dense<0.000000e+00> : vector<512x32xf32>
    %dot_general3A_441 = tpu.matmul %mul3A_432, %mul3A_439, %dot_general3A_440 {dimension_numbers = #tpu.dot_dimension_numbers<[1], [0], [0], [1], [0, 0, 1, 1], [], []>, transpose_lhs_hint = false} : vector<512x128xf32>, vector<128x32xf32>, vector<512x32xf32> -> vector<512x32xf32>
    %add3A_442 = arith.addf %add3A_426, %dot_general3A_441 : vector<512x32xf32>
    %get3A_443 = arith.constant 27 : index
    %get3A_444 = arith.constant 0 : index
    %get3A_445 = arith.constant 0 : index
    %get3A_446 = vector.load %arg3[%get3A_443, %get3A_444, %get3A_445] : memref<32x512x128xf32, #tpu.memory_space<vmem>>, vector<1x512x128xf32>
    %get3A_447 = vector.shape_cast %get3A_446 : vector<1x512x128xf32> to vector<512x128xf32>
    %mul3A_448 = arith.mulf %get3A_1, %get3A_447 : vector<512x128xf32>
    %eq3A_449 = arith.constant 27 : i32
    %eq3A_450 = vector.broadcast %eq3A_449 : i32 to vector<1x32xi32>
    %eq3A_451 = arith.cmpi eq, %iota3A, %eq3A_450 : vector<1x32xi32>
    %convert_element_type3A_452 = arith.extui %eq3A_451 : vector<1x32xi1> to vector<1x32xi32>
    %convert_element_type3A_453 = arith.sitofp %convert_element_type3A_452 : vector<1x32xi32> to vector<1x32xf32>
    %mul3A_454 = vector.broadcast %convert_element_type3A_453 : vector<1x32xf32> to vector<128x32xf32>
    %mul3A_455 = arith.mulf %broadcast_in_dim3A_11, %mul3A_454 : vector<128x32xf32>
    %dot_general3A_456 = arith.constant dense<0.000000e+00> : vector<512x32xf32>
    %dot_general3A_457 = tpu.matmul %mul3A_448, %mul3A_455, %dot_general3A_456 {dimension_numbers = #tpu.dot_dimension_numbers<[1], [0], [0], [1], [0, 0, 1, 1], [], []>, transpose_lhs_hint = false} : vector<512x128xf32>, vector<128x32xf32>, vector<512x32xf32> -> vector<512x32xf32>
    %add3A_458 = arith.addf %add3A_442, %dot_general3A_457 : vector<512x32xf32>
    %get3A_459 = arith.constant 28 : index
    %get3A_460 = arith.constant 0 : index
    %get3A_461 = arith.constant 0 : index
    %get3A_462 = vector.load %arg3[%get3A_459, %get3A_460, %get3A_461] : memref<32x512x128xf32, #tpu.memory_space<vmem>>, vector<1x512x128xf32>
    %get3A_463 = vector.shape_cast %get3A_462 : vector<1x512x128xf32> to vector<512x128xf32>
    %mul3A_464 = arith.mulf %get3A_1, %get3A_463 : vector<512x128xf32>
    %eq3A_465 = arith.constant 28 : i32
    %eq3A_466 = vector.broadcast %eq3A_465 : i32 to vector<1x32xi32>
    %eq3A_467 = arith.cmpi eq, %iota3A, %eq3A_466 : vector<1x32xi32>
    %convert_element_type3A_468 = arith.extui %eq3A_467 : vector<1x32xi1> to vector<1x32xi32>
    %convert_element_type3A_469 = arith.sitofp %convert_element_type3A_468 : vector<1x32xi32> to vector<1x32xf32>
    %mul3A_470 = vector.broadcast %convert_element_type3A_469 : vector<1x32xf32> to vector<128x32xf32>
    %mul3A_471 = arith.mulf %broadcast_in_dim3A_11, %mul3A_470 : vector<128x32xf32>
    %dot_general3A_472 = arith.constant dense<0.000000e+00> : vector<512x32xf32>
    %dot_general3A_473 = tpu.matmul %mul3A_464, %mul3A_471, %dot_general3A_472 {dimension_numbers = #tpu.dot_dimension_numbers<[1], [0], [0], [1], [0, 0, 1, 1], [], []>, transpose_lhs_hint = false} : vector<512x128xf32>, vector<128x32xf32>, vector<512x32xf32> -> vector<512x32xf32>
    %add3A_474 = arith.addf %add3A_458, %dot_general3A_473 : vector<512x32xf32>
    %get3A_475 = arith.constant 29 : index
    %get3A_476 = arith.constant 0 : index
    %get3A_477 = arith.constant 0 : index
    %get3A_478 = vector.load %arg3[%get3A_475, %get3A_476, %get3A_477] : memref<32x512x128xf32, #tpu.memory_space<vmem>>, vector<1x512x128xf32>
    %get3A_479 = vector.shape_cast %get3A_478 : vector<1x512x128xf32> to vector<512x128xf32>
    %mul3A_480 = arith.mulf %get3A_1, %get3A_479 : vector<512x128xf32>
    %eq3A_481 = arith.constant 29 : i32
    %eq3A_482 = vector.broadcast %eq3A_481 : i32 to vector<1x32xi32>
    %eq3A_483 = arith.cmpi eq, %iota3A, %eq3A_482 : vector<1x32xi32>
    %convert_element_type3A_484 = arith.extui %eq3A_483 : vector<1x32xi1> to vector<1x32xi32>
    %convert_element_type3A_485 = arith.sitofp %convert_element_type3A_484 : vector<1x32xi32> to vector<1x32xf32>
    %mul3A_486 = vector.broadcast %convert_element_type3A_485 : vector<1x32xf32> to vector<128x32xf32>
    %mul3A_487 = arith.mulf %broadcast_in_dim3A_11, %mul3A_486 : vector<128x32xf32>
    %dot_general3A_488 = arith.constant dense<0.000000e+00> : vector<512x32xf32>
    %dot_general3A_489 = tpu.matmul %mul3A_480, %mul3A_487, %dot_general3A_488 {dimension_numbers = #tpu.dot_dimension_numbers<[1], [0], [0], [1], [0, 0, 1, 1], [], []>, transpose_lhs_hint = false} : vector<512x128xf32>, vector<128x32xf32>, vector<512x32xf32> -> vector<512x32xf32>
    %add3A_490 = arith.addf %add3A_474, %dot_general3A_489 : vector<512x32xf32>
    %get3A_491 = arith.constant 30 : index
    %get3A_492 = arith.constant 0 : index
    %get3A_493 = arith.constant 0 : index
    %get3A_494 = vector.load %arg3[%get3A_491, %get3A_492, %get3A_493] : memref<32x512x128xf32, #tpu.memory_space<vmem>>, vector<1x512x128xf32>
    %get3A_495 = vector.shape_cast %get3A_494 : vector<1x512x128xf32> to vector<512x128xf32>
    %mul3A_496 = arith.mulf %get3A_1, %get3A_495 : vector<512x128xf32>
    %eq3A_497 = arith.constant 30 : i32
    %eq3A_498 = vector.broadcast %eq3A_497 : i32 to vector<1x32xi32>
    %eq3A_499 = arith.cmpi eq, %iota3A, %eq3A_498 : vector<1x32xi32>
    %convert_element_type3A_500 = arith.extui %eq3A_499 : vector<1x32xi1> to vector<1x32xi32>
    %convert_element_type3A_501 = arith.sitofp %convert_element_type3A_500 : vector<1x32xi32> to vector<1x32xf32>
    %mul3A_502 = vector.broadcast %convert_element_type3A_501 : vector<1x32xf32> to vector<128x32xf32>
    %mul3A_503 = arith.mulf %broadcast_in_dim3A_11, %mul3A_502 : vector<128x32xf32>
    %dot_general3A_504 = arith.constant dense<0.000000e+00> : vector<512x32xf32>
    %dot_general3A_505 = tpu.matmul %mul3A_496, %mul3A_503, %dot_general3A_504 {dimension_numbers = #tpu.dot_dimension_numbers<[1], [0], [0], [1], [0, 0, 1, 1], [], []>, transpose_lhs_hint = false} : vector<512x128xf32>, vector<128x32xf32>, vector<512x32xf32> -> vector<512x32xf32>
    %add3A_506 = arith.addf %add3A_490, %dot_general3A_505 : vector<512x32xf32>
    %get3A_507 = arith.constant 31 : index
    %get3A_508 = arith.constant 0 : index
    %get3A_509 = arith.constant 0 : index
    %get3A_510 = vector.load %arg3[%get3A_507, %get3A_508, %get3A_509] : memref<32x512x128xf32, #tpu.memory_space<vmem>>, vector<1x512x128xf32>
    %get3A_511 = vector.shape_cast %get3A_510 : vector<1x512x128xf32> to vector<512x128xf32>
    %mul3A_512 = arith.mulf %get3A_1, %get3A_511 : vector<512x128xf32>
    %eq3A_513 = arith.constant 31 : i32
    %eq3A_514 = vector.broadcast %eq3A_513 : i32 to vector<1x32xi32>
    %eq3A_515 = arith.cmpi eq, %iota3A, %eq3A_514 : vector<1x32xi32>
    %convert_element_type3A_516 = arith.extui %eq3A_515 : vector<1x32xi1> to vector<1x32xi32>
    %convert_element_type3A_517 = arith.sitofp %convert_element_type3A_516 : vector<1x32xi32> to vector<1x32xf32>
    %mul3A_518 = vector.broadcast %convert_element_type3A_517 : vector<1x32xf32> to vector<128x32xf32>
    %mul3A_519 = arith.mulf %broadcast_in_dim3A_11, %mul3A_518 : vector<128x32xf32>
    %dot_general3A_520 = arith.constant dense<0.000000e+00> : vector<512x32xf32>
    %dot_general3A_521 = tpu.matmul %mul3A_512, %mul3A_519, %dot_general3A_520 {dimension_numbers = #tpu.dot_dimension_numbers<[1], [0], [0], [1], [0, 0, 1, 1], [], []>, transpose_lhs_hint = false} : vector<512x128xf32>, vector<128x32xf32>, vector<512x32xf32> -> vector<512x32xf32>
    %add3A_522 = arith.addf %add3A_506, %dot_general3A_521 : vector<512x32xf32>
    %reduce_max3A = arith.constant dense<0xFF800000> : vector<512xf32>
    %reduce_max3A_523 = vector.multi_reduction <maximumf>, %add3A_522, %reduce_max3A [1] : vector<512x32xf32> to vector<512xf32>
    %broadcast_in_dim3A_524 = vector.shape_cast %reduce_max3A_523 : vector<512xf32> to vector<512x1xf32>
    %sub3A = vector.broadcast %broadcast_in_dim3A_524 : vector<512x1xf32> to vector<512x32xf32>
    %sub3A_525 = arith.subf %add3A_522, %sub3A : vector<512x32xf32>
    %exp3A = math.exp %sub3A_525 : vector<512x32xf32>
    %reduce_sum3A = arith.constant dense<0.000000e+00> : vector<512xf32>
    %reduce_sum3A_526 = vector.multi_reduction <add>, %exp3A, %reduce_sum3A [1] : vector<512x32xf32> to vector<512xf32>
    %broadcast_in_dim3A_527 = vector.shape_cast %reduce_sum3A_526 : vector<512xf32> to vector<512x1xf32>
    %div3A = vector.broadcast %broadcast_in_dim3A_527 : vector<512x1xf32> to vector<512x32xf32>
    %div3A_528 = arith.divf %exp3A, %div3A : vector<512x32xf32>
    %broadcast_in_dim3A_529 = arith.constant 0.000000e+00 : f32
    %broadcast_in_dim3A_530 = vector.broadcast %broadcast_in_dim3A_529 : f32 to vector<512x128xf32>
    %slice3A = vector.extract_strided_slice %div3A_528 {offsets = [0, 0], sizes = [512, 1], strides = [1, 1]} : vector<512x32xf32> to vector<512x1xf32>
    %dot_general3A_531 = arith.constant dense<0.000000e+00> : vector<512x128xf32>
    %dot_general3A_532 = tpu.matmul %slice3A, %broadcast_in_dim3A_13, %dot_general3A_531 {dimension_numbers = #tpu.dot_dimension_numbers<[1], [0], [0], [1], [0, 0, 1, 1], [], []>, transpose_lhs_hint = false} : vector<512x1xf32>, vector<1x128xf32>, vector<512x128xf32> -> vector<512x128xf32>
    %get3A_533 = arith.constant 0 : index
    %get3A_534 = arith.constant 0 : index
    %get3A_535 = arith.constant 0 : index
    %get3A_536 = vector.load %arg3[%get3A_533, %get3A_534, %get3A_535] : memref<32x512x128xf32, #tpu.memory_space<vmem>>, vector<1x512x128xf32>
    %get3A_537 = vector.shape_cast %get3A_536 : vector<1x512x128xf32> to vector<512x128xf32>
    %mul3A_538 = arith.mulf %dot_general3A_532, %get3A_537 : vector<512x128xf32>
    %add3A_539 = arith.addf %broadcast_in_dim3A_530, %mul3A_538 : vector<512x128xf32>
    %slice3A_540 = vector.extract_strided_slice %div3A_528 {offsets = [0, 1], sizes = [512, 1], strides = [1, 1]} : vector<512x32xf32> to vector<512x1xf32>
    %dot_general3A_541 = arith.constant dense<0.000000e+00> : vector<512x128xf32>
    %dot_general3A_542 = tpu.matmul %slice3A_540, %broadcast_in_dim3A_13, %dot_general3A_541 {dimension_numbers = #tpu.dot_dimension_numbers<[1], [0], [0], [1], [0, 0, 1, 1], [], []>, transpose_lhs_hint = false} : vector<512x1xf32>, vector<1x128xf32>, vector<512x128xf32> -> vector<512x128xf32>
    %get3A_543 = arith.constant 1 : index
    %get3A_544 = arith.constant 0 : index
    %get3A_545 = arith.constant 0 : index
    %get3A_546 = vector.load %arg3[%get3A_543, %get3A_544, %get3A_545] : memref<32x512x128xf32, #tpu.memory_space<vmem>>, vector<1x512x128xf32>
    %get3A_547 = vector.shape_cast %get3A_546 : vector<1x512x128xf32> to vector<512x128xf32>
    %mul3A_548 = arith.mulf %dot_general3A_542, %get3A_547 : vector<512x128xf32>
    %add3A_549 = arith.addf %add3A_539, %mul3A_548 : vector<512x128xf32>
    %slice3A_550 = vector.extract_strided_slice %div3A_528 {offsets = [0, 2], sizes = [512, 1], strides = [1, 1]} : vector<512x32xf32> to vector<512x1xf32>
    %dot_general3A_551 = arith.constant dense<0.000000e+00> : vector<512x128xf32>
    %dot_general3A_552 = tpu.matmul %slice3A_550, %broadcast_in_dim3A_13, %dot_general3A_551 {dimension_numbers = #tpu.dot_dimension_numbers<[1], [0], [0], [1], [0, 0, 1, 1], [], []>, transpose_lhs_hint = false} : vector<512x1xf32>, vector<1x128xf32>, vector<512x128xf32> -> vector<512x128xf32>
    %get3A_553 = arith.constant 2 : index
    %get3A_554 = arith.constant 0 : index
    %get3A_555 = arith.constant 0 : index
    %get3A_556 = vector.load %arg3[%get3A_553, %get3A_554, %get3A_555] : memref<32x512x128xf32, #tpu.memory_space<vmem>>, vector<1x512x128xf32>
    %get3A_557 = vector.shape_cast %get3A_556 : vector<1x512x128xf32> to vector<512x128xf32>
    %mul3A_558 = arith.mulf %dot_general3A_552, %get3A_557 : vector<512x128xf32>
    %add3A_559 = arith.addf %add3A_549, %mul3A_558 : vector<512x128xf32>
    %slice3A_560 = vector.extract_strided_slice %div3A_528 {offsets = [0, 3], sizes = [512, 1], strides = [1, 1]} : vector<512x32xf32> to vector<512x1xf32>
    %dot_general3A_561 = arith.constant dense<0.000000e+00> : vector<512x128xf32>
    %dot_general3A_562 = tpu.matmul %slice3A_560, %broadcast_in_dim3A_13, %dot_general3A_561 {dimension_numbers = #tpu.dot_dimension_numbers<[1], [0], [0], [1], [0, 0, 1, 1], [], []>, transpose_lhs_hint = false} : vector<512x1xf32>, vector<1x128xf32>, vector<512x128xf32> -> vector<512x128xf32>
    %get3A_563 = arith.constant 3 : index
    %get3A_564 = arith.constant 0 : index
    %get3A_565 = arith.constant 0 : index
    %get3A_566 = vector.load %arg3[%get3A_563, %get3A_564, %get3A_565] : memref<32x512x128xf32, #tpu.memory_space<vmem>>, vector<1x512x128xf32>
    %get3A_567 = vector.shape_cast %get3A_566 : vector<1x512x128xf32> to vector<512x128xf32>
    %mul3A_568 = arith.mulf %dot_general3A_562, %get3A_567 : vector<512x128xf32>
    %add3A_569 = arith.addf %add3A_559, %mul3A_568 : vector<512x128xf32>
    %slice3A_570 = vector.extract_strided_slice %div3A_528 {offsets = [0, 4], sizes = [512, 1], strides = [1, 1]} : vector<512x32xf32> to vector<512x1xf32>
    %dot_general3A_571 = arith.constant dense<0.000000e+00> : vector<512x128xf32>
    %dot_general3A_572 = tpu.matmul %slice3A_570, %broadcast_in_dim3A_13, %dot_general3A_571 {dimension_numbers = #tpu.dot_dimension_numbers<[1], [0], [0], [1], [0, 0, 1, 1], [], []>, transpose_lhs_hint = false} : vector<512x1xf32>, vector<1x128xf32>, vector<512x128xf32> -> vector<512x128xf32>
    %get3A_573 = arith.constant 4 : index
    %get3A_574 = arith.constant 0 : index
    %get3A_575 = arith.constant 0 : index
    %get3A_576 = vector.load %arg3[%get3A_573, %get3A_574, %get3A_575] : memref<32x512x128xf32, #tpu.memory_space<vmem>>, vector<1x512x128xf32>
    %get3A_577 = vector.shape_cast %get3A_576 : vector<1x512x128xf32> to vector<512x128xf32>
    %mul3A_578 = arith.mulf %dot_general3A_572, %get3A_577 : vector<512x128xf32>
    %add3A_579 = arith.addf %add3A_569, %mul3A_578 : vector<512x128xf32>
    %slice3A_580 = vector.extract_strided_slice %div3A_528 {offsets = [0, 5], sizes = [512, 1], strides = [1, 1]} : vector<512x32xf32> to vector<512x1xf32>
    %dot_general3A_581 = arith.constant dense<0.000000e+00> : vector<512x128xf32>
    %dot_general3A_582 = tpu.matmul %slice3A_580, %broadcast_in_dim3A_13, %dot_general3A_581 {dimension_numbers = #tpu.dot_dimension_numbers<[1], [0], [0], [1], [0, 0, 1, 1], [], []>, transpose_lhs_hint = false} : vector<512x1xf32>, vector<1x128xf32>, vector<512x128xf32> -> vector<512x128xf32>
    %get3A_583 = arith.constant 5 : index
    %get3A_584 = arith.constant 0 : index
    %get3A_585 = arith.constant 0 : index
    %get3A_586 = vector.load %arg3[%get3A_583, %get3A_584, %get3A_585] : memref<32x512x128xf32, #tpu.memory_space<vmem>>, vector<1x512x128xf32>
    %get3A_587 = vector.shape_cast %get3A_586 : vector<1x512x128xf32> to vector<512x128xf32>
    %mul3A_588 = arith.mulf %dot_general3A_582, %get3A_587 : vector<512x128xf32>
    %add3A_589 = arith.addf %add3A_579, %mul3A_588 : vector<512x128xf32>
    %slice3A_590 = vector.extract_strided_slice %div3A_528 {offsets = [0, 6], sizes = [512, 1], strides = [1, 1]} : vector<512x32xf32> to vector<512x1xf32>
    %dot_general3A_591 = arith.constant dense<0.000000e+00> : vector<512x128xf32>
    %dot_general3A_592 = tpu.matmul %slice3A_590, %broadcast_in_dim3A_13, %dot_general3A_591 {dimension_numbers = #tpu.dot_dimension_numbers<[1], [0], [0], [1], [0, 0, 1, 1], [], []>, transpose_lhs_hint = false} : vector<512x1xf32>, vector<1x128xf32>, vector<512x128xf32> -> vector<512x128xf32>
    %get3A_593 = arith.constant 6 : index
    %get3A_594 = arith.constant 0 : index
    %get3A_595 = arith.constant 0 : index
    %get3A_596 = vector.load %arg3[%get3A_593, %get3A_594, %get3A_595] : memref<32x512x128xf32, #tpu.memory_space<vmem>>, vector<1x512x128xf32>
    %get3A_597 = vector.shape_cast %get3A_596 : vector<1x512x128xf32> to vector<512x128xf32>
    %mul3A_598 = arith.mulf %dot_general3A_592, %get3A_597 : vector<512x128xf32>
    %add3A_599 = arith.addf %add3A_589, %mul3A_598 : vector<512x128xf32>
    %slice3A_600 = vector.extract_strided_slice %div3A_528 {offsets = [0, 7], sizes = [512, 1], strides = [1, 1]} : vector<512x32xf32> to vector<512x1xf32>
    %dot_general3A_601 = arith.constant dense<0.000000e+00> : vector<512x128xf32>
    %dot_general3A_602 = tpu.matmul %slice3A_600, %broadcast_in_dim3A_13, %dot_general3A_601 {dimension_numbers = #tpu.dot_dimension_numbers<[1], [0], [0], [1], [0, 0, 1, 1], [], []>, transpose_lhs_hint = false} : vector<512x1xf32>, vector<1x128xf32>, vector<512x128xf32> -> vector<512x128xf32>
    %get3A_603 = arith.constant 7 : index
    %get3A_604 = arith.constant 0 : index
    %get3A_605 = arith.constant 0 : index
    %get3A_606 = vector.load %arg3[%get3A_603, %get3A_604, %get3A_605] : memref<32x512x128xf32, #tpu.memory_space<vmem>>, vector<1x512x128xf32>
    %get3A_607 = vector.shape_cast %get3A_606 : vector<1x512x128xf32> to vector<512x128xf32>
    %mul3A_608 = arith.mulf %dot_general3A_602, %get3A_607 : vector<512x128xf32>
    %add3A_609 = arith.addf %add3A_599, %mul3A_608 : vector<512x128xf32>
    %slice3A_610 = vector.extract_strided_slice %div3A_528 {offsets = [0, 8], sizes = [512, 1], strides = [1, 1]} : vector<512x32xf32> to vector<512x1xf32>
    %dot_general3A_611 = arith.constant dense<0.000000e+00> : vector<512x128xf32>
    %dot_general3A_612 = tpu.matmul %slice3A_610, %broadcast_in_dim3A_13, %dot_general3A_611 {dimension_numbers = #tpu.dot_dimension_numbers<[1], [0], [0], [1], [0, 0, 1, 1], [], []>, transpose_lhs_hint = false} : vector<512x1xf32>, vector<1x128xf32>, vector<512x128xf32> -> vector<512x128xf32>
    %get3A_613 = arith.constant 8 : index
    %get3A_614 = arith.constant 0 : index
    %get3A_615 = arith.constant 0 : index
    %get3A_616 = vector.load %arg3[%get3A_613, %get3A_614, %get3A_615] : memref<32x512x128xf32, #tpu.memory_space<vmem>>, vector<1x512x128xf32>
    %get3A_617 = vector.shape_cast %get3A_616 : vector<1x512x128xf32> to vector<512x128xf32>
    %mul3A_618 = arith.mulf %dot_general3A_612, %get3A_617 : vector<512x128xf32>
    %add3A_619 = arith.addf %add3A_609, %mul3A_618 : vector<512x128xf32>
    %slice3A_620 = vector.extract_strided_slice %div3A_528 {offsets = [0, 9], sizes = [512, 1], strides = [1, 1]} : vector<512x32xf32> to vector<512x1xf32>
    %dot_general3A_621 = arith.constant dense<0.000000e+00> : vector<512x128xf32>
    %dot_general3A_622 = tpu.matmul %slice3A_620, %broadcast_in_dim3A_13, %dot_general3A_621 {dimension_numbers = #tpu.dot_dimension_numbers<[1], [0], [0], [1], [0, 0, 1, 1], [], []>, transpose_lhs_hint = false} : vector<512x1xf32>, vector<1x128xf32>, vector<512x128xf32> -> vector<512x128xf32>
    %get3A_623 = arith.constant 9 : index
    %get3A_624 = arith.constant 0 : index
    %get3A_625 = arith.constant 0 : index
    %get3A_626 = vector.load %arg3[%get3A_623, %get3A_624, %get3A_625] : memref<32x512x128xf32, #tpu.memory_space<vmem>>, vector<1x512x128xf32>
    %get3A_627 = vector.shape_cast %get3A_626 : vector<1x512x128xf32> to vector<512x128xf32>
    %mul3A_628 = arith.mulf %dot_general3A_622, %get3A_627 : vector<512x128xf32>
    %add3A_629 = arith.addf %add3A_619, %mul3A_628 : vector<512x128xf32>
    %slice3A_630 = vector.extract_strided_slice %div3A_528 {offsets = [0, 10], sizes = [512, 1], strides = [1, 1]} : vector<512x32xf32> to vector<512x1xf32>
    %dot_general3A_631 = arith.constant dense<0.000000e+00> : vector<512x128xf32>
    %dot_general3A_632 = tpu.matmul %slice3A_630, %broadcast_in_dim3A_13, %dot_general3A_631 {dimension_numbers = #tpu.dot_dimension_numbers<[1], [0], [0], [1], [0, 0, 1, 1], [], []>, transpose_lhs_hint = false} : vector<512x1xf32>, vector<1x128xf32>, vector<512x128xf32> -> vector<512x128xf32>
    %get3A_633 = arith.constant 10 : index
    %get3A_634 = arith.constant 0 : index
    %get3A_635 = arith.constant 0 : index
    %get3A_636 = vector.load %arg3[%get3A_633, %get3A_634, %get3A_635] : memref<32x512x128xf32, #tpu.memory_space<vmem>>, vector<1x512x128xf32>
    %get3A_637 = vector.shape_cast %get3A_636 : vector<1x512x128xf32> to vector<512x128xf32>
    %mul3A_638 = arith.mulf %dot_general3A_632, %get3A_637 : vector<512x128xf32>
    %add3A_639 = arith.addf %add3A_629, %mul3A_638 : vector<512x128xf32>
    %slice3A_640 = vector.extract_strided_slice %div3A_528 {offsets = [0, 11], sizes = [512, 1], strides = [1, 1]} : vector<512x32xf32> to vector<512x1xf32>
    %dot_general3A_641 = arith.constant dense<0.000000e+00> : vector<512x128xf32>
    %dot_general3A_642 = tpu.matmul %slice3A_640, %broadcast_in_dim3A_13, %dot_general3A_641 {dimension_numbers = #tpu.dot_dimension_numbers<[1], [0], [0], [1], [0, 0, 1, 1], [], []>, transpose_lhs_hint = false} : vector<512x1xf32>, vector<1x128xf32>, vector<512x128xf32> -> vector<512x128xf32>
    %get3A_643 = arith.constant 11 : index
    %get3A_644 = arith.constant 0 : index
    %get3A_645 = arith.constant 0 : index
    %get3A_646 = vector.load %arg3[%get3A_643, %get3A_644, %get3A_645] : memref<32x512x128xf32, #tpu.memory_space<vmem>>, vector<1x512x128xf32>
    %get3A_647 = vector.shape_cast %get3A_646 : vector<1x512x128xf32> to vector<512x128xf32>
    %mul3A_648 = arith.mulf %dot_general3A_642, %get3A_647 : vector<512x128xf32>
    %add3A_649 = arith.addf %add3A_639, %mul3A_648 : vector<512x128xf32>
    %slice3A_650 = vector.extract_strided_slice %div3A_528 {offsets = [0, 12], sizes = [512, 1], strides = [1, 1]} : vector<512x32xf32> to vector<512x1xf32>
    %dot_general3A_651 = arith.constant dense<0.000000e+00> : vector<512x128xf32>
    %dot_general3A_652 = tpu.matmul %slice3A_650, %broadcast_in_dim3A_13, %dot_general3A_651 {dimension_numbers = #tpu.dot_dimension_numbers<[1], [0], [0], [1], [0, 0, 1, 1], [], []>, transpose_lhs_hint = false} : vector<512x1xf32>, vector<1x128xf32>, vector<512x128xf32> -> vector<512x128xf32>
    %get3A_653 = arith.constant 12 : index
    %get3A_654 = arith.constant 0 : index
    %get3A_655 = arith.constant 0 : index
    %get3A_656 = vector.load %arg3[%get3A_653, %get3A_654, %get3A_655] : memref<32x512x128xf32, #tpu.memory_space<vmem>>, vector<1x512x128xf32>
    %get3A_657 = vector.shape_cast %get3A_656 : vector<1x512x128xf32> to vector<512x128xf32>
    %mul3A_658 = arith.mulf %dot_general3A_652, %get3A_657 : vector<512x128xf32>
    %add3A_659 = arith.addf %add3A_649, %mul3A_658 : vector<512x128xf32>
    %slice3A_660 = vector.extract_strided_slice %div3A_528 {offsets = [0, 13], sizes = [512, 1], strides = [1, 1]} : vector<512x32xf32> to vector<512x1xf32>
    %dot_general3A_661 = arith.constant dense<0.000000e+00> : vector<512x128xf32>
    %dot_general3A_662 = tpu.matmul %slice3A_660, %broadcast_in_dim3A_13, %dot_general3A_661 {dimension_numbers = #tpu.dot_dimension_numbers<[1], [0], [0], [1], [0, 0, 1, 1], [], []>, transpose_lhs_hint = false} : vector<512x1xf32>, vector<1x128xf32>, vector<512x128xf32> -> vector<512x128xf32>
    %get3A_663 = arith.constant 13 : index
    %get3A_664 = arith.constant 0 : index
    %get3A_665 = arith.constant 0 : index
    %get3A_666 = vector.load %arg3[%get3A_663, %get3A_664, %get3A_665] : memref<32x512x128xf32, #tpu.memory_space<vmem>>, vector<1x512x128xf32>
    %get3A_667 = vector.shape_cast %get3A_666 : vector<1x512x128xf32> to vector<512x128xf32>
    %mul3A_668 = arith.mulf %dot_general3A_662, %get3A_667 : vector<512x128xf32>
    %add3A_669 = arith.addf %add3A_659, %mul3A_668 : vector<512x128xf32>
    %slice3A_670 = vector.extract_strided_slice %div3A_528 {offsets = [0, 14], sizes = [512, 1], strides = [1, 1]} : vector<512x32xf32> to vector<512x1xf32>
    %dot_general3A_671 = arith.constant dense<0.000000e+00> : vector<512x128xf32>
    %dot_general3A_672 = tpu.matmul %slice3A_670, %broadcast_in_dim3A_13, %dot_general3A_671 {dimension_numbers = #tpu.dot_dimension_numbers<[1], [0], [0], [1], [0, 0, 1, 1], [], []>, transpose_lhs_hint = false} : vector<512x1xf32>, vector<1x128xf32>, vector<512x128xf32> -> vector<512x128xf32>
    %get3A_673 = arith.constant 14 : index
    %get3A_674 = arith.constant 0 : index
    %get3A_675 = arith.constant 0 : index
    %get3A_676 = vector.load %arg3[%get3A_673, %get3A_674, %get3A_675] : memref<32x512x128xf32, #tpu.memory_space<vmem>>, vector<1x512x128xf32>
    %get3A_677 = vector.shape_cast %get3A_676 : vector<1x512x128xf32> to vector<512x128xf32>
    %mul3A_678 = arith.mulf %dot_general3A_672, %get3A_677 : vector<512x128xf32>
    %add3A_679 = arith.addf %add3A_669, %mul3A_678 : vector<512x128xf32>
    %slice3A_680 = vector.extract_strided_slice %div3A_528 {offsets = [0, 15], sizes = [512, 1], strides = [1, 1]} : vector<512x32xf32> to vector<512x1xf32>
    %dot_general3A_681 = arith.constant dense<0.000000e+00> : vector<512x128xf32>
    %dot_general3A_682 = tpu.matmul %slice3A_680, %broadcast_in_dim3A_13, %dot_general3A_681 {dimension_numbers = #tpu.dot_dimension_numbers<[1], [0], [0], [1], [0, 0, 1, 1], [], []>, transpose_lhs_hint = false} : vector<512x1xf32>, vector<1x128xf32>, vector<512x128xf32> -> vector<512x128xf32>
    %get3A_683 = arith.constant 15 : index
    %get3A_684 = arith.constant 0 : index
    %get3A_685 = arith.constant 0 : index
    %get3A_686 = vector.load %arg3[%get3A_683, %get3A_684, %get3A_685] : memref<32x512x128xf32, #tpu.memory_space<vmem>>, vector<1x512x128xf32>
    %get3A_687 = vector.shape_cast %get3A_686 : vector<1x512x128xf32> to vector<512x128xf32>
    %mul3A_688 = arith.mulf %dot_general3A_682, %get3A_687 : vector<512x128xf32>
    %add3A_689 = arith.addf %add3A_679, %mul3A_688 : vector<512x128xf32>
    %slice3A_690 = vector.extract_strided_slice %div3A_528 {offsets = [0, 16], sizes = [512, 1], strides = [1, 1]} : vector<512x32xf32> to vector<512x1xf32>
    %dot_general3A_691 = arith.constant dense<0.000000e+00> : vector<512x128xf32>
    %dot_general3A_692 = tpu.matmul %slice3A_690, %broadcast_in_dim3A_13, %dot_general3A_691 {dimension_numbers = #tpu.dot_dimension_numbers<[1], [0], [0], [1], [0, 0, 1, 1], [], []>, transpose_lhs_hint = false} : vector<512x1xf32>, vector<1x128xf32>, vector<512x128xf32> -> vector<512x128xf32>
    %get3A_693 = arith.constant 16 : index
    %get3A_694 = arith.constant 0 : index
    %get3A_695 = arith.constant 0 : index
    %get3A_696 = vector.load %arg3[%get3A_693, %get3A_694, %get3A_695] : memref<32x512x128xf32, #tpu.memory_space<vmem>>, vector<1x512x128xf32>
    %get3A_697 = vector.shape_cast %get3A_696 : vector<1x512x128xf32> to vector<512x128xf32>
    %mul3A_698 = arith.mulf %dot_general3A_692, %get3A_697 : vector<512x128xf32>
    %add3A_699 = arith.addf %add3A_689, %mul3A_698 : vector<512x128xf32>
    %slice3A_700 = vector.extract_strided_slice %div3A_528 {offsets = [0, 17], sizes = [512, 1], strides = [1, 1]} : vector<512x32xf32> to vector<512x1xf32>
    %dot_general3A_701 = arith.constant dense<0.000000e+00> : vector<512x128xf32>
    %dot_general3A_702 = tpu.matmul %slice3A_700, %broadcast_in_dim3A_13, %dot_general3A_701 {dimension_numbers = #tpu.dot_dimension_numbers<[1], [0], [0], [1], [0, 0, 1, 1], [], []>, transpose_lhs_hint = false} : vector<512x1xf32>, vector<1x128xf32>, vector<512x128xf32> -> vector<512x128xf32>
    %get3A_703 = arith.constant 17 : index
    %get3A_704 = arith.constant 0 : index
    %get3A_705 = arith.constant 0 : index
    %get3A_706 = vector.load %arg3[%get3A_703, %get3A_704, %get3A_705] : memref<32x512x128xf32, #tpu.memory_space<vmem>>, vector<1x512x128xf32>
    %get3A_707 = vector.shape_cast %get3A_706 : vector<1x512x128xf32> to vector<512x128xf32>
    %mul3A_708 = arith.mulf %dot_general3A_702, %get3A_707 : vector<512x128xf32>
    %add3A_709 = arith.addf %add3A_699, %mul3A_708 : vector<512x128xf32>
    %slice3A_710 = vector.extract_strided_slice %div3A_528 {offsets = [0, 18], sizes = [512, 1], strides = [1, 1]} : vector<512x32xf32> to vector<512x1xf32>
    %dot_general3A_711 = arith.constant dense<0.000000e+00> : vector<512x128xf32>
    %dot_general3A_712 = tpu.matmul %slice3A_710, %broadcast_in_dim3A_13, %dot_general3A_711 {dimension_numbers = #tpu.dot_dimension_numbers<[1], [0], [0], [1], [0, 0, 1, 1], [], []>, transpose_lhs_hint = false} : vector<512x1xf32>, vector<1x128xf32>, vector<512x128xf32> -> vector<512x128xf32>
    %get3A_713 = arith.constant 18 : index
    %get3A_714 = arith.constant 0 : index
    %get3A_715 = arith.constant 0 : index
    %get3A_716 = vector.load %arg3[%get3A_713, %get3A_714, %get3A_715] : memref<32x512x128xf32, #tpu.memory_space<vmem>>, vector<1x512x128xf32>
    %get3A_717 = vector.shape_cast %get3A_716 : vector<1x512x128xf32> to vector<512x128xf32>
    %mul3A_718 = arith.mulf %dot_general3A_712, %get3A_717 : vector<512x128xf32>
    %add3A_719 = arith.addf %add3A_709, %mul3A_718 : vector<512x128xf32>
    %slice3A_720 = vector.extract_strided_slice %div3A_528 {offsets = [0, 19], sizes = [512, 1], strides = [1, 1]} : vector<512x32xf32> to vector<512x1xf32>
    %dot_general3A_721 = arith.constant dense<0.000000e+00> : vector<512x128xf32>
    %dot_general3A_722 = tpu.matmul %slice3A_720, %broadcast_in_dim3A_13, %dot_general3A_721 {dimension_numbers = #tpu.dot_dimension_numbers<[1], [0], [0], [1], [0, 0, 1, 1], [], []>, transpose_lhs_hint = false} : vector<512x1xf32>, vector<1x128xf32>, vector<512x128xf32> -> vector<512x128xf32>
    %get3A_723 = arith.constant 19 : index
    %get3A_724 = arith.constant 0 : index
    %get3A_725 = arith.constant 0 : index
    %get3A_726 = vector.load %arg3[%get3A_723, %get3A_724, %get3A_725] : memref<32x512x128xf32, #tpu.memory_space<vmem>>, vector<1x512x128xf32>
    %get3A_727 = vector.shape_cast %get3A_726 : vector<1x512x128xf32> to vector<512x128xf32>
    %mul3A_728 = arith.mulf %dot_general3A_722, %get3A_727 : vector<512x128xf32>
    %add3A_729 = arith.addf %add3A_719, %mul3A_728 : vector<512x128xf32>
    %slice3A_730 = vector.extract_strided_slice %div3A_528 {offsets = [0, 20], sizes = [512, 1], strides = [1, 1]} : vector<512x32xf32> to vector<512x1xf32>
    %dot_general3A_731 = arith.constant dense<0.000000e+00> : vector<512x128xf32>
    %dot_general3A_732 = tpu.matmul %slice3A_730, %broadcast_in_dim3A_13, %dot_general3A_731 {dimension_numbers = #tpu.dot_dimension_numbers<[1], [0], [0], [1], [0, 0, 1, 1], [], []>, transpose_lhs_hint = false} : vector<512x1xf32>, vector<1x128xf32>, vector<512x128xf32> -> vector<512x128xf32>
    %get3A_733 = arith.constant 20 : index
    %get3A_734 = arith.constant 0 : index
    %get3A_735 = arith.constant 0 : index
    %get3A_736 = vector.load %arg3[%get3A_733, %get3A_734, %get3A_735] : memref<32x512x128xf32, #tpu.memory_space<vmem>>, vector<1x512x128xf32>
    %get3A_737 = vector.shape_cast %get3A_736 : vector<1x512x128xf32> to vector<512x128xf32>
    %mul3A_738 = arith.mulf %dot_general3A_732, %get3A_737 : vector<512x128xf32>
    %add3A_739 = arith.addf %add3A_729, %mul3A_738 : vector<512x128xf32>
    %slice3A_740 = vector.extract_strided_slice %div3A_528 {offsets = [0, 21], sizes = [512, 1], strides = [1, 1]} : vector<512x32xf32> to vector<512x1xf32>
    %dot_general3A_741 = arith.constant dense<0.000000e+00> : vector<512x128xf32>
    %dot_general3A_742 = tpu.matmul %slice3A_740, %broadcast_in_dim3A_13, %dot_general3A_741 {dimension_numbers = #tpu.dot_dimension_numbers<[1], [0], [0], [1], [0, 0, 1, 1], [], []>, transpose_lhs_hint = false} : vector<512x1xf32>, vector<1x128xf32>, vector<512x128xf32> -> vector<512x128xf32>
    %get3A_743 = arith.constant 21 : index
    %get3A_744 = arith.constant 0 : index
    %get3A_745 = arith.constant 0 : index
    %get3A_746 = vector.load %arg3[%get3A_743, %get3A_744, %get3A_745] : memref<32x512x128xf32, #tpu.memory_space<vmem>>, vector<1x512x128xf32>
    %get3A_747 = vector.shape_cast %get3A_746 : vector<1x512x128xf32> to vector<512x128xf32>
    %mul3A_748 = arith.mulf %dot_general3A_742, %get3A_747 : vector<512x128xf32>
    %add3A_749 = arith.addf %add3A_739, %mul3A_748 : vector<512x128xf32>
    %slice3A_750 = vector.extract_strided_slice %div3A_528 {offsets = [0, 22], sizes = [512, 1], strides = [1, 1]} : vector<512x32xf32> to vector<512x1xf32>
    %dot_general3A_751 = arith.constant dense<0.000000e+00> : vector<512x128xf32>
    %dot_general3A_752 = tpu.matmul %slice3A_750, %broadcast_in_dim3A_13, %dot_general3A_751 {dimension_numbers = #tpu.dot_dimension_numbers<[1], [0], [0], [1], [0, 0, 1, 1], [], []>, transpose_lhs_hint = false} : vector<512x1xf32>, vector<1x128xf32>, vector<512x128xf32> -> vector<512x128xf32>
    %get3A_753 = arith.constant 22 : index
    %get3A_754 = arith.constant 0 : index
    %get3A_755 = arith.constant 0 : index
    %get3A_756 = vector.load %arg3[%get3A_753, %get3A_754, %get3A_755] : memref<32x512x128xf32, #tpu.memory_space<vmem>>, vector<1x512x128xf32>
    %get3A_757 = vector.shape_cast %get3A_756 : vector<1x512x128xf32> to vector<512x128xf32>
    %mul3A_758 = arith.mulf %dot_general3A_752, %get3A_757 : vector<512x128xf32>
    %add3A_759 = arith.addf %add3A_749, %mul3A_758 : vector<512x128xf32>
    %slice3A_760 = vector.extract_strided_slice %div3A_528 {offsets = [0, 23], sizes = [512, 1], strides = [1, 1]} : vector<512x32xf32> to vector<512x1xf32>
    %dot_general3A_761 = arith.constant dense<0.000000e+00> : vector<512x128xf32>
    %dot_general3A_762 = tpu.matmul %slice3A_760, %broadcast_in_dim3A_13, %dot_general3A_761 {dimension_numbers = #tpu.dot_dimension_numbers<[1], [0], [0], [1], [0, 0, 1, 1], [], []>, transpose_lhs_hint = false} : vector<512x1xf32>, vector<1x128xf32>, vector<512x128xf32> -> vector<512x128xf32>
    %get3A_763 = arith.constant 23 : index
    %get3A_764 = arith.constant 0 : index
    %get3A_765 = arith.constant 0 : index
    %get3A_766 = vector.load %arg3[%get3A_763, %get3A_764, %get3A_765] : memref<32x512x128xf32, #tpu.memory_space<vmem>>, vector<1x512x128xf32>
    %get3A_767 = vector.shape_cast %get3A_766 : vector<1x512x128xf32> to vector<512x128xf32>
    %mul3A_768 = arith.mulf %dot_general3A_762, %get3A_767 : vector<512x128xf32>
    %add3A_769 = arith.addf %add3A_759, %mul3A_768 : vector<512x128xf32>
    %slice3A_770 = vector.extract_strided_slice %div3A_528 {offsets = [0, 24], sizes = [512, 1], strides = [1, 1]} : vector<512x32xf32> to vector<512x1xf32>
    %dot_general3A_771 = arith.constant dense<0.000000e+00> : vector<512x128xf32>
    %dot_general3A_772 = tpu.matmul %slice3A_770, %broadcast_in_dim3A_13, %dot_general3A_771 {dimension_numbers = #tpu.dot_dimension_numbers<[1], [0], [0], [1], [0, 0, 1, 1], [], []>, transpose_lhs_hint = false} : vector<512x1xf32>, vector<1x128xf32>, vector<512x128xf32> -> vector<512x128xf32>
    %get3A_773 = arith.constant 24 : index
    %get3A_774 = arith.constant 0 : index
    %get3A_775 = arith.constant 0 : index
    %get3A_776 = vector.load %arg3[%get3A_773, %get3A_774, %get3A_775] : memref<32x512x128xf32, #tpu.memory_space<vmem>>, vector<1x512x128xf32>
    %get3A_777 = vector.shape_cast %get3A_776 : vector<1x512x128xf32> to vector<512x128xf32>
    %mul3A_778 = arith.mulf %dot_general3A_772, %get3A_777 : vector<512x128xf32>
    %add3A_779 = arith.addf %add3A_769, %mul3A_778 : vector<512x128xf32>
    %slice3A_780 = vector.extract_strided_slice %div3A_528 {offsets = [0, 25], sizes = [512, 1], strides = [1, 1]} : vector<512x32xf32> to vector<512x1xf32>
    %dot_general3A_781 = arith.constant dense<0.000000e+00> : vector<512x128xf32>
    %dot_general3A_782 = tpu.matmul %slice3A_780, %broadcast_in_dim3A_13, %dot_general3A_781 {dimension_numbers = #tpu.dot_dimension_numbers<[1], [0], [0], [1], [0, 0, 1, 1], [], []>, transpose_lhs_hint = false} : vector<512x1xf32>, vector<1x128xf32>, vector<512x128xf32> -> vector<512x128xf32>
    %get3A_783 = arith.constant 25 : index
    %get3A_784 = arith.constant 0 : index
    %get3A_785 = arith.constant 0 : index
    %get3A_786 = vector.load %arg3[%get3A_783, %get3A_784, %get3A_785] : memref<32x512x128xf32, #tpu.memory_space<vmem>>, vector<1x512x128xf32>
    %get3A_787 = vector.shape_cast %get3A_786 : vector<1x512x128xf32> to vector<512x128xf32>
    %mul3A_788 = arith.mulf %dot_general3A_782, %get3A_787 : vector<512x128xf32>
    %add3A_789 = arith.addf %add3A_779, %mul3A_788 : vector<512x128xf32>
    %slice3A_790 = vector.extract_strided_slice %div3A_528 {offsets = [0, 26], sizes = [512, 1], strides = [1, 1]} : vector<512x32xf32> to vector<512x1xf32>
    %dot_general3A_791 = arith.constant dense<0.000000e+00> : vector<512x128xf32>
    %dot_general3A_792 = tpu.matmul %slice3A_790, %broadcast_in_dim3A_13, %dot_general3A_791 {dimension_numbers = #tpu.dot_dimension_numbers<[1], [0], [0], [1], [0, 0, 1, 1], [], []>, transpose_lhs_hint = false} : vector<512x1xf32>, vector<1x128xf32>, vector<512x128xf32> -> vector<512x128xf32>
    %get3A_793 = arith.constant 26 : index
    %get3A_794 = arith.constant 0 : index
    %get3A_795 = arith.constant 0 : index
    %get3A_796 = vector.load %arg3[%get3A_793, %get3A_794, %get3A_795] : memref<32x512x128xf32, #tpu.memory_space<vmem>>, vector<1x512x128xf32>
    %get3A_797 = vector.shape_cast %get3A_796 : vector<1x512x128xf32> to vector<512x128xf32>
    %mul3A_798 = arith.mulf %dot_general3A_792, %get3A_797 : vector<512x128xf32>
    %add3A_799 = arith.addf %add3A_789, %mul3A_798 : vector<512x128xf32>
    %slice3A_800 = vector.extract_strided_slice %div3A_528 {offsets = [0, 27], sizes = [512, 1], strides = [1, 1]} : vector<512x32xf32> to vector<512x1xf32>
    %dot_general3A_801 = arith.constant dense<0.000000e+00> : vector<512x128xf32>
    %dot_general3A_802 = tpu.matmul %slice3A_800, %broadcast_in_dim3A_13, %dot_general3A_801 {dimension_numbers = #tpu.dot_dimension_numbers<[1], [0], [0], [1], [0, 0, 1, 1], [], []>, transpose_lhs_hint = false} : vector<512x1xf32>, vector<1x128xf32>, vector<512x128xf32> -> vector<512x128xf32>
    %get3A_803 = arith.constant 27 : index
    %get3A_804 = arith.constant 0 : index
    %get3A_805 = arith.constant 0 : index
    %get3A_806 = vector.load %arg3[%get3A_803, %get3A_804, %get3A_805] : memref<32x512x128xf32, #tpu.memory_space<vmem>>, vector<1x512x128xf32>
    %get3A_807 = vector.shape_cast %get3A_806 : vector<1x512x128xf32> to vector<512x128xf32>
    %mul3A_808 = arith.mulf %dot_general3A_802, %get3A_807 : vector<512x128xf32>
    %add3A_809 = arith.addf %add3A_799, %mul3A_808 : vector<512x128xf32>
    %slice3A_810 = vector.extract_strided_slice %div3A_528 {offsets = [0, 28], sizes = [512, 1], strides = [1, 1]} : vector<512x32xf32> to vector<512x1xf32>
    %dot_general3A_811 = arith.constant dense<0.000000e+00> : vector<512x128xf32>
    %dot_general3A_812 = tpu.matmul %slice3A_810, %broadcast_in_dim3A_13, %dot_general3A_811 {dimension_numbers = #tpu.dot_dimension_numbers<[1], [0], [0], [1], [0, 0, 1, 1], [], []>, transpose_lhs_hint = false} : vector<512x1xf32>, vector<1x128xf32>, vector<512x128xf32> -> vector<512x128xf32>
    %get3A_813 = arith.constant 28 : index
    %get3A_814 = arith.constant 0 : index
    %get3A_815 = arith.constant 0 : index
    %get3A_816 = vector.load %arg3[%get3A_813, %get3A_814, %get3A_815] : memref<32x512x128xf32, #tpu.memory_space<vmem>>, vector<1x512x128xf32>
    %get3A_817 = vector.shape_cast %get3A_816 : vector<1x512x128xf32> to vector<512x128xf32>
    %mul3A_818 = arith.mulf %dot_general3A_812, %get3A_817 : vector<512x128xf32>
    %add3A_819 = arith.addf %add3A_809, %mul3A_818 : vector<512x128xf32>
    %slice3A_820 = vector.extract_strided_slice %div3A_528 {offsets = [0, 29], sizes = [512, 1], strides = [1, 1]} : vector<512x32xf32> to vector<512x1xf32>
    %dot_general3A_821 = arith.constant dense<0.000000e+00> : vector<512x128xf32>
    %dot_general3A_822 = tpu.matmul %slice3A_820, %broadcast_in_dim3A_13, %dot_general3A_821 {dimension_numbers = #tpu.dot_dimension_numbers<[1], [0], [0], [1], [0, 0, 1, 1], [], []>, transpose_lhs_hint = false} : vector<512x1xf32>, vector<1x128xf32>, vector<512x128xf32> -> vector<512x128xf32>
    %get3A_823 = arith.constant 29 : index
    %get3A_824 = arith.constant 0 : index
    %get3A_825 = arith.constant 0 : index
    %get3A_826 = vector.load %arg3[%get3A_823, %get3A_824, %get3A_825] : memref<32x512x128xf32, #tpu.memory_space<vmem>>, vector<1x512x128xf32>
    %get3A_827 = vector.shape_cast %get3A_826 : vector<1x512x128xf32> to vector<512x128xf32>
    %mul3A_828 = arith.mulf %dot_general3A_822, %get3A_827 : vector<512x128xf32>
    %add3A_829 = arith.addf %add3A_819, %mul3A_828 : vector<512x128xf32>
    %slice3A_830 = vector.extract_strided_slice %div3A_528 {offsets = [0, 30], sizes = [512, 1], strides = [1, 1]} : vector<512x32xf32> to vector<512x1xf32>
    %dot_general3A_831 = arith.constant dense<0.000000e+00> : vector<512x128xf32>
    %dot_general3A_832 = tpu.matmul %slice3A_830, %broadcast_in_dim3A_13, %dot_general3A_831 {dimension_numbers = #tpu.dot_dimension_numbers<[1], [0], [0], [1], [0, 0, 1, 1], [], []>, transpose_lhs_hint = false} : vector<512x1xf32>, vector<1x128xf32>, vector<512x128xf32> -> vector<512x128xf32>
    %get3A_833 = arith.constant 30 : index
    %get3A_834 = arith.constant 0 : index
    %get3A_835 = arith.constant 0 : index
    %get3A_836 = vector.load %arg3[%get3A_833, %get3A_834, %get3A_835] : memref<32x512x128xf32, #tpu.memory_space<vmem>>, vector<1x512x128xf32>
    %get3A_837 = vector.shape_cast %get3A_836 : vector<1x512x128xf32> to vector<512x128xf32>
    %mul3A_838 = arith.mulf %dot_general3A_832, %get3A_837 : vector<512x128xf32>
    %add3A_839 = arith.addf %add3A_829, %mul3A_838 : vector<512x128xf32>
    %slice3A_840 = vector.extract_strided_slice %div3A_528 {offsets = [0, 31], sizes = [512, 1], strides = [1, 1]} : vector<512x32xf32> to vector<512x1xf32>
    %dot_general3A_841 = arith.constant dense<0.000000e+00> : vector<512x128xf32>
    %dot_general3A_842 = tpu.matmul %slice3A_840, %broadcast_in_dim3A_13, %dot_general3A_841 {dimension_numbers = #tpu.dot_dimension_numbers<[1], [0], [0], [1], [0, 0, 1, 1], [], []>, transpose_lhs_hint = false} : vector<512x1xf32>, vector<1x128xf32>, vector<512x128xf32> -> vector<512x128xf32>
    %get3A_843 = arith.constant 31 : index
    %get3A_844 = arith.constant 0 : index
    %get3A_845 = arith.constant 0 : index
    %get3A_846 = vector.load %arg3[%get3A_843, %get3A_844, %get3A_845] : memref<32x512x128xf32, #tpu.memory_space<vmem>>, vector<1x512x128xf32>
    %get3A_847 = vector.shape_cast %get3A_846 : vector<1x512x128xf32> to vector<512x128xf32>
    %mul3A_848 = arith.mulf %dot_general3A_842, %get3A_847 : vector<512x128xf32>
    %add3A_849 = arith.addf %add3A_839, %mul3A_848 : vector<512x128xf32>
    %dot_general3A_850 = arith.constant dense<0.000000e+00> : vector<512x128xf32>
    %dot_general3A_851 = tpu.matmul %add3A_849, %get3A_7, %dot_general3A_850 {dimension_numbers = #tpu.dot_dimension_numbers<[1], [1], [0], [0], [0, 0, 1, 0], [], []>, transpose_lhs_hint = false} : vector<512x128xf32>, vector<128x128xf32>, vector<512x128xf32> -> vector<512x128xf32>
    %add3A_852 = vector.broadcast %get3A_10 : vector<1x128xf32> to vector<512x128xf32>
    %add3A_853 = arith.addf %dot_general3A_851, %add3A_852 : vector<512x128xf32>
    %max3A = arith.constant 0.000000e+00 : f32
    %max3A_854 = vector.broadcast %max3A : f32 to vector<512x128xf32>
    %max3A_855 = arith.maximumf %add3A_853, %max3A_854 : vector<512x128xf32>
    %concatenate3A = tpu.concatenate %get3A_4, %max3A_855 in 1 : vector<512x128xf32>, vector<512x128xf32> -> vector<512x256xf32>
    %get3A_856 = arith.constant 0 : index
    %get3A_857 = arith.constant 0 : index
    %get3A_858 = vector.load %arg10[%get3A_856, %get3A_857] : memref<2x256xf32, #tpu.memory_space<vmem>>, vector<2x256xf32>
    %dot_general3A_859 = arith.constant dense<0.000000e+00> : vector<512x2xf32>
    %dot_general3A_860 = tpu.matmul %concatenate3A, %get3A_858, %dot_general3A_859 {dimension_numbers = #tpu.dot_dimension_numbers<[1], [1], [0], [0], [0, 0, 1, 0], [], []>, transpose_lhs_hint = false} : vector<512x256xf32>, vector<2x256xf32>, vector<512x2xf32> -> vector<512x2xf32>
    %reduce_max3A_861 = arith.constant dense<0xFF800000> : vector<512xf32>
    %reduce_max3A_862 = vector.multi_reduction <maximumf>, %dot_general3A_860, %reduce_max3A_861 [1] : vector<512x2xf32> to vector<512xf32>
    %broadcast_in_dim3A_863 = vector.shape_cast %reduce_max3A_862 : vector<512xf32> to vector<512x1xf32>
    %sub3A_864 = vector.broadcast %broadcast_in_dim3A_863 : vector<512x1xf32> to vector<512x2xf32>
    %sub3A_865 = arith.subf %dot_general3A_860, %sub3A_864 : vector<512x2xf32>
    %exp3A_866 = math.exp %sub3A_865 : vector<512x2xf32>
    %reduce_sum3A_867 = arith.constant dense<0.000000e+00> : vector<512xf32>
    %reduce_sum3A_868 = vector.multi_reduction <add>, %exp3A_866, %reduce_sum3A_867 [1] : vector<512x2xf32> to vector<512xf32>
    %broadcast_in_dim3A_869 = vector.shape_cast %reduce_sum3A_868 : vector<512xf32> to vector<512x1xf32>
    %div3A_870 = vector.broadcast %broadcast_in_dim3A_869 : vector<512x1xf32> to vector<512x2xf32>
    %div3A_871 = arith.divf %exp3A_866, %div3A_870 : vector<512x2xf32>
    %slice3A_872 = vector.extract_strided_slice %div3A_871 {offsets = [0, 0], sizes = [512, 1], strides = [1, 1]} : vector<512x2xf32> to vector<512x1xf32>
    %mul3A_873 = vector.broadcast %slice3A_872 : vector<512x1xf32> to vector<512x128xf32>
    %mul3A_874 = arith.mulf %mul3A_873, %get3A_4 : vector<512x128xf32>
    %slice3A_875 = vector.extract_strided_slice %div3A_871 {offsets = [0, 1], sizes = [512, 1], strides = [1, 1]} : vector<512x2xf32> to vector<512x1xf32>
    %mul3A_876 = vector.broadcast %slice3A_875 : vector<512x1xf32> to vector<512x128xf32>
    %mul3A_877 = arith.mulf %mul3A_876, %max3A_855 : vector<512x128xf32>
    %add3A_878 = arith.addf %mul3A_874, %mul3A_877 : vector<512x128xf32>
    %get3A_879 = arith.constant 0 : index
    %get3A_880 = arith.constant 0 : index
    %get3A_881 = vector.load %arg6[%get3A_879, %get3A_880] : memref<128x128xf32, #tpu.memory_space<vmem>>, vector<128x128xf32>
    %dot_general3A_882 = arith.constant dense<0.000000e+00> : vector<512x128xf32>
    %dot_general3A_883 = tpu.matmul %add3A_878, %get3A_881, %dot_general3A_882 {dimension_numbers = #tpu.dot_dimension_numbers<[1], [1], [0], [0], [0, 0, 1, 0], [], []>, transpose_lhs_hint = false} : vector<512x128xf32>, vector<128x128xf32>, vector<512x128xf32> -> vector<512x128xf32>
    %get3A_884 = arith.constant 0 : index
    %get3A_885 = arith.constant 0 : index
    %get3A_886 = vector.load %arg7[%get3A_884, %get3A_885] : memref<1x128xf32, #tpu.memory_space<vmem>>, vector<1x128xf32>
    %add3A_887 = vector.broadcast %get3A_886 : vector<1x128xf32> to vector<512x128xf32>
    %add3A_888 = arith.addf %dot_general3A_883, %add3A_887 : vector<512x128xf32>
    %max3A_889 = arith.constant 0.000000e+00 : f32
    %max3A_890 = vector.broadcast %max3A_889 : f32 to vector<512x128xf32>
    %max3A_891 = arith.maximumf %add3A_888, %max3A_890 : vector<512x128xf32>
    %concatenate3A_892 = tpu.concatenate %get3A_1, %max3A_891 in 1 : vector<512x128xf32>, vector<512x128xf32> -> vector<512x256xf32>
    %get3A_893 = arith.constant 0 : index
    %get3A_894 = arith.constant 0 : index
    %get3A_895 = vector.load %arg8[%get3A_893, %get3A_894] : memref<128x256xf32, #tpu.memory_space<vmem>>, vector<128x256xf32>
    %dot_general3A_896 = arith.constant dense<0.000000e+00> : vector<512x128xf32>
    %dot_general3A_897 = tpu.matmul %concatenate3A_892, %get3A_895, %dot_general3A_896 {dimension_numbers = #tpu.dot_dimension_numbers<[1], [1], [0], [0], [0, 0, 1, 0], [], []>, transpose_lhs_hint = false} : vector<512x256xf32>, vector<128x256xf32>, vector<512x128xf32> -> vector<512x128xf32>
    %get3A_898 = arith.constant 0 : index
    %get3A_899 = arith.constant 0 : index
    %get3A_900 = vector.load %arg9[%get3A_898, %get3A_899] : memref<1x128xf32, #tpu.memory_space<vmem>>, vector<1x128xf32>
    %add3A_901 = vector.broadcast %get3A_900 : vector<1x128xf32> to vector<512x128xf32>
    %add3A_902 = arith.addf %dot_general3A_897, %add3A_901 : vector<512x128xf32>
    %max3A_903 = arith.constant 0.000000e+00 : f32
    %max3A_904 = vector.broadcast %max3A_903 : f32 to vector<512x128xf32>
    %max3A_905 = arith.maximumf %add3A_902, %max3A_904 : vector<512x128xf32>
    %swap3A = arith.constant 0 : index
    %swap3A_906 = arith.constant 0 : index
    %swap3A_907 = vector.load %arg11[%swap3A, %swap3A_906] : memref<512x128xf32, #tpu.memory_space<vmem>>, vector<512x128xf32>
    tpu.vector_store %arg11[%swap3A, %swap3A_906], %max3A_905 {strides = array<i32>} : memref<512x128xf32, #tpu.memory_space<vmem>>, vector<512x128xf32>,
    %swap3A_908 = arith.constant 0 : index
    %swap3A_909 = arith.constant 0 : index
    %swap3A_910 = vector.load %arg12[%swap3A_908, %swap3A_909] : memref<512x2xf32, #tpu.memory_space<vmem>>, vector<512x2xf32>
    tpu.vector_store %arg12[%swap3A_908, %swap3A_909], %div3A_871 {strides = array<i32>} : memref<512x2xf32, #tpu.memory_space<vmem>>, vector<512x2xf32>,
    return
  }
  func.func @transform_0(%arg0: i32) -> (i32, i32) {
    %c0_i32 = arith.constant 0 : i32
    %c0_i32_0 = arith.constant 0 : i32
    return %arg0, %c0_i32 : i32, i32
  }
  func.func @transform_1(%arg0: i32) -> (i32, i32) {
    %c0_i32 = arith.constant 0 : i32
    %c0_i32_0 = arith.constant 0 : i32
    return %arg0, %c0_i32 : i32, i32
  }
  func.func @transform_2(%arg0: i32) -> (i32, i32, i32) {
    %c0_i32 = arith.constant 0 : i32
    %c0_i32_0 = arith.constant 0 : i32
    %c0_i32_1 = arith.constant 0 : i32
    return %c0_i32, %arg0, %c0_i32_0 : i32, i32, i32
  }
  func.func @transform_3(%arg0: i32) -> (i32, i32) {
    %c0_i32 = arith.constant 0 : i32
    %c0_i32_0 = arith.constant 0 : i32
    %c0_i32_1 = arith.constant 0 : i32
    return %c0_i32, %c0_i32_0 : i32, i32
  }
  func.func @transform_4(%arg0: i32) -> (i32, i32) {
    %c0_i32 = arith.constant 0 : i32
    %c0_i32_0 = arith.constant 0 : i32
    %c0_i32_1 = arith.constant 0 : i32
    return %c0_i32, %c0_i32_0 : i32, i32
  }
  func.func @transform_5(%arg0: i32) -> (i32, i32) {
    %c0_i32 = arith.constant 0 : i32
    %c0_i32_0 = arith.constant 0 : i32
    %c0_i32_1 = arith.constant 0 : i32
    return %c0_i32, %c0_i32_0 : i32, i32
  }
  func.func @transform_6(%arg0: i32) -> (i32, i32) {
    %c0_i32 = arith.constant 0 : i32
    %c0_i32_0 = arith.constant 0 : i32
    %c0_i32_1 = arith.constant 0 : i32
    return %c0_i32, %c0_i32_0 : i32, i32
  }
  func.func @transform_7(%arg0: i32) -> (i32, i32) {
    %c0_i32 = arith.constant 0 : i32
    %c0_i32_0 = arith.constant 0 : i32
    %c0_i32_1 = arith.constant 0 : i32
    return %c0_i32, %c0_i32_0 : i32, i32
  }
  func.func @transform_8(%arg0: i32) -> (i32, i32) {
    %c0_i32 = arith.constant 0 : i32
    %c0_i32_0 = arith.constant 0 : i32
    %c0_i32_1 = arith.constant 0 : i32
    return %c0_i32, %c0_i32_0 : i32, i32
  }
  func.func @transform_9(%arg0: i32) -> (i32, i32) {
    %c0_i32 = arith.constant 0 : i32
    %c0_i32_0 = arith.constant 0 : i32
    %c0_i32_1 = arith.constant 0 : i32
    return %c0_i32, %c0_i32_0 : i32, i32
  }
  func.func @transform_10(%arg0: i32) -> (i32, i32) {
    %c0_i32 = arith.constant 0 : i32
    %c0_i32_0 = arith.constant 0 : i32
    return %arg0, %c0_i32 : i32, i32
  }
  func.func @transform_11(%arg0: i32) -> (i32, i32) {
    %c0_i32 = arith.constant 0 : i32
    %c0_i32_0 = arith.constant 0 : i32
    return %arg0, %c0_i32 : i32, i32
  }
}

</mosaic_0001>

<sc_bundles>
// kernel: kernel.10.cloned.1.call-start
scs
__scs_entry_jumppad:
0x0: {  	(pc) =	sbr.rel $0x88, $3  }
0x1: {  	(tag) =	ssettag $0x0;
	lr =	simm.s32 $0x1  }
0x2: {  	[smem:$0x3F8F] =	sst lr;
	_ =	strace $0xD0000000  }
0x3: {  	_ = 	snop  }
0x4: {  	_ = 	snop  }
0x5: {  	_ = 	snop  }
0x6: {  	_ = 	snop  }
0x7: {  	_ = 	snop  }
__scs_overlays_trampoline_lowered:
0x8: {  	[smem:$0x3F9E] =	sst s0  }
0x9: {  	[smem:$0x3F9F] =	sst s1  }
0xa: {  	[smem:$0x3FA0] =	sst s2  }
0xb: {  	[smem:$0x3FA1] =	sst s3  }
0xc: {  	[smem:$0x3FA2] =	sst s4  }
0xd: {  	[smem:$0x3FA3] =	sst s5  }
0xe: {  	[smem:$0x3FA4] =	sst s6  }
0xf: {  	[smem:$0x3FA5] =	sst s7  }
0x10: {  	[smem:$0x3FA6] =	sst s8  }
0x11: {  	[smem:$0x3FA7] =	sst s9;
	s0 =	simm.s32 @!p0 $0x0  }
0x12: {  	s1 =	sld [smem:$0x3F8D];
	s0 =	simm.s32 @p0 $0x1  }
0x13: {  	[smem:$0x3FA8] =	sst s0;
	s0 =	simm.s32 @!p1 $0x0  }
0x14: {  	s2 =	sld [smem:$0x3F8C];
	s0 =	simm.s32 @p1 $0x1  }
0x15: {  	[smem:$0x3FA9] =	sst s0;
	s0 =	simm.s32 @!p2 $0x0  }
0x16: {  	s3 =	sld [smem:$0x3FDB];
	s0 =	simm.s32 @p2 $0x1  }
0x17: {  	s4 =	simm.s32 $0x1BF5;
	[smem:$0x3FAB] =	sst s0  }
0x18: {  	s0 =	sld [smem:$0x3F8E];
	_ =	swait.ge [sflag:s4], $0x0  }
0x19: {  	s7 =	sld [smem:$0x3F8F]  }
0x1a: {  	s8 =	sadd.s32 $0xFFFFE003, lr  }
0x1b: {  	s9 =	sadd.s32 $0xFFFFFEF7, lr;
	s5 =	simm.s32 $0xFFFFFFFF;
	p2 =	slt.u32 s8, $0xFFFFF086  }
0x1c: {  	p1 =	slt.u32 s9, $0xF7A;
	s5 =	simm.s32 @!p2 $0x0  }
0x1d: {  	s5 =	simm.s32 @p1 $0x1;
	p0 =	seq.s32 s7, s2  }
0x1e: {  	s7 =	smul.u32 @!p0 $0xF7A, s2;
	p2 =	seq.s32 @!p0 s5, $0x0  }
0x1f: {  	s9 =	smul.u32 $0xF7A, s1;
	s8 =	simm.s32 @!p0 $0x1BF5;
	p2 =	por !p2, p0  }
0x20: {  	[sflag:s8] =	ssyncset.s32 @!p0 $0xFFFFF086;
	s6 =	sadd.s32 @!p0 s3, s7;
	s7 =	simm.s32 @!p0 $0x108  }
0x21: {  	s3 =	sadd.s32 s3, s9;
	s6 =	sadd.s32 @!p0 $0x88, s6;
	s7 =	simm.s32 @p2 $0x1082  }
0x22: {  	[simem:s7], [sflag:s8] =	dma.local @!p0 [hbm:s6], $0xF7A  }
0x23: {  	s9 =	sor.u32 $0xD0000000, s2;
	s6 =	simm.s32 $0x108;
	_ =	swait.ge @!p0 [sflag:s8], $0x0  }
0x24: {  	s3 =	sadd.s32 $0x88, s3;
	s6 =	simm.s32 @!p1 $0x1082;
	[sflag:s4] =	ssyncset.s32 $0xFFFFF086  }
0x25: {  	[simem:s6], [sflag:s4] =	dma.local [hbm:s3], $0xF7A  }
0x26: {  	[smem:$0x3F8F] =	sst s1;
	(tag) =	ssettag s2;
	_ =	strace s9  }
0x27: {  	s1 =	sld [smem:$0x3F9F]  }
0x28: {  	s2 =	sld [smem:$0x3FA0]  }
0x29: {  	s4 =	sld [smem:$0x3FA2]  }
0x2a: {  	p0 =	seq.s32 s5, $0x0;
	s5 =	sld [smem:$0x3FA3]  }
0x2b: {  	s6 =	sld [smem:$0x3FA4]  }
0x2c: {  	s7 =	sld [smem:$0x3FA5]  }
0x2d: {  	s3 =	simm.s32 $0x108;
	s8 =	sld [smem:$0x3FA6]  }
0x2e: {  	s3 =	simm.s32 @!p0 $0x1082;
	s9 =	sld [smem:$0x3FA7]  }
0x2f: {  	lr =	sadd.s32 s0, s3;
	s0 =	sld [smem:$0x3F9E]  }
0x30: {  	s3 =	sld [smem:$0x3FA1]  }
0x31: {  	[smem:$0x3FAA] =	sst s10  }
0x32: {  	s10 =	sld [smem:$0x3FA8];
	_ =	sdelay $0x3  }
0x33: {  	p0 =	seq.s32 s10, $0x1;
	s10 =	sld [smem:$0x3FAA];
	_ =	sdelay $0x3  }
0x34: {  	[smem:$0x3FAA] =	sst s10  }
0x35: {  	s10 =	sld [smem:$0x3FA9];
	_ =	sdelay $0x3  }
0x36: {  	p1 =	seq.s32 s10, $0x1;
	s10 =	sld [smem:$0x3FAA];
	_ =	sdelay $0x3  }
0x37: {  	[smem:$0x3FAA] =	sst s10  }
0x38: {  	s10 =	sld [smem:$0x3FAB]  }
0x39: {  	_ = 	snop;
	(pc) =	sbr.ind lr, $3  }
0x3a: {  	_ = 	snop  }
0x3b: {  	_ = 	snop  }
0x3c: {  	p2 =	seq.s32 s10, $0x1;
	s10 =	sld [smem:$0x3FAA]  }
0x3d: {  	_ =	shalt  }
0x3e: {  	_ =	shalt  }
0x3f: {  	_ =	shalt  }
0x40: {  	_ =	shalt  }
0x41: {  	_ =	shalt  }
0x42: {  	_ =	shalt  }
0x43: {  	_ =	shalt  }
0x44: {  	_ =	shalt  }
0x45: {  	_ =	shalt  }
0x46: {  	_ =	shalt  }
0x47: {  	_ =	shalt  }
0x48: {  	_ =	shalt  }
0x49: {  	_ =	shalt  }
0x4a: {  	_ =	shalt  }
0x4b: {  	_ =	shalt  }
0x4c: {  	_ =	shalt  }
0x4d: {  	_ =	shalt  }
0x4e: {  	_ =	shalt  }
0x4f: {  	_ =	shalt  }
0x50: {  	_ =	shalt  }
0x51: {  	_ =	shalt  }
0x52: {  	_ =	shalt  }
0x53: {  	_ =	shalt  }
0x54: {  	_ =	shalt  }
0x55: {  	_ =	shalt  }
0x56: {  	_ =	shalt  }
0x57: {  	_ =	shalt  }
0x58: {  	_ =	shalt  }
0x59: {  	_ =	shalt  }
0x5a: {  	_ =	shalt  }
0x5b: {  	_ =	shalt  }
0x5c: {  	_ =	shalt  }
0x5d: {  	_ =	shalt  }
0x5e: {  	_ =	shalt  }
0x5f: {  	_ =	shalt  }
0x60: {  	_ =	shalt  }
0x61: {  	_ =	shalt  }
0x62: {  	_ =	shalt  }
0x63: {  	_ =	shalt  }
0x64: {  	_ =	shalt  }
0x65: {  	_ =	shalt  }
0x66: {  	_ =	shalt  }
0x67: {  	_ =	shalt  }
0x68: {  	_ =	shalt  }
0x69: {  	_ =	shalt  }
0x6a: {  	_ =	shalt  }
0x6b: {  	_ =	shalt  }
0x6c: {  	_ =	shalt  }
0x6d: {  	_ =	shalt  }
0x6e: {  	_ =	shalt  }
0x6f: {  	_ =	shalt  }
0x70: {  	_ =	shalt  }
0x71: {  	_ =	shalt  }
0x72: {  	_ =	shalt  }
0x73: {  	_ =	shalt  }
0x74: {  	_ =	shalt  }
0x75: {  	_ =	shalt  }
0x76: {  	_ =	shalt  }
0x77: {  	_ =	shalt  }
0x78: {  	_ =	shalt  }
0x79: {  	_ =	shalt  }
0x7a: {  	_ =	shalt  }
0x7b: {  	_ =	shalt  }
0x7c: {  	_ =	shalt  }
0x7d: {  	_ =	shalt  }
0x7e: {  	_ =	shalt  }
0x7f: {  	_ =	shalt  }
0x80: {  	_ =	shalt  }
0x81: {  	_ =	shalt  }
0x82: {  	_ =	shalt  }
0x83: {  	_ =	shalt  }
0x84: {  	_ =	shalt  }
0x85: {  	_ =	shalt  }
0x86: {  	_ =	shalt  }
0x87: {  	_ =	shalt  }
.Lfunc_end0:
.L_simem_size_0:
called_computation_lowered:
.L_overlay_start_0:
0x88: {  	s2 =	sld [smem:$0x3FD9]  }
0x89: {  	s3 =	sld [smem:$0x3FFE];
	_ =	sdelay $0x1  }
0x8a: {  	s1 =	srdreg.scid  }
0x8b: {  	s0 =	sand.u32 $0x1, s1  }
0x8c: {  	s14 =	sshll.u32 s0, $0xA;
	s2 =	sadd.s32 s3, s2  }
0x8d: {  	s2 =	sadd.s32 s2, s14  }
0x8e: {  	[smem:$0x3FB6] =	sst s2  }
0x8f: {  	_ = 	snop  }
0x90: {  	s2 =	sld [smem:$0x3FD0]  }
0x91: {  	s15 =	sld [smem:$0x3FC9]  }
0x92: {  	s4 =	sld [smem:$0x3FC6]  }
0x93: {  	s6 =	simm.s32 $0xC;
	s7 =	simm.s32 $0x10;
	s5 =	sld [smem:$0x3FC5]  }
0x94: {  	[smem:s7], [sflag:s6] =	dma.local [hbm:s2], $0x1  }
0x95: {  	_ =	swait.eq [sflag:s6], $0x1  }
0x96: {  	[sflag:s6] =	ssyncset.done $0x0  }
0x97: {  	[sflag:s6] =	ssyncadd.s32 $0xFFFFFFFF  }
0x98: {  	s16 =	sld [smem:$0x10];
	(tm) =	ssettm $0x1  }
0x99: {  	s17 =	sld [smem:$0x3FFB];
	_ =	sdelay $0x3  }
0x9a: {  	_ =	strace s17  }
0x9b: {  	s6 =	sld [smem:$0x3FFC];
	_ =	sdelay $0x3  }
0x9c: {  	_ =	strace s6  }
0x9d: {  	s6 =	sld [smem:$0x3FFD];
	_ =	sdelay $0x3  }
0x9e: {  	_ =	strace s6  }
0x9f: {  	_ =	strace $0x8FFFFFFF  }
0xa0: {  	s18 =	sld [smem:$0x3FDB];
	_ =	sdelay $0x1  }
0xa1: {  	s19 =	simm.s32 $_scs_section_size  }
0xa2: {  	s8 =	simm.s32 $_size__tile_overlayer_lowered;
	s9 =	simm.s32 $_tile_overlayer_lowered  }
0xa3: {  	s22 =	simm.s32 $0x1BFF;
	s21 =	sshll.u32 s9, $0x1;
	s6 =	sadd.s32 s19, s18  }
0xa4: {  	s10 =	simm.s32 $0x0;
	s20 =	sshll.u32 s8, $0x1;
	s8 =	sadd.s32 s21, s6  }
0xa5: {  	[timem:s10], [sflag:s22] =	dma.local [hbm:s8], s20  }
0xa6: {  	_ =	swait.ge [sflag:s22], s20  }
0xa7: {  	s7 =	ssub.s32 $0x0, s20;
	[sflag:s22] =	ssyncset.done $0x0  }
0xa8: {  	[sflag:s22] =	ssyncadd.s32 s7;
	_ =	sdelay $0x1  }
0xa9: {  	s23 =	simm.s32 $0x1B8B  }
0xaa: {  	_ =	swait.ge [sflag:s23], $0x1  }
0xab: {  	[sflag:s23] =	ssyncset.done $0x0  }
0xac: {  	s25 =	simm.s32 $0x1B8E;
	s24 =	sld [smem:$0x3FFE];
	[sflag:s23] =	ssyncadd.s32 $0xFFFFFFFF  }
0xad: {  	s26 =	simm.s32 $execute0_lowered;
	[smem:$0x3FD2] =	sst s25  }
0xae: {  	s8 =	sshll.u32 s26, $0x1;
	_ =	strace $0x80000046;
	[dreg:$0x1] =	wrdreg $0xFFFFFFFF  }
0xaf: {  	s28 =	simm.s32 $_size_execute0_lowered;
	s6 =	sadd.s32 s6, s8;
	[dreg:$0x0] =	wrdreg $0x0  }
0xb0: {  	s8 =	sshll.u32 s28, $0x1;
	[dreg:$0x2] =	wrdreg s6  }
0xb1: {  	[dreg:$0x3] =	wrdreg s8  }
0xb2: {  	[dreg:$0x4] =	wrdreg $0xC0  }
0xb3: {  	_ =	task [dreg:s10], $0x5FFFF  }
0xb4: {  	[dreg:$0x1] =	wrdreg $0xFFFFFFFF  }
0xb5: {  	[dreg:$0x0] =	wrdreg $0x60  }
0xb6: {  	[dreg:$0x2] =	wrdreg s24  }
0xb7: {  	[dreg:$0x3] =	wrdreg s4  }
0xb8: {  	[dreg:$0x4] =	wrdreg s5  }
0xb9: {  	[dreg:$0x5] =	wrdreg s15  }
0xba: {  	[dreg:$0x6] =	wrdreg s16  }
0xbb: {  	[dreg:$0x7] =	wrdreg $0x9  }
0xbc: {  	_ =	task.clear_ibuf [dreg:s10], $0x8FFFF;
	_ =	strace $0x90000046  }
0xbd: {  	s29 =	simm.s32 $0x9;
	_ =	strace $0x80000048  }
0xbe: {  	_ =	swait.ge [sflag:s29], $0x1  }
0xbf: {  	[sflag:s29] =	ssyncadd.s32 $0xFFFFFFFF  }
0xc0: {  	_ =	strace $0x90000048  }
0xc1: {  	_ =	sfence  }
0xc2: {  	s30 =	sld [smem:$0x0];
	_ =	sdelay $0x2  }
0xc3: {  	s31 =	sshll.u32 s1, $0xD;
	s1 =	sshrl.u32 s1, $0x2  }
0xc4: {  	s3 =	sand.u32 $0x4000, s31;
	s1 =	sadd.s32 s1, s30  }
0xc5: {  	s0 =	sor.u32 s3, s0;
	s1 =	sshll.u32 s1, $0x11  }
0xc6: {  	s0 =	sor.u32 s1, s0  }
0xc7: {  	s0 =	sadd.s32 $0x8F2B, s0  }
0xc8: {  	[sflag:s0] =	ssyncadd.remote.s32 $0x1  }
0xc9: {  	_ =	sfence.sel $0xFFFF  }
0xca: {  	[dreg:$0x0] =	wrdreg $0xFFFFFFFF;
	(pc) =	sbr.abs _section_cstart, $3  }
0xcb: {  	[dreg:$0x1] =	wrdreg $0xFFFFFFFF  }
0xcc: {  	_ =	task.clear_ibuf [dreg:s10], $0x2FFFF;
	_ =	strace $0x9FFFFFFF  }
0xcd: {  	(tm) =	ssettm $0x7FFFFFFF  }
tec
execute0_lowered:
.L_overlay_start_1:
0x0: {  	(tag) =	ssettag $0x1  }
0x1: {  	s6 =	rddreg [dreg:$0x0]  }
0x2: {  	s1 =	rddreg [dreg:$0x1]  }
0x3: {  	s2 =	rddreg [dreg:$0x2]  }
0x4: {  	s7 =	rddreg [dreg:$0x3]  }
0x5: {  	s8 =	rddreg [dreg:$0x4];
	s4 =	simm.s32 $0x0  }
0x6: {  	s5 =	srdreg.scid;
	s3 =	stileid.u32;
	s20 =	simm.s32 $0x1  }
0x7: {  	s21 =	simm.s32 $0x8200;
	s22 =	simm.s32 $0x2;
	s23 =	simm.s32 $0x10200  }
0x8: {  	s24 =	simm.s32 $0x80;
	[smem:$0x7FF] =	sst s4;
	s14 =	sand.u32 $0x1, s5  }
0x9: {  	s9 =	sshll.u32 s3, $0x1;
	s5 =	sadd.s32 $0x7600, s6;
	s16 =	sadd.s32 $0x3600, s6  }
0xa: {  	s15 =	sadd.s32 $0xDAC00, s6;
	s29 =	sshll.u32 s3, $0x11;
	s18 =	sshll.u32 s3, $0xD  }
0xb: {  	_ =	strace $0x80000047;
	s11 =	sor.u32 s14, s9;
	s10 =	ssub.s32 $0x2, s14  }
0xc: {  	s19 =	sshll.u32 s14, $0xC;
	s14 =	sshll.u32 s14, $0x10;
	s9 =	sshll.u32 s11, $0xB  }
0xd: {  	s25 =	sshrl.u32 s10, $0x1;
	s13 =	sshll.u32 s11, $0xC;
	s26 =	sshll.u32 s11, $0x4  }
0xe: {  	s17 =	sshll.u32 s11, $0x9;
	s11 =	sshll.u32 s11, $0x10;
	s30 =	sor.u32 s19, s18  }
0xf: {  	s18 =	simm.s32 $0x100;
	s19 =	simm.s32 $0x200;
	s12 =	sadd.s32 s9, s6  }
0x10: {  	s10 =	ssub.s32 s10, s25;
	s13 =	sor.u32 $0x100, s13;
	s6 =	sadd.s32 s7, s26  }
0x11: {  	s7 =	sadd.s32 s8, s9;
	s11 =	sadd.s32 s15, s11;
	s31 =	sor.u32 $0x300, s30  }
0x12: {  	s25 =	simm.s32 $0x10280;
	s26 =	simm.s32 $0x0;
	s8 =	sadd.s32 $0xCAC00, s12  }
0x13: {  	s9 =	smax.u32 s10, $0x1;
	s28 =	sshrl.u32 s13, $0x3;
	s13 =	sshll.u32 s13, $0x4  }
0x14: {  	s10 =	sadd.s32 s16, s17;
	s13 =	sadd.s32 s15, s13;
	s15 =	sadd.s32 s29, s15  }
0x15: {  	s17 =	sor.u32 $0x200, s30;
	s12 =	sadd.s32 s16, s28;
	s14 =	sadd.s32 s14, s15  }
0x16: {  	s17 =	sshrl.u32 s17, $0x3;
	s15 =	sshrl.u32 s31, $0x3;
	s14 =	sadd.s32 $0x3000, s14  }
0x17: {  	s15 =	sadd.s32 s15, s16;
	s16 =	sadd.s32 s17, s16;
	s17 =	simm.s32 $0x3  }
.LBB2_1:
0x18: {  	[tilespmem:s4], [sflag:$0x3] =	stream.linear.gather [hbm4b:s10+s4], $0x100, $0x38;
	[tilespmem:$0x14280] =	vst v63  }
0x19: {  	_ =	swait.ge [sflag:s17], $0x100  }
0x1a: {  	[sflag:s17] =	ssyncset.done $0x0  }
0x1b: {  	[sflag:s17] =	ssyncadd.s32 $0xFFFFFF00  }
0x1c: {  	[tilespmem:s19], [sflag:$0x1] =	stream.indirect.gather [hbm4b:s5+s18], $0x80, s4, s18, $0xb8;
	[tilespmem:$0x14280] =	vst v63  }
0x1d: {  	_ =	swait.ge [sflag:s20], $0x8000  }
0x1e: {  	[sflag:s20] =	ssyncset.done $0x0  }
0x1f: {  	[sflag:s20] =	ssyncadd.s32 $0xFFFF8000  }
0x20: {  	[hbm4b:s11+s4] =	stream.linear.scatter [tilespmem:s19], [sflag:$0x2], $0x8000, $0x38;
	[tilespmem:$0x14280] =	vst v63  }
0x21: {  	_ = 	snop  }
0x22: {  	[tilespmem:s18], [sflag:$0x3] =	stream.linear.gather [hbm4b:s12+s4], $0x100, $0x38;
	[tilespmem:$0x14280] =	vst v63  }
0x23: {  	_ =	swait.ge [sflag:s17], $0x100  }
0x24: {  	[sflag:s17] =	ssyncset.done $0x0  }
0x25: {  	[sflag:s17] =	ssyncadd.s32 $0xFFFFFF00  }
0x26: {  	[tilespmem:s21], [sflag:$0x1] =	stream.indirect.gather [hbm4b:s5+s18], $0x80, s18, s18, $0xb8;
	[tilespmem:$0x14280] =	vst v63  }
0x27: {  	_ =	swait.ge [sflag:s20], $0x8000  }
0x28: {  	[sflag:s20] =	ssyncset.done $0x0  }
0x29: {  	[sflag:s20] =	ssyncadd.s32 $0xFFFF8000  }
0x2a: {  	[hbm4b:s13+s4] =	stream.linear.scatter [tilespmem:s21], [sflag:$0x2], $0x8000, $0x38;
	[tilespmem:$0x14280] =	vst v63  }
0x2b: {  	_ =	swait.ge [sflag:s22], $0x8000  }
0x2c: {  	[sflag:s22] =	ssyncset.done $0x0  }
0x2d: {  	s28 =	sadd.s32 $0x0, s16;
	[sflag:s22] =	ssyncadd.s32 $0xFFFF8000  }
0x2e: {  	[tilespmem:s4], [sflag:$0x3] =	stream.linear.gather [hbm4b:s28+s4], $0x100, $0x38;
	[tilespmem:$0x14280] =	vst v63  }
0x2f: {  	_ =	swait.ge [sflag:s17], $0x100  }
0x30: {  	[sflag:s17] =	ssyncset.done $0x0  }
0x31: {  	[sflag:s17] =	ssyncadd.s32 $0xFFFFFF00  }
0x32: {  	[tilespmem:s19], [sflag:$0x1] =	stream.indirect.gather [hbm4b:s5+s18], $0x80, s4, s18, $0xb8;
	[tilespmem:$0x14280] =	vst v63  }
0x33: {  	_ =	swait.ge [sflag:s20], $0x8000  }
0x34: {  	[sflag:s20] =	ssyncset.done $0x0  }
0x35: {  	s28 =	sadd.s32 $0xFFFFF000, s14;
	[sflag:s20] =	ssyncadd.s32 $0xFFFF8000  }
0x36: {  	[hbm4b:s28+s4] =	stream.linear.scatter [tilespmem:s19], [sflag:$0x2], $0x8000, $0x38;
	[tilespmem:$0x14280] =	vst v63  }
0x37: {  	_ =	swait.ge [sflag:s22], $0x8000  }
0x38: {  	[sflag:s22] =	ssyncset.done $0x0  }
0x39: {  	s28 =	sadd.s32 $0x0, s15;
	[sflag:s22] =	ssyncadd.s32 $0xFFFF8000  }
0x3a: {  	[tilespmem:s18], [sflag:$0x3] =	stream.linear.gather [hbm4b:s28+s4], $0x100, $0x38;
	[tilespmem:$0x14280] =	vst v63  }
0x3b: {  	_ =	swait.ge [sflag:s17], $0x100  }
0x3c: {  	[sflag:s17] =	ssyncset.done $0x0  }
0x3d: {  	[sflag:s17] =	ssyncadd.s32 $0xFFFFFF00  }
0x3e: {  	[tilespmem:s21], [sflag:$0x1] =	stream.indirect.gather [hbm4b:s5+s18], $0x80, s18, s18, $0xb8;
	[tilespmem:$0x14280] =	vst v63  }
0x3f: {  	_ =	swait.ge [sflag:s20], $0x8000  }
0x40: {  	s29 =	sadd.s32 $0x2000, s14;
	[sflag:s20] =	ssyncset.done $0x0  }
0x41: {  	s30 =	smov.u32 s14;
	s28 =	simm.s32 $0x40;
	[sflag:s20] =	ssyncadd.s32 $0xFFFF8000  }
.LBB2_2:
0x42: {  	[hbm4b:s30+s4] =	stream.linear.scatter [tilespmem:s21], [sflag:$0x2], $0x8000, $0x38;
	[tilespmem:$0x14280] =	vst v63  }
0x43: {  	s31 =	smov.u32 s28;
	s30 =	smov.u32 s29  }
0x44: {  	p0 =	sne.s32 s28, $0x180;
	s28 =	sadd.s32 $0x40, s28;
	_ =	swait.ge [sflag:s22], $0x8000  }
0x45: {  	[sflag:s22] =	ssyncset.done $0x0  }
0x46: {  	s0 =	sadd.s32 s31, s16;
	[sflag:s22] =	ssyncadd.s32 $0xFFFF8000  }
0x47: {  	[tilespmem:s4], [sflag:$0x3] =	stream.linear.gather [hbm4b:s0+s4], $0x100, $0x38;
	[tilespmem:$0x14280] =	vst v63  }
0x48: {  	_ =	swait.ge [sflag:s17], $0x100  }
0x49: {  	[sflag:s17] =	ssyncset.done $0x0  }
0x4a: {  	[sflag:s17] =	ssyncadd.s32 $0xFFFFFF00  }
0x4b: {  	[tilespmem:s19], [sflag:$0x1] =	stream.indirect.gather [hbm4b:s5+s18], $0x80, s4, s18, $0xb8;
	[tilespmem:$0x14280] =	vst v63  }
0x4c: {  	_ =	swait.ge [sflag:s20], $0x8000  }
0x4d: {  	[sflag:s20] =	ssyncset.done $0x0  }
0x4e: {  	s0 =	sadd.s32 $0xFFFFF000, s29;
	[sflag:s20] =	ssyncadd.s32 $0xFFFF8000  }
0x4f: {  	[hbm4b:s0+s4] =	stream.linear.scatter [tilespmem:s19], [sflag:$0x2], $0x8000, $0x38;
	[tilespmem:$0x14280] =	vst v63  }
0x50: {  	_ =	swait.ge [sflag:s22], $0x8000  }
0x51: {  	[sflag:s22] =	ssyncset.done $0x0  }
0x52: {  	s0 =	sadd.s32 s31, s15;
	[sflag:s22] =	ssyncadd.s32 $0xFFFF8000  }
0x53: {  	[tilespmem:s18], [sflag:$0x3] =	stream.linear.gather [hbm4b:s0+s4], $0x100, $0x38;
	[tilespmem:$0x14280] =	vst v63  }
0x54: {  	_ =	swait.ge [sflag:s17], $0x100  }
0x55: {  	[sflag:s17] =	ssyncset.done $0x0  }
.Ltmp0:
0x56: {  	[sflag:s17] =	ssyncadd.s32 $0xFFFFFF00;
	(pc) =	sbr.rel @p0 .LBB2_2-.Ltmp0, $4  }
0x57: {  	[tilespmem:s21], [sflag:$0x1] =	stream.indirect.gather [hbm4b:s5+s18], $0x80, s18, s18, $0xb8;
	[tilespmem:$0x14280] =	vst v63  }
0x58: {  	_ =	swait.ge [sflag:s20], $0x8000  }
0x59: {  	[sflag:s20] =	ssyncset.done $0x0  }
0x5a: {  	s29 =	sadd.s32 $0x2000, s29;
	[sflag:s20] =	ssyncadd.s32 $0xFFFF8000  }
0x5b: {  	[hbm4b:s30+s4] =	stream.linear.scatter [tilespmem:s21], [sflag:$0x2], $0x8000, $0x38;
	[tilespmem:$0x14280] =	vst v63  }
0x5c: {  	_ =	swait.ge [sflag:s22], $0x8000  }
0x5d: {  	[sflag:s22] =	ssyncset.done $0x0  }
0x5e: {  	[sflag:s22] =	ssyncadd.s32 $0xFFFF8000  }
0x5f: {  	_ =	swait.ge [sflag:s22], $0x8000  }
0x60: {  	[sflag:s22] =	ssyncset.done $0x0  }
0x61: {  	[sflag:s22] =	ssyncadd.s32 $0xFFFF8000  }
0x62: {  	[tilespmem:s23], [sflag:$0x3] =	stream.linear.gather [hbm4b:s6+s4], $0x80, $0x38;
	[tilespmem:$0x14280] =	vst v63  }
0x63: {  	_ =	swait.ge [sflag:s17], $0x80  }
0x64: {  	[sflag:s17] =	ssyncset.done $0x0  }
0x65: {  	[sflag:s17] =	ssyncadd.s32 $0xFFFFFF80  }
0x66: {  	[tilespmem:s25], [sflag:$0x1] =	stream.indirect.gather [hbm4b:s1+s24], $0x80, s23, s24, $0xb8;
	[tilespmem:$0x14280] =	vst v63  }
0x67: {  	_ =	swait.ge [sflag:s20], $0x4000  }
0x68: {  	[sflag:s20] =	ssyncset.done $0x0  }
0x69: {  	[sflag:s20] =	ssyncadd.s32 $0xFFFFC000  }
0x6a: {  	[hbm4b:s7+s4] =	stream.linear.scatter [tilespmem:s25], [sflag:$0x3], $0x4000, $0x38;
	[tilespmem:$0x14280] =	vst v63  }
0x6b: {  	_ =	swait.ge [sflag:s17], $0x4000  }
0x6c: {  	[sflag:s17] =	ssyncset.done $0x0  }
0x6d: {  	[sflag:s17] =	ssyncadd.s32 $0xFFFFC000  }
0x6e: {  	[tilespmem:s25], [sflag:$0x1] =	stream.indirect.gather [hbm4b:s2+s24], $0x80, s23, s24, $0xb8;
	[tilespmem:$0x14280] =	vst v63  }
0x6f: {  	s26 =	sadd.s32 $0x1, s26;
	_ =	swait.ge [sflag:s20], $0x4000  }
0x70: {  	p0 =	sne.s32 s26, s9;
	[sflag:s20] =	ssyncset.done $0x0  }
.Ltmp1:
0x71: {  	[sflag:s20] =	ssyncadd.s32 $0xFFFFC000;
	(pc) =	sbr.rel @p0 .LBB2_1-.Ltmp1, $4  }
0x72: {  	[hbm4b:s8+s4] =	stream.linear.scatter [tilespmem:s25], [sflag:$0x3], $0x4000, $0x38;
	[tilespmem:$0x14280] =	vst v63  }
0x73: {  	_ =	swait.ge [sflag:s17], $0x4000  }
0x74: {  	[sflag:s17] =	ssyncset.done $0x0  }
0x75: {  	[sflag:s17] =	ssyncadd.s32 $0xFFFFC000  }
0x76: {  	_ =	sfence.sel $0x180000  }
0x77: {  	[bflag:$0x0] =	sbarrier.arrive $0xFFFF  }
0x78: {  	_ =	strace $0x90000047  }
0x79: {  	[bflag:$0x2] =	sbarrier.arrive $0xFFFF  }
0x7a: {  	p0 =	sne.s32 s3, $0x0;
	s0 =	rddreg [dreg:$0x5]  }
0x7b: {  	s0 =	sadd.s32 @!p0 $0x100000, s0  }
0x7c: {  	[sflag:s0] =	ssyncadd.tile.s32 @!p0 $0x1;
	_ =	shalt  }
.Lfunc_end2:
_tile_overlayer_lowered:
.L_overlay_start_2:
0x7d: {  	(tag) =	ssettag $0x2  }
0x7e: {  	s0 =	rddreg [dreg:$0x0];
	s2 =	stileid.u32  }
0x7f: {  	s1 =	rddreg [dreg:$0x1];
	p0 =	sne.s32 s2, $0x0  }
0x80: {  	s3 =	rddreg [dreg:$0x2];
	[bflag:$0x3] =	sbarrier.arrive $0xFFFF;
	s2 =	simm.s32 @!p0 $0x1C03  }
0x81: {  	[timem:s3], [sflag:s2] =	dma.local @!p0 [hbm:s0], s1  }
0x82: {  	s0 =	simm.s32 @!p0 $0x3  }
0x83: {  	_ =	swait.ge @!p0 [sflag:s0], s1  }
0x84: {  	s1 =	ssub.s32 @!p0 $0x0, s1;
	[sflag:s0] =	ssyncset.done @!p0 $0x0  }
0x85: {  	[sflag:s0] =	ssyncadd.s32 @!p0 s1  }
0x86: {  	[bflag:$0x3] =	sbarrier.arrive $0xFFFF  }
0x87: {  	_ =	shalt  }

// kernel: kernel.13.cloned.1.call-start
scs
__scs_entry_jumppad:
0x0: {  	(pc) =	sbr.rel $0x88, $3  }
0x1: {  	(tag) =	ssettag $0x0;
	lr =	simm.s32 $0x1  }
0x2: {  	[smem:$0x3F8F] =	sst lr;
	_ =	strace $0xD0000000  }
0x3: {  	_ = 	snop  }
0x4: {  	_ = 	snop  }
0x5: {  	_ = 	snop  }
0x6: {  	_ = 	snop  }
0x7: {  	_ = 	snop  }
__scs_overlays_trampoline_lowered:
0x8: {  	[smem:$0x3F9E] =	sst s0  }
0x9: {  	[smem:$0x3F9F] =	sst s1  }
0xa: {  	[smem:$0x3FA0] =	sst s2  }
0xb: {  	[smem:$0x3FA1] =	sst s3  }
0xc: {  	[smem:$0x3FA2] =	sst s4  }
0xd: {  	[smem:$0x3FA3] =	sst s5  }
0xe: {  	[smem:$0x3FA4] =	sst s6  }
0xf: {  	[smem:$0x3FA5] =	sst s7  }
0x10: {  	[smem:$0x3FA6] =	sst s8  }
0x11: {  	[smem:$0x3FA7] =	sst s9;
	s0 =	simm.s32 @!p0 $0x0  }
0x12: {  	s1 =	sld [smem:$0x3F8D];
	s0 =	simm.s32 @p0 $0x1  }
0x13: {  	[smem:$0x3FA8] =	sst s0;
	s0 =	simm.s32 @!p1 $0x0  }
0x14: {  	s2 =	sld [smem:$0x3F8C];
	s0 =	simm.s32 @p1 $0x1  }
0x15: {  	[smem:$0x3FA9] =	sst s0;
	s0 =	simm.s32 @!p2 $0x0  }
0x16: {  	s3 =	sld [smem:$0x3FDB];
	s0 =	simm.s32 @p2 $0x1  }
0x17: {  	s4 =	simm.s32 $0x1BF5;
	[smem:$0x3FAB] =	sst s0  }
0x18: {  	s0 =	sld [smem:$0x3F8E];
	_ =	swait.ge [sflag:s4], $0x0  }
0x19: {  	s7 =	sld [smem:$0x3F8F]  }
0x1a: {  	s8 =	sadd.s32 $0xFFFFE003, lr  }
0x1b: {  	s9 =	sadd.s32 $0xFFFFFEF7, lr;
	s5 =	simm.s32 $0xFFFFFFFF;
	p2 =	slt.u32 s8, $0xFFFFF086  }
0x1c: {  	p1 =	slt.u32 s9, $0xF7A;
	s5 =	simm.s32 @!p2 $0x0  }
0x1d: {  	s5 =	simm.s32 @p1 $0x1;
	p0 =	seq.s32 s7, s2  }
0x1e: {  	s7 =	smul.u32 @!p0 $0xF7A, s2;
	p2 =	seq.s32 @!p0 s5, $0x0  }
0x1f: {  	s9 =	smul.u32 $0xF7A, s1;
	s8 =	simm.s32 @!p0 $0x1BF5;
	p2 =	por !p2, p0  }
0x20: {  	[sflag:s8] =	ssyncset.s32 @!p0 $0xFFFFF086;
	s6 =	sadd.s32 @!p0 s3, s7;
	s7 =	simm.s32 @!p0 $0x108  }
0x21: {  	s3 =	sadd.s32 s3, s9;
	s6 =	sadd.s32 @!p0 $0x88, s6;
	s7 =	simm.s32 @p2 $0x1082  }
0x22: {  	[simem:s7], [sflag:s8] =	dma.local @!p0 [hbm:s6], $0xF7A  }
0x23: {  	s9 =	sor.u32 $0xD0000000, s2;
	s6 =	simm.s32 $0x108;
	_ =	swait.ge @!p0 [sflag:s8], $0x0  }
0x24: {  	s3 =	sadd.s32 $0x88, s3;
	s6 =	simm.s32 @!p1 $0x1082;
	[sflag:s4] =	ssyncset.s32 $0xFFFFF086  }
0x25: {  	[simem:s6], [sflag:s4] =	dma.local [hbm:s3], $0xF7A  }
0x26: {  	[smem:$0x3F8F] =	sst s1;
	(tag) =	ssettag s2;
	_ =	strace s9  }
0x27: {  	s1 =	sld [smem:$0x3F9F]  }
0x28: {  	s2 =	sld [smem:$0x3FA0]  }
0x29: {  	s4 =	sld [smem:$0x3FA2]  }
0x2a: {  	p0 =	seq.s32 s5, $0x0;
	s5 =	sld [smem:$0x3FA3]  }
0x2b: {  	s6 =	sld [smem:$0x3FA4]  }
0x2c: {  	s7 =	sld [smem:$0x3FA5]  }
0x2d: {  	s3 =	simm.s32 $0x108;
	s8 =	sld [smem:$0x3FA6]  }
0x2e: {  	s3 =	simm.s32 @!p0 $0x1082;
	s9 =	sld [smem:$0x3FA7]  }
0x2f: {  	lr =	sadd.s32 s0, s3;
	s0 =	sld [smem:$0x3F9E]  }
0x30: {  	s3 =	sld [smem:$0x3FA1]  }
0x31: {  	[smem:$0x3FAA] =	sst s10  }
0x32: {  	s10 =	sld [smem:$0x3FA8];
	_ =	sdelay $0x3  }
0x33: {  	p0 =	seq.s32 s10, $0x1;
	s10 =	sld [smem:$0x3FAA];
	_ =	sdelay $0x3  }
0x34: {  	[smem:$0x3FAA] =	sst s10  }
0x35: {  	s10 =	sld [smem:$0x3FA9];
	_ =	sdelay $0x3  }
0x36: {  	p1 =	seq.s32 s10, $0x1;
	s10 =	sld [smem:$0x3FAA];
	_ =	sdelay $0x3  }
0x37: {  	[smem:$0x3FAA] =	sst s10  }
0x38: {  	s10 =	sld [smem:$0x3FAB]  }
0x39: {  	_ = 	snop;
	(pc) =	sbr.ind lr, $3  }
0x3a: {  	_ = 	snop  }
0x3b: {  	_ = 	snop  }
0x3c: {  	p2 =	seq.s32 s10, $0x1;
	s10 =	sld [smem:$0x3FAA]  }
0x3d: {  	_ =	shalt  }
0x3e: {  	_ =	shalt  }
0x3f: {  	_ =	shalt  }
0x40: {  	_ =	shalt  }
0x41: {  	_ =	shalt  }
0x42: {  	_ =	shalt  }
0x43: {  	_ =	shalt  }
0x44: {  	_ =	shalt  }
0x45: {  	_ =	shalt  }
0x46: {  	_ =	shalt  }
0x47: {  	_ =	shalt  }
0x48: {  	_ =	shalt  }
0x49: {  	_ =	shalt  }
0x4a: {  	_ =	shalt  }
0x4b: {  	_ =	shalt  }
0x4c: {  	_ =	shalt  }
0x4d: {  	_ =	shalt  }
0x4e: {  	_ =	shalt  }
0x4f: {  	_ =	shalt  }
0x50: {  	_ =	shalt  }
0x51: {  	_ =	shalt  }
0x52: {  	_ =	shalt  }
0x53: {  	_ =	shalt  }
0x54: {  	_ =	shalt  }
0x55: {  	_ =	shalt  }
0x56: {  	_ =	shalt  }
0x57: {  	_ =	shalt  }
0x58: {  	_ =	shalt  }
0x59: {  	_ =	shalt  }
0x5a: {  	_ =	shalt  }
0x5b: {  	_ =	shalt  }
0x5c: {  	_ =	shalt  }
0x5d: {  	_ =	shalt  }
0x5e: {  	_ =	shalt  }
0x5f: {  	_ =	shalt  }
0x60: {  	_ =	shalt  }
0x61: {  	_ =	shalt  }
0x62: {  	_ =	shalt  }
0x63: {  	_ =	shalt  }
0x64: {  	_ =	shalt  }
0x65: {  	_ =	shalt  }
0x66: {  	_ =	shalt  }
0x67: {  	_ =	shalt  }
0x68: {  	_ =	shalt  }
0x69: {  	_ =	shalt  }
0x6a: {  	_ =	shalt  }
0x6b: {  	_ =	shalt  }
0x6c: {  	_ =	shalt  }
0x6d: {  	_ =	shalt  }
0x6e: {  	_ =	shalt  }
0x6f: {  	_ =	shalt  }
0x70: {  	_ =	shalt  }
0x71: {  	_ =	shalt  }
0x72: {  	_ =	shalt  }
0x73: {  	_ =	shalt  }
0x74: {  	_ =	shalt  }
0x75: {  	_ =	shalt  }
0x76: {  	_ =	shalt  }
0x77: {  	_ =	shalt  }
0x78: {  	_ =	shalt  }
0x79: {  	_ =	shalt  }
0x7a: {  	_ =	shalt  }
0x7b: {  	_ =	shalt  }
0x7c: {  	_ =	shalt  }
0x7d: {  	_ =	shalt  }
0x7e: {  	_ =	shalt  }
0x7f: {  	_ =	shalt  }
0x80: {  	_ =	shalt  }
0x81: {  	_ =	shalt  }
0x82: {  	_ =	shalt  }
0x83: {  	_ =	shalt  }
0x84: {  	_ =	shalt  }
0x85: {  	_ =	shalt  }
0x86: {  	_ =	shalt  }
0x87: {  	_ =	shalt  }
.Lfunc_end0:
.L_simem_size_0:
called_computation.1_lowered:
.L_overlay_start_0:
0x88: {  	s2 =	sld [smem:$0x3FD9]  }
0x89: {  	s3 =	sld [smem:$0x3FFE];
	_ =	sdelay $0x1  }
0x8a: {  	s1 =	srdreg.scid  }
0x8b: {  	s0 =	sand.u32 $0x1, s1  }
0x8c: {  	s17 =	sshll.u32 s0, $0xA;
	s2 =	sadd.s32 s3, s2  }
0x8d: {  	s2 =	sadd.s32 s2, s17  }
0x8e: {  	[smem:$0x3FB6] =	sst s2  }
0x8f: {  	_ = 	snop  }
0x90: {  	(tm) =	ssettm $0x1  }
0x91: {  	s18 =	sld [smem:$0x3FFB];
	_ =	sdelay $0x3  }
0x92: {  	_ =	strace s18  }
0x93: {  	s2 =	sld [smem:$0x3FFC];
	_ =	sdelay $0x3  }
0x94: {  	_ =	strace s2  }
0x95: {  	s2 =	sld [smem:$0x3FFD];
	_ =	sdelay $0x3  }
0x96: {  	_ =	strace s2  }
0x97: {  	_ =	strace $0x8FFFFFFF  }
0x98: {  	s19 =	sld [smem:$0x3FDB];
	_ =	sdelay $0x1  }
0x99: {  	s20 =	simm.s32 $_scs_section_size  }
0x9a: {  	s4 =	simm.s32 $_size__tile_overlayer_lowered;
	s5 =	simm.s32 $_tile_overlayer_lowered  }
0x9b: {  	s6 =	simm.s32 $0x1BFF;
	s21 =	sshll.u32 s5, $0x1;
	s3 =	sadd.s32 s20, s19  }
0x9c: {  	s22 =	simm.s32 $0x0;
	s4 =	sshll.u32 s4, $0x1;
	s5 =	sadd.s32 s21, s3  }
0x9d: {  	[timem:s22], [sflag:s6] =	dma.local [hbm:s5], s4  }
0x9e: {  	_ =	swait.ge [sflag:s6], s4  }
0x9f: {  	s4 =	ssub.s32 $0x0, s4;
	[sflag:s6] =	ssyncset.done $0x0  }
0xa0: {  	[sflag:s6] =	ssyncadd.s32 s4;
	_ =	sdelay $0x1  }
0xa1: {  	s23 =	simm.s32 $0x1B8B  }
0xa2: {  	_ =	swait.ge [sflag:s23], $0x1  }
0xa3: {  	[sflag:s23] =	ssyncset.done $0x0  }
0xa4: {  	[sflag:s23] =	ssyncadd.s32 $0xFFFFFFFF  }
0xa5: {  	s4 =	sld [smem:$0x0]  }
0xa6: {  	s5 =	sand.u32 $0xFFFFFFFE, s1  }
0xa7: {  	p0 =	sne.s32 s1, s5  }
0xa8: {  	s5 =	sshll.u32 @p0 s5, $0xE  }
0xa9: {  	s5 =	sadd.s32 @p0 $0x11B8D, s5;
	s6 =	sshll.u32 @p0 s4, $0x11  }
0xaa: {  	s5 =	sor.u32 @p0 s6, s5  }
0xab: {  	[sflag:s5] =	ssyncadd.remote.s32 @p0 $0x1;
	_ =	sdelay $0x1  }
0xac: {  	s5 =	simm.s32 @p0 $0x1B8D  }
0xad: {  	_ =	swait.eq @p0 [sflag:s5], $0x1  }
0xae: {  	[sflag:s5] =	ssyncadd.s32 @p0 $0xFFFFFFFF  }
0xaf: {  	s6 =	sshll.u32 @!p0 s1, $0xE  }
0xb0: {  	s6 =	sor.u32 @!p0 $0x4000, s6;
	s5 =	simm.s32 @!p0 $0x1B8D  }
0xb1: {  	s4 =	sshll.u32 @!p0 s4, $0x11;
	s6 =	sadd.s32 @!p0 $0x11B8D, s6;
	_ =	swait.eq @!p0 [sflag:s5], $0x1  }
0xb2: {  	s4 =	sor.u32 @!p0 s4, s6;
	[sflag:s5] =	ssyncadd.s32 @!p0 $0xFFFFFFFF  }
0xb3: {  	s25 =	simm.s32 $0x1B8E;
	s24 =	sld [smem:$0x3FFE];
	[sflag:s4] =	ssyncadd.remote.s32 @!p0 $0x1  }
0xb4: {  	s26 =	simm.s32 $execute0_lowered;
	[smem:$0x3FD2] =	sst s25  }
0xb5: {  	s5 =	sshll.u32 s26, $0x1;
	_ =	strace $0x80000049;
	[dreg:$0x1] =	wrdreg $0xFFFFFFFF  }
0xb6: {  	s28 =	simm.s32 $_size_execute0_lowered;
	s3 =	sadd.s32 s3, s5;
	[dreg:$0x0] =	wrdreg $0x0  }
0xb7: {  	s5 =	sshll.u32 s28, $0x1;
	[dreg:$0x2] =	wrdreg s3  }
0xb8: {  	[dreg:$0x3] =	wrdreg s5  }
0xb9: {  	[dreg:$0x4] =	wrdreg $0xC0  }
0xba: {  	_ =	task [dreg:s22], $0x5FFFF  }
0xbb: {  	[dreg:$0x1] =	wrdreg $0xFFFFFFFF  }
0xbc: {  	[dreg:$0x0] =	wrdreg $0x60  }
0xbd: {  	[dreg:$0x2] =	wrdreg s24  }
0xbe: {  	[dreg:$0x3] =	wrdreg $0xA  }
0xbf: {  	_ =	task.clear_ibuf [dreg:s22], $0x4FFFF;
	_ =	strace $0x90000049  }
0xc0: {  	s29 =	simm.s32 $0xA;
	_ =	strace $0x8000004B  }
0xc1: {  	_ =	swait.ge [sflag:s29], $0x1  }
0xc2: {  	[sflag:s29] =	ssyncadd.s32 $0xFFFFFFFF  }
0xc3: {  	_ =	strace $0x9000004B  }
0xc4: {  	_ =	sfence  }
0xc5: {  	s30 =	sld [smem:$0x0];
	_ =	sdelay $0x2  }
0xc6: {  	s31 =	sshll.u32 s1, $0xD;
	s1 =	sshrl.u32 s1, $0x2  }
0xc7: {  	s4 =	sand.u32 $0x4000, s31;
	s1 =	sadd.s32 s1, s30  }
0xc8: {  	s0 =	sor.u32 s4, s0;
	s1 =	sshll.u32 s1, $0x11  }
0xc9: {  	s0 =	sor.u32 s1, s0  }
0xca: {  	s0 =	sadd.s32 $0x8F2B, s0  }
0xcb: {  	[sflag:s0] =	ssyncadd.remote.s32 $0x1  }
0xcc: {  	_ =	sfence.sel $0xFFFF  }
0xcd: {  	[dreg:$0x0] =	wrdreg $0xFFFFFFFF;
	(pc) =	sbr.abs _section_cstart, $3  }
0xce: {  	[dreg:$0x1] =	wrdreg $0xFFFFFFFF  }
0xcf: {  	_ =	task.clear_ibuf [dreg:s22], $0x2FFFF;
	_ =	strace $0x9FFFFFFF  }
0xd0: {  	(tm) =	ssettm $0x7FFFFFFF  }
0xd1: {  	_ =	shalt  }
tec
execute0_lowered:
.L_overlay_start_1:
0x0: {  	(tag) =	ssettag $0x1  }
0x1: {  	s1 =	srdreg.scid  }
0x2: {  	s0 =	stileid.u32;
	s26 =	sand.u32 $0x1, s1  }
0x3: {  	s9 =	rddreg [dreg:$0x0];
	s3 =	sshll.u32 s0, $0xC;
	s4 =	sshll.u32 s26, $0xB  }
0x4: {  	s2 =	simm.s32 $0x0;
	s1 =	rddreg [dreg:$0x1];
	s25 =	sor.u32 s4, s3  }
0x5: {  	[smem:$0x7FF] =	sst s2;
	s24 =	sadd.s32 $0x2DAC00, s9;
	s3 =	sshrl.u32 s25, $0x3  }
0x6: {  	_ =	strace $0x8000004A;
	s4 =	simm.s32 $0x3;
	s3 =	sadd.s32 s24, s3  }
0x7: {  	[tilespmem:s2], [sflag:$0x3] =	stream.linear.gather [hbm4b:s3+s2], $0x100, $0x38;
	[tilespmem:$0x10200] =	vst v63  }
0x8: {  	_ =	swait.ge [sflag:s4], $0x100  }
0x9: {  	s6 =	simm.s32 $0x100;
	s7 =	simm.s32 $0x200;
	[sflag:s4] =	ssyncset.done $0x0  }
0xa: {  	s8 =	simm.s32 $0x1;
	s5 =	sadd.s32 $0x2DCC00, s9;
	[sflag:s4] =	ssyncadd.s32 $0xFFFFFF00  }
0xb: {  	[tilespmem:s7], [sflag:$0x1] =	stream.indirect.gather [hbm4b:s5+s6], $0x80, s2, s6, $0xb8;
	[tilespmem:$0x10200] =	vst v63  }
0xc: {  	s28 =	sadd.s32 $0x3A0200, s9;
	_ =	swait.ge [sflag:s8], $0x8000  }
0xd: {  	s30 =	sshll.u32 s25, $0x4;
	s12 =	sor.u32 $0x100, s25;
	[sflag:s8] =	ssyncset.done $0x0  }
0xe: {  	s9 =	sadd.s32 s28, s30;
	s10 =	sshrl.u32 s12, $0x3;
	[sflag:s8] =	ssyncadd.s32 $0xFFFF8000  }
0xf: {  	[hbm4b:s9+s2] =	stream.linear.scatter [tilespmem:s7], [sflag:$0x2], $0x8000, $0x38;
	[tilespmem:$0x10200] =	vst v63  }
0x10: {  	s10 =	sadd.s32 s24, s10  }
0x11: {  	[tilespmem:s6], [sflag:$0x3] =	stream.linear.gather [hbm4b:s10+s2], $0x100, $0x38;
	[tilespmem:$0x10200] =	vst v63  }
0x12: {  	_ =	swait.ge [sflag:s4], $0x100  }
0x13: {  	[sflag:s4] =	ssyncset.done $0x0  }
0x14: {  	s11 =	simm.s32 $0x8200;
	[sflag:s4] =	ssyncadd.s32 $0xFFFFFF00  }
0x15: {  	[tilespmem:s11], [sflag:$0x1] =	stream.indirect.gather [hbm4b:s5+s6], $0x80, s6, s6, $0xb8;
	[tilespmem:$0x10200] =	vst v63  }
0x16: {  	_ =	swait.ge [sflag:s8], $0x8000  }
0x17: {  	s12 =	sshll.u32 s12, $0x4;
	[sflag:s8] =	ssyncset.done $0x0  }
0x18: {  	s13 =	sadd.s32 s28, s12;
	s12 =	simm.s32 $0x2;
	[sflag:s8] =	ssyncadd.s32 $0xFFFF8000  }
0x19: {  	[hbm4b:s13+s2] =	stream.linear.scatter [tilespmem:s11], [sflag:$0x2], $0x8000, $0x38;
	[tilespmem:$0x10200] =	vst v63  }
0x1a: {  	s15 =	sor.u32 $0x200, s25;
	_ =	swait.ge [sflag:s12], $0x8000  }
0x1b: {  	s14 =	sshrl.u32 s15, $0x3;
	[sflag:s12] =	ssyncset.done $0x0  }
0x1c: {  	s14 =	sadd.s32 s24, s14;
	[sflag:s12] =	ssyncadd.s32 $0xFFFF8000  }
0x1d: {  	[tilespmem:s2], [sflag:$0x3] =	stream.linear.gather [hbm4b:s14+s2], $0x100, $0x38;
	[tilespmem:$0x10200] =	vst v63  }
0x1e: {  	_ =	swait.ge [sflag:s4], $0x100  }
0x1f: {  	[sflag:s4] =	ssyncset.done $0x0  }
0x20: {  	[sflag:s4] =	ssyncadd.s32 $0xFFFFFF00  }
0x21: {  	[tilespmem:s7], [sflag:$0x1] =	stream.indirect.gather [hbm4b:s5+s6], $0x80, s2, s6, $0xb8;
	[tilespmem:$0x10200] =	vst v63  }
0x22: {  	_ =	swait.ge [sflag:s8], $0x8000  }
0x23: {  	s15 =	sshll.u32 s15, $0x4;
	[sflag:s8] =	ssyncset.done $0x0  }
0x24: {  	s15 =	sadd.s32 s28, s15;
	[sflag:s8] =	ssyncadd.s32 $0xFFFF8000  }
0x25: {  	[hbm4b:s15+s2] =	stream.linear.scatter [tilespmem:s7], [sflag:$0x2], $0x8000, $0x38;
	[tilespmem:$0x10200] =	vst v63  }
0x26: {  	s17 =	sor.u32 $0x300, s25;
	_ =	swait.ge [sflag:s12], $0x8000  }
0x27: {  	s16 =	sshrl.u32 s17, $0x3;
	[sflag:s12] =	ssyncset.done $0x0  }
0x28: {  	s16 =	sadd.s32 s24, s16;
	[sflag:s12] =	ssyncadd.s32 $0xFFFF8000  }
0x29: {  	[tilespmem:s6], [sflag:$0x3] =	stream.linear.gather [hbm4b:s16+s2], $0x100, $0x38;
	[tilespmem:$0x10200] =	vst v63  }
0x2a: {  	_ =	swait.ge [sflag:s4], $0x100  }
0x2b: {  	[sflag:s4] =	ssyncset.done $0x0  }
0x2c: {  	[sflag:s4] =	ssyncadd.s32 $0xFFFFFF00  }
0x2d: {  	[tilespmem:s11], [sflag:$0x1] =	stream.indirect.gather [hbm4b:s5+s6], $0x80, s6, s6, $0xb8;
	[tilespmem:$0x10200] =	vst v63  }
0x2e: {  	_ =	swait.ge [sflag:s8], $0x8000  }
0x2f: {  	s17 =	sshll.u32 s17, $0x4;
	[sflag:s8] =	ssyncset.done $0x0  }
0x30: {  	s17 =	sadd.s32 s28, s17;
	[sflag:s8] =	ssyncadd.s32 $0xFFFF8000  }
0x31: {  	[hbm4b:s17+s2] =	stream.linear.scatter [tilespmem:s11], [sflag:$0x2], $0x8000, $0x38;
	[tilespmem:$0x10200] =	vst v63  }
0x32: {  	s19 =	sor.u32 $0x400, s25;
	_ =	swait.ge [sflag:s12], $0x8000  }
0x33: {  	s18 =	sshrl.u32 s19, $0x3;
	[sflag:s12] =	ssyncset.done $0x0  }
0x34: {  	s18 =	sadd.s32 s24, s18;
	[sflag:s12] =	ssyncadd.s32 $0xFFFF8000  }
0x35: {  	[tilespmem:s2], [sflag:$0x3] =	stream.linear.gather [hbm4b:s18+s2], $0x100, $0x38;
	[tilespmem:$0x10200] =	vst v63  }
0x36: {  	_ =	swait.ge [sflag:s4], $0x100  }
0x37: {  	[sflag:s4] =	ssyncset.done $0x0  }
0x38: {  	[sflag:s4] =	ssyncadd.s32 $0xFFFFFF00  }
0x39: {  	[tilespmem:s7], [sflag:$0x1] =	stream.indirect.gather [hbm4b:s5+s6], $0x80, s2, s6, $0xb8;
	[tilespmem:$0x10200] =	vst v63  }
0x3a: {  	_ =	swait.ge [sflag:s8], $0x8000  }
0x3b: {  	s19 =	sshll.u32 s19, $0x4;
	[sflag:s8] =	ssyncset.done $0x0  }
0x3c: {  	s19 =	sadd.s32 s28, s19;
	[sflag:s8] =	ssyncadd.s32 $0xFFFF8000  }
0x3d: {  	[hbm4b:s19+s2] =	stream.linear.scatter [tilespmem:s7], [sflag:$0x2], $0x8000, $0x38;
	[tilespmem:$0x10200] =	vst v63  }
0x3e: {  	s21 =	sor.u32 $0x500, s25;
	_ =	swait.ge [sflag:s12], $0x8000  }
0x3f: {  	s20 =	sshrl.u32 s21, $0x3;
	[sflag:s12] =	ssyncset.done $0x0  }
0x40: {  	s20 =	sadd.s32 s24, s20;
	[sflag:s12] =	ssyncadd.s32 $0xFFFF8000  }
0x41: {  	[tilespmem:s6], [sflag:$0x3] =	stream.linear.gather [hbm4b:s20+s2], $0x100, $0x38;
	[tilespmem:$0x10200] =	vst v63  }
0x42: {  	_ =	swait.ge [sflag:s4], $0x100  }
0x43: {  	[sflag:s4] =	ssyncset.done $0x0  }
0x44: {  	[sflag:s4] =	ssyncadd.s32 $0xFFFFFF00  }
0x45: {  	[tilespmem:s11], [sflag:$0x1] =	stream.indirect.gather [hbm4b:s5+s6], $0x80, s6, s6, $0xb8;
	[tilespmem:$0x10200] =	vst v63  }
0x46: {  	_ =	swait.ge [sflag:s8], $0x8000  }
0x47: {  	s21 =	sshll.u32 s21, $0x4;
	[sflag:s8] =	ssyncset.done $0x0  }
0x48: {  	s21 =	sadd.s32 s28, s21;
	[sflag:s8] =	ssyncadd.s32 $0xFFFF8000  }
0x49: {  	[hbm4b:s21+s2] =	stream.linear.scatter [tilespmem:s11], [sflag:$0x2], $0x8000, $0x38;
	[tilespmem:$0x10200] =	vst v63  }
0x4a: {  	s23 =	sor.u32 $0x600, s25;
	_ =	swait.ge [sflag:s12], $0x8000  }
0x4b: {  	s22 =	sshrl.u32 s23, $0x3;
	[sflag:s12] =	ssyncset.done $0x0  }
0x4c: {  	s22 =	sadd.s32 s24, s22;
	[sflag:s12] =	ssyncadd.s32 $0xFFFF8000  }
0x4d: {  	[tilespmem:s2], [sflag:$0x3] =	stream.linear.gather [hbm4b:s22+s2], $0x100, $0x38;
	[tilespmem:$0x10200] =	vst v63  }
0x4e: {  	_ =	swait.ge [sflag:s4], $0x100  }
0x4f: {  	[sflag:s4] =	ssyncset.done $0x0  }
0x50: {  	[sflag:s4] =	ssyncadd.s32 $0xFFFFFF00  }
0x51: {  	[tilespmem:s7], [sflag:$0x1] =	stream.indirect.gather [hbm4b:s5+s6], $0x80, s2, s6, $0xb8;
	[tilespmem:$0x10200] =	vst v63  }
0x52: {  	_ =	swait.ge [sflag:s8], $0x8000  }
0x53: {  	s23 =	sshll.u32 s23, $0x4;
	[sflag:s8] =	ssyncset.done $0x0  }
0x54: {  	s23 =	sadd.s32 s28, s23;
	[sflag:s8] =	ssyncadd.s32 $0xFFFF8000  }
0x55: {  	[hbm4b:s23+s2] =	stream.linear.scatter [tilespmem:s7], [sflag:$0x2], $0x8000, $0x38;
	[tilespmem:$0x10200] =	vst v63  }
0x56: {  	s25 =	sor.u32 $0x700, s25;
	_ =	swait.ge [sflag:s12], $0x8000  }
0x57: {  	s29 =	sshrl.u32 s25, $0x3;
	[sflag:s12] =	ssyncset.done $0x0  }
0x58: {  	s24 =	sadd.s32 s24, s29;
	[sflag:s12] =	ssyncadd.s32 $0xFFFF8000  }
0x59: {  	[tilespmem:s6], [sflag:$0x3] =	stream.linear.gather [hbm4b:s24+s2], $0x100, $0x38;
	[tilespmem:$0x10200] =	vst v63  }
0x5a: {  	_ =	swait.ge [sflag:s4], $0x100  }
0x5b: {  	s26 =	ssub.s32 $0x2, s26;
	[sflag:s4] =	ssyncset.done $0x0  }
0x5c: {  	s31 =	sshrl.u32 s26, $0x1;
	[sflag:s4] =	ssyncadd.s32 $0xFFFFFF00  }
0x5d: {  	[tilespmem:s11], [sflag:$0x1] =	stream.indirect.gather [hbm4b:s5+s6], $0x80, s6, s6, $0xb8;
	[tilespmem:$0x10200] =	vst v63  }
0x5e: {  	s26 =	ssub.s32 s26, s31;
	_ =	swait.ge [sflag:s8], $0x8000  }
0x5f: {  	s25 =	sshll.u32 s25, $0x4;
	s26 =	smax.u32 s26, $0x1;
	[sflag:s8] =	ssyncset.done $0x0  }
0x60: {  	s25 =	sadd.s32 s28, s25;
	p0 =	sne.s32 s26, $0x1;
	[sflag:s8] =	ssyncadd.s32 $0xFFFF8000  }
0x61: {  	[hbm4b:s25+s2] =	stream.linear.scatter [tilespmem:s11], [sflag:$0x2], $0x8000, $0x38;
	[tilespmem:$0x10200] =	vst v63  }
.Ltmp0:
0x62: {  	_ =	swait.ge [sflag:s12], $0x8000;
	(pc) =	sbr.rel @!p0 .LBB2_2-.Ltmp0, $4  }
0x63: {  	[sflag:s12] =	ssyncset.done $0x0  }
0x64: {  	[sflag:s12] =	ssyncadd.s32 $0xFFFF8000  }
0x65: {  	_ =	swait.ge [sflag:s12], $0x8000  }
0x66: {  	s26 =	sadd.s32 $0xFFFFFFFF, s26;
	[sflag:s12] =	ssyncset.done $0x0  }
.LBB2_1:
0x67: {  	p0 =	sne.s32 s26, $0x1;
	s26 =	sadd.s32 $0xFFFFFFFF, s26;
	[sflag:s12] =	ssyncadd.s32 $0xFFFF8000  }
0x68: {  	[tilespmem:s2], [sflag:$0x3] =	stream.linear.gather [hbm4b:s3+s2], $0x100, $0x38;
	[tilespmem:$0x10200] =	vst v63  }
0x69: {  	_ =	swait.ge [sflag:s4], $0x100  }
0x6a: {  	[sflag:s4] =	ssyncset.done $0x0  }
0x6b: {  	[sflag:s4] =	ssyncadd.s32 $0xFFFFFF00  }
0x6c: {  	[tilespmem:s7], [sflag:$0x1] =	stream.indirect.gather [hbm4b:s5+s6], $0x80, s2, s6, $0xb8;
	[tilespmem:$0x10200] =	vst v63  }
0x6d: {  	_ =	swait.ge [sflag:s8], $0x8000  }
0x6e: {  	[sflag:s8] =	ssyncset.done $0x0  }
0x6f: {  	[sflag:s8] =	ssyncadd.s32 $0xFFFF8000  }
0x70: {  	[hbm4b:s9+s2] =	stream.linear.scatter [tilespmem:s7], [sflag:$0x2], $0x8000, $0x38;
	[tilespmem:$0x10200] =	vst v63  }
0x71: {  	_ = 	snop  }
0x72: {  	[tilespmem:s6], [sflag:$0x3] =	stream.linear.gather [hbm4b:s10+s2], $0x100, $0x38;
	[tilespmem:$0x10200] =	vst v63  }
0x73: {  	_ =	swait.ge [sflag:s4], $0x100  }
0x74: {  	[sflag:s4] =	ssyncset.done $0x0  }
0x75: {  	[sflag:s4] =	ssyncadd.s32 $0xFFFFFF00  }
0x76: {  	[tilespmem:s11], [sflag:$0x1] =	stream.indirect.gather [hbm4b:s5+s6], $0x80, s6, s6, $0xb8;
	[tilespmem:$0x10200] =	vst v63  }
0x77: {  	_ =	swait.ge [sflag:s8], $0x8000  }
0x78: {  	[sflag:s8] =	ssyncset.done $0x0  }
0x79: {  	[sflag:s8] =	ssyncadd.s32 $0xFFFF8000  }
0x7a: {  	[hbm4b:s13+s2] =	stream.linear.scatter [tilespmem:s11], [sflag:$0x2], $0x8000, $0x38;
	[tilespmem:$0x10200] =	vst v63  }
0x7b: {  	_ =	swait.ge [sflag:s12], $0x8000  }
0x7c: {  	[sflag:s12] =	ssyncset.done $0x0  }
0x7d: {  	[sflag:s12] =	ssyncadd.s32 $0xFFFF8000  }
0x7e: {  	[tilespmem:s2], [sflag:$0x3] =	stream.linear.gather [hbm4b:s14+s2], $0x100, $0x38;
	[tilespmem:$0x10200] =	vst v63  }
0x7f: {  	_ =	swait.ge [sflag:s4], $0x100  }
0x80: {  	[sflag:s4] =	ssyncset.done $0x0  }
0x81: {  	[sflag:s4] =	ssyncadd.s32 $0xFFFFFF00  }
0x82: {  	[tilespmem:s7], [sflag:$0x1] =	stream.indirect.gather [hbm4b:s5+s6], $0x80, s2, s6, $0xb8;
	[tilespmem:$0x10200] =	vst v63  }
0x83: {  	_ =	swait.ge [sflag:s8], $0x8000  }
0x84: {  	[sflag:s8] =	ssyncset.done $0x0  }
0x85: {  	[sflag:s8] =	ssyncadd.s32 $0xFFFF8000  }
0x86: {  	[hbm4b:s15+s2] =	stream.linear.scatter [tilespmem:s7], [sflag:$0x2], $0x8000, $0x38;
	[tilespmem:$0x10200] =	vst v63  }
0x87: {  	_ =	swait.ge [sflag:s12], $0x8000  }
0x88: {  	[sflag:s12] =	ssyncset.done $0x0  }
0x89: {  	[sflag:s12] =	ssyncadd.s32 $0xFFFF8000  }
0x8a: {  	[tilespmem:s6], [sflag:$0x3] =	stream.linear.gather [hbm4b:s16+s2], $0x100, $0x38;
	[tilespmem:$0x10200] =	vst v63  }
0x8b: {  	_ =	swait.ge [sflag:s4], $0x100  }
0x8c: {  	[sflag:s4] =	ssyncset.done $0x0  }
0x8d: {  	[sflag:s4] =	ssyncadd.s32 $0xFFFFFF00  }
0x8e: {  	[tilespmem:s11], [sflag:$0x1] =	stream.indirect.gather [hbm4b:s5+s6], $0x80, s6, s6, $0xb8;
	[tilespmem:$0x10200] =	vst v63  }
0x8f: {  	_ =	swait.ge [sflag:s8], $0x8000  }
0x90: {  	[sflag:s8] =	ssyncset.done $0x0  }
0x91: {  	[sflag:s8] =	ssyncadd.s32 $0xFFFF8000  }
0x92: {  	[hbm4b:s17+s2] =	stream.linear.scatter [tilespmem:s11], [sflag:$0x2], $0x8000, $0x38;
	[tilespmem:$0x10200] =	vst v63  }
0x93: {  	_ =	swait.ge [sflag:s12], $0x8000  }
0x94: {  	[sflag:s12] =	ssyncset.done $0x0  }
0x95: {  	[sflag:s12] =	ssyncadd.s32 $0xFFFF8000  }
0x96: {  	[tilespmem:s2], [sflag:$0x3] =	stream.linear.gather [hbm4b:s18+s2], $0x100, $0x38;
	[tilespmem:$0x10200] =	vst v63  }
0x97: {  	_ =	swait.ge [sflag:s4], $0x100  }
0x98: {  	[sflag:s4] =	ssyncset.done $0x0  }
0x99: {  	[sflag:s4] =	ssyncadd.s32 $0xFFFFFF00  }
0x9a: {  	[tilespmem:s7], [sflag:$0x1] =	stream.indirect.gather [hbm4b:s5+s6], $0x80, s2, s6, $0xb8;
	[tilespmem:$0x10200] =	vst v63  }
0x9b: {  	_ =	swait.ge [sflag:s8], $0x8000  }
0x9c: {  	[sflag:s8] =	ssyncset.done $0x0  }
0x9d: {  	[sflag:s8] =	ssyncadd.s32 $0xFFFF8000  }
0x9e: {  	[hbm4b:s19+s2] =	stream.linear.scatter [tilespmem:s7], [sflag:$0x2], $0x8000, $0x38;
	[tilespmem:$0x10200] =	vst v63  }
0x9f: {  	_ =	swait.ge [sflag:s12], $0x8000  }
0xa0: {  	[sflag:s12] =	ssyncset.done $0x0  }
0xa1: {  	[sflag:s12] =	ssyncadd.s32 $0xFFFF8000  }
0xa2: {  	[tilespmem:s6], [sflag:$0x3] =	stream.linear.gather [hbm4b:s20+s2], $0x100, $0x38;
	[tilespmem:$0x10200] =	vst v63  }
0xa3: {  	_ =	swait.ge [sflag:s4], $0x100  }
0xa4: {  	[sflag:s4] =	ssyncset.done $0x0  }
0xa5: {  	[sflag:s4] =	ssyncadd.s32 $0xFFFFFF00  }
0xa6: {  	[tilespmem:s11], [sflag:$0x1] =	stream.indirect.gather [hbm4b:s5+s6], $0x80, s6, s6, $0xb8;
	[tilespmem:$0x10200] =	vst v63  }
0xa7: {  	_ =	swait.ge [sflag:s8], $0x8000  }
0xa8: {  	[sflag:s8] =	ssyncset.done $0x0  }
0xa9: {  	[sflag:s8] =	ssyncadd.s32 $0xFFFF8000  }
0xaa: {  	[hbm4b:s21+s2] =	stream.linear.scatter [tilespmem:s11], [sflag:$0x2], $0x8000, $0x38;
	[tilespmem:$0x10200] =	vst v63  }
0xab: {  	_ =	swait.ge [sflag:s12], $0x8000  }
0xac: {  	[sflag:s12] =	ssyncset.done $0x0  }
0xad: {  	[sflag:s12] =	ssyncadd.s32 $0xFFFF8000  }
0xae: {  	[tilespmem:s2], [sflag:$0x3] =	stream.linear.gather [hbm4b:s22+s2], $0x100, $0x38;
	[tilespmem:$0x10200] =	vst v63  }
0xaf: {  	_ =	swait.ge [sflag:s4], $0x100  }
0xb0: {  	[sflag:s4] =	ssyncset.done $0x0  }
0xb1: {  	[sflag:s4] =	ssyncadd.s32 $0xFFFFFF00  }
0xb2: {  	[tilespmem:s7], [sflag:$0x1] =	stream.indirect.gather [hbm4b:s5+s6], $0x80, s2, s6, $0xb8;
	[tilespmem:$0x10200] =	vst v63  }
0xb3: {  	_ =	swait.ge [sflag:s8], $0x8000  }
0xb4: {  	[sflag:s8] =	ssyncset.done $0x0  }
0xb5: {  	[sflag:s8] =	ssyncadd.s32 $0xFFFF8000  }
0xb6: {  	[hbm4b:s23+s2] =	stream.linear.scatter [tilespmem:s7], [sflag:$0x2], $0x8000, $0x38;
	[tilespmem:$0x10200] =	vst v63  }
0xb7: {  	_ =	swait.ge [sflag:s12], $0x8000  }
0xb8: {  	[sflag:s12] =	ssyncset.done $0x0  }
0xb9: {  	[sflag:s12] =	ssyncadd.s32 $0xFFFF8000  }
0xba: {  	[tilespmem:s6], [sflag:$0x3] =	stream.linear.gather [hbm4b:s24+s2], $0x100, $0x38;
	[tilespmem:$0x10200] =	vst v63  }
0xbb: {  	_ =	swait.ge [sflag:s4], $0x100  }
0xbc: {  	[sflag:s4] =	ssyncset.done $0x0  }
0xbd: {  	[sflag:s4] =	ssyncadd.s32 $0xFFFFFF00  }
0xbe: {  	[tilespmem:s11], [sflag:$0x1] =	stream.indirect.gather [hbm4b:s5+s6], $0x80, s6, s6, $0xb8;
	[tilespmem:$0x10200] =	vst v63  }
0xbf: {  	_ =	swait.ge [sflag:s8], $0x8000  }
0xc0: {  	[sflag:s8] =	ssyncset.done $0x0  }
0xc1: {  	[sflag:s8] =	ssyncadd.s32 $0xFFFF8000  }
0xc2: {  	[hbm4b:s25+s2] =	stream.linear.scatter [tilespmem:s11], [sflag:$0x2], $0x8000, $0x38;
	[tilespmem:$0x10200] =	vst v63  }
.Ltmp1:
0xc3: {  	_ =	swait.ge [sflag:s12], $0x8000;
	(pc) =	sbr.rel @p0 .LBB2_1-.Ltmp1, $4  }
0xc4: {  	[sflag:s12] =	ssyncset.done $0x0  }
0xc5: {  	[sflag:s12] =	ssyncadd.s32 $0xFFFF8000  }
0xc6: {  	_ =	swait.ge [sflag:s12], $0x8000  }
0xc7: {  	[sflag:s12] =	ssyncset.done $0x0  }
.LBB2_2:
0xc8: {  	[sflag:s12] =	ssyncadd.s32 $0xFFFF8000  }
0xc9: {  	_ =	sfence.sel $0x180000  }
0xca: {  	[bflag:$0x0] =	sbarrier.arrive $0xFFFF  }
0xcb: {  	p0 =	sne.s32 s0, $0x0;
	_ =	strace $0x9000004A  }
0xcc: {  	s0 =	sadd.s32 @!p0 $0x100000, s1;
	[bflag:$0x2] =	sbarrier.arrive $0xFFFF  }
0xcd: {  	[sflag:s0] =	ssyncadd.tile.s32 @!p0 $0x1;
	_ =	shalt  }
.Lfunc_end2:
_tile_overlayer_lowered:
.L_overlay_start_2:
0xce: {  	(tag) =	ssettag $0x2  }
0xcf: {  	s0 =	rddreg [dreg:$0x0];
	s2 =	stileid.u32  }
0xd0: {  	s1 =	rddreg [dreg:$0x1];
	p0 =	sne.s32 s2, $0x0  }
0xd1: {  	s3 =	rddreg [dreg:$0x2];
	[bflag:$0x3] =	sbarrier.arrive $0xFFFF;
	s2 =	simm.s32 @!p0 $0x1C03  }
0xd2: {  	[timem:s3], [sflag:s2] =	dma.local @!p0 [hbm:s0], s1  }
0xd3: {  	s0 =	simm.s32 @!p0 $0x3  }
0xd4: {  	_ =	swait.ge @!p0 [sflag:s0], s1  }
0xd5: {  	s1 =	ssub.s32 @!p0 $0x0, s1;
	[sflag:s0] =	ssyncset.done @!p0 $0x0  }
0xd6: {  	[sflag:s0] =	ssyncadd.s32 @!p0 s1  }
0xd7: {  	[bflag:$0x3] =	sbarrier.arrive $0xFFFF  }
0xd8: {  	_ =	shalt  }

// kernel: kernel.16.cloned.1.call-start
scs
__scs_entry_jumppad:
0x0: {  	(pc) =	sbr.rel $0x88, $3  }
0x1: {  	(tag) =	ssettag $0x0;
	lr =	simm.s32 $0x1  }
0x2: {  	[smem:$0x3F8F] =	sst lr;
	_ =	strace $0xD0000000  }
0x3: {  	_ = 	snop  }
0x4: {  	_ = 	snop  }
0x5: {  	_ = 	snop  }
0x6: {  	_ = 	snop  }
0x7: {  	_ = 	snop  }
__scs_overlays_trampoline_lowered:
0x8: {  	[smem:$0x3F9E] =	sst s0  }
0x9: {  	[smem:$0x3F9F] =	sst s1  }
0xa: {  	[smem:$0x3FA0] =	sst s2  }
0xb: {  	[smem:$0x3FA1] =	sst s3  }
0xc: {  	[smem:$0x3FA2] =	sst s4  }
0xd: {  	[smem:$0x3FA3] =	sst s5  }
0xe: {  	[smem:$0x3FA4] =	sst s6  }
0xf: {  	[smem:$0x3FA5] =	sst s7  }
0x10: {  	[smem:$0x3FA6] =	sst s8  }
0x11: {  	[smem:$0x3FA7] =	sst s9;
	s0 =	simm.s32 @!p0 $0x0  }
0x12: {  	s1 =	sld [smem:$0x3F8D];
	s0 =	simm.s32 @p0 $0x1  }
0x13: {  	[smem:$0x3FA8] =	sst s0;
	s0 =	simm.s32 @!p1 $0x0  }
0x14: {  	s2 =	sld [smem:$0x3F8C];
	s0 =	simm.s32 @p1 $0x1  }
0x15: {  	[smem:$0x3FA9] =	sst s0;
	s0 =	simm.s32 @!p2 $0x0  }
0x16: {  	s3 =	sld [smem:$0x3FDB];
	s0 =	simm.s32 @p2 $0x1  }
0x17: {  	s4 =	simm.s32 $0x1BF5;
	[smem:$0x3FAB] =	sst s0  }
0x18: {  	s0 =	sld [smem:$0x3F8E];
	_ =	swait.ge [sflag:s4], $0x0  }
0x19: {  	s7 =	sld [smem:$0x3F8F]  }
0x1a: {  	s8 =	sadd.s32 $0xFFFFE003, lr  }
0x1b: {  	s9 =	sadd.s32 $0xFFFFFEF7, lr;
	s5 =	simm.s32 $0xFFFFFFFF;
	p2 =	slt.u32 s8, $0xFFFFF086  }
0x1c: {  	p1 =	slt.u32 s9, $0xF7A;
	s5 =	simm.s32 @!p2 $0x0  }
0x1d: {  	s5 =	simm.s32 @p1 $0x1;
	p0 =	seq.s32 s7, s2  }
0x1e: {  	s7 =	smul.u32 @!p0 $0xF7A, s2;
	p2 =	seq.s32 @!p0 s5, $0x0  }
0x1f: {  	s9 =	smul.u32 $0xF7A, s1;
	s8 =	simm.s32 @!p0 $0x1BF5;
	p2 =	por !p2, p0  }
0x20: {  	[sflag:s8] =	ssyncset.s32 @!p0 $0xFFFFF086;
	s6 =	sadd.s32 @!p0 s3, s7;
	s7 =	simm.s32 @!p0 $0x108  }
0x21: {  	s3 =	sadd.s32 s3, s9;
	s6 =	sadd.s32 @!p0 $0x88, s6;
	s7 =	simm.s32 @p2 $0x1082  }
0x22: {  	[simem:s7], [sflag:s8] =	dma.local @!p0 [hbm:s6], $0xF7A  }
0x23: {  	s9 =	sor.u32 $0xD0000000, s2;
	s6 =	simm.s32 $0x108;
	_ =	swait.ge @!p0 [sflag:s8], $0x0  }
0x24: {  	s3 =	sadd.s32 $0x88, s3;
	s6 =	simm.s32 @!p1 $0x1082;
	[sflag:s4] =	ssyncset.s32 $0xFFFFF086  }
0x25: {  	[simem:s6], [sflag:s4] =	dma.local [hbm:s3], $0xF7A  }
0x26: {  	[smem:$0x3F8F] =	sst s1;
	(tag) =	ssettag s2;
	_ =	strace s9  }
0x27: {  	s1 =	sld [smem:$0x3F9F]  }
0x28: {  	s2 =	sld [smem:$0x3FA0]  }
0x29: {  	s4 =	sld [smem:$0x3FA2]  }
0x2a: {  	p0 =	seq.s32 s5, $0x0;
	s5 =	sld [smem:$0x3FA3]  }
0x2b: {  	s6 =	sld [smem:$0x3FA4]  }
0x2c: {  	s7 =	sld [smem:$0x3FA5]  }
0x2d: {  	s3 =	simm.s32 $0x108;
	s8 =	sld [smem:$0x3FA6]  }
0x2e: {  	s3 =	simm.s32 @!p0 $0x1082;
	s9 =	sld [smem:$0x3FA7]  }
0x2f: {  	lr =	sadd.s32 s0, s3;
	s0 =	sld [smem:$0x3F9E]  }
0x30: {  	s3 =	sld [smem:$0x3FA1]  }
0x31: {  	[smem:$0x3FAA] =	sst s10  }
0x32: {  	s10 =	sld [smem:$0x3FA8];
	_ =	sdelay $0x3  }
0x33: {  	p0 =	seq.s32 s10, $0x1;
	s10 =	sld [smem:$0x3FAA];
	_ =	sdelay $0x3  }
0x34: {  	[smem:$0x3FAA] =	sst s10  }
0x35: {  	s10 =	sld [smem:$0x3FA9];
	_ =	sdelay $0x3  }
0x36: {  	p1 =	seq.s32 s10, $0x1;
	s10 =	sld [smem:$0x3FAA];
	_ =	sdelay $0x3  }
0x37: {  	[smem:$0x3FAA] =	sst s10  }
0x38: {  	s10 =	sld [smem:$0x3FAB]  }
0x39: {  	_ = 	snop;
	(pc) =	sbr.ind lr, $3  }
0x3a: {  	_ = 	snop  }
0x3b: {  	_ = 	snop  }
0x3c: {  	p2 =	seq.s32 s10, $0x1;
	s10 =	sld [smem:$0x3FAA]  }
0x3d: {  	_ =	shalt  }
0x3e: {  	_ =	shalt  }
0x3f: {  	_ =	shalt  }
0x40: {  	_ =	shalt  }
0x41: {  	_ =	shalt  }
0x42: {  	_ =	shalt  }
0x43: {  	_ =	shalt  }
0x44: {  	_ =	shalt  }
0x45: {  	_ =	shalt  }
0x46: {  	_ =	shalt  }
0x47: {  	_ =	shalt  }
0x48: {  	_ =	shalt  }
0x49: {  	_ =	shalt  }
0x4a: {  	_ =	shalt  }
0x4b: {  	_ =	shalt  }
0x4c: {  	_ =	shalt  }
0x4d: {  	_ =	shalt  }
0x4e: {  	_ =	shalt  }
0x4f: {  	_ =	shalt  }
0x50: {  	_ =	shalt  }
0x51: {  	_ =	shalt  }
0x52: {  	_ =	shalt  }
0x53: {  	_ =	shalt  }
0x54: {  	_ =	shalt  }
0x55: {  	_ =	shalt  }
0x56: {  	_ =	shalt  }
0x57: {  	_ =	shalt  }
0x58: {  	_ =	shalt  }
0x59: {  	_ =	shalt  }
0x5a: {  	_ =	shalt  }
0x5b: {  	_ =	shalt  }
0x5c: {  	_ =	shalt  }
0x5d: {  	_ =	shalt  }
0x5e: {  	_ =	shalt  }
0x5f: {  	_ =	shalt  }
0x60: {  	_ =	shalt  }
0x61: {  	_ =	shalt  }
0x62: {  	_ =	shalt  }
0x63: {  	_ =	shalt  }
0x64: {  	_ =	shalt  }
0x65: {  	_ =	shalt  }
0x66: {  	_ =	shalt  }
0x67: {  	_ =	shalt  }
0x68: {  	_ =	shalt  }
0x69: {  	_ =	shalt  }
0x6a: {  	_ =	shalt  }
0x6b: {  	_ =	shalt  }
0x6c: {  	_ =	shalt  }
0x6d: {  	_ =	shalt  }
0x6e: {  	_ =	shalt  }
0x6f: {  	_ =	shalt  }
0x70: {  	_ =	shalt  }
0x71: {  	_ =	shalt  }
0x72: {  	_ =	shalt  }
0x73: {  	_ =	shalt  }
0x74: {  	_ =	shalt  }
0x75: {  	_ =	shalt  }
0x76: {  	_ =	shalt  }
0x77: {  	_ =	shalt  }
0x78: {  	_ =	shalt  }
0x79: {  	_ =	shalt  }
0x7a: {  	_ =	shalt  }
0x7b: {  	_ =	shalt  }
0x7c: {  	_ =	shalt  }
0x7d: {  	_ =	shalt  }
0x7e: {  	_ =	shalt  }
0x7f: {  	_ =	shalt  }
0x80: {  	_ =	shalt  }
0x81: {  	_ =	shalt  }
0x82: {  	_ =	shalt  }
0x83: {  	_ =	shalt  }
0x84: {  	_ =	shalt  }
0x85: {  	_ =	shalt  }
0x86: {  	_ =	shalt  }
0x87: {  	_ =	shalt  }
.Lfunc_end0:
.L_simem_size_0:
called_computation.2_lowered:
.L_overlay_start_0:
0x88: {  	s2 =	sld [smem:$0x3FD9]  }
0x89: {  	s3 =	sld [smem:$0x3FFE];
	_ =	sdelay $0x1  }
0x8a: {  	s1 =	srdreg.scid  }
0x8b: {  	s0 =	sand.u32 $0x1, s1  }
0x8c: {  	s17 =	sshll.u32 s0, $0xA;
	s2 =	sadd.s32 s3, s2  }
0x8d: {  	s2 =	sadd.s32 s2, s17  }
0x8e: {  	[smem:$0x3FB6] =	sst s2  }
0x8f: {  	_ = 	snop  }
0x90: {  	(tm) =	ssettm $0x1  }
0x91: {  	s18 =	sld [smem:$0x3FFB];
	_ =	sdelay $0x3  }
0x92: {  	_ =	strace s18  }
0x93: {  	s2 =	sld [smem:$0x3FFC];
	_ =	sdelay $0x3  }
0x94: {  	_ =	strace s2  }
0x95: {  	s2 =	sld [smem:$0x3FFD];
	_ =	sdelay $0x3  }
0x96: {  	_ =	strace s2  }
0x97: {  	_ =	strace $0x8FFFFFFF  }
0x98: {  	s19 =	sld [smem:$0x3FDB];
	_ =	sdelay $0x1  }
0x99: {  	s20 =	simm.s32 $_scs_section_size  }
0x9a: {  	s4 =	simm.s32 $_size__tile_overlayer_lowered;
	s5 =	simm.s32 $_tile_overlayer_lowered  }
0x9b: {  	s6 =	simm.s32 $0x1BFF;
	s21 =	sshll.u32 s5, $0x1;
	s3 =	sadd.s32 s20, s19  }
0x9c: {  	s22 =	simm.s32 $0x0;
	s4 =	sshll.u32 s4, $0x1;
	s5 =	sadd.s32 s21, s3  }
0x9d: {  	[timem:s22], [sflag:s6] =	dma.local [hbm:s5], s4  }
0x9e: {  	_ =	swait.ge [sflag:s6], s4  }
0x9f: {  	s4 =	ssub.s32 $0x0, s4;
	[sflag:s6] =	ssyncset.done $0x0  }
0xa0: {  	[sflag:s6] =	ssyncadd.s32 s4;
	_ =	sdelay $0x1  }
0xa1: {  	s23 =	simm.s32 $0x1B8B  }
0xa2: {  	_ =	swait.ge [sflag:s23], $0x1  }
0xa3: {  	[sflag:s23] =	ssyncset.done $0x0  }
0xa4: {  	[sflag:s23] =	ssyncadd.s32 $0xFFFFFFFF  }
0xa5: {  	s4 =	sld [smem:$0x0]  }
0xa6: {  	s5 =	sand.u32 $0xFFFFFFFE, s1  }
0xa7: {  	p0 =	sne.s32 s1, s5  }
0xa8: {  	s5 =	sshll.u32 @p0 s5, $0xE  }
0xa9: {  	s5 =	sadd.s32 @p0 $0x11B8D, s5;
	s6 =	sshll.u32 @p0 s4, $0x11  }
0xaa: {  	s5 =	sor.u32 @p0 s6, s5  }
0xab: {  	[sflag:s5] =	ssyncadd.remote.s32 @p0 $0x1;
	_ =	sdelay $0x1  }
0xac: {  	s5 =	simm.s32 @p0 $0x1B8D  }
0xad: {  	_ =	swait.eq @p0 [sflag:s5], $0x1  }
0xae: {  	[sflag:s5] =	ssyncadd.s32 @p0 $0xFFFFFFFF  }
0xaf: {  	s6 =	sshll.u32 @!p0 s1, $0xE  }
0xb0: {  	s6 =	sor.u32 @!p0 $0x4000, s6;
	s5 =	simm.s32 @!p0 $0x1B8D  }
0xb1: {  	s4 =	sshll.u32 @!p0 s4, $0x11;
	s6 =	sadd.s32 @!p0 $0x11B8D, s6;
	_ =	swait.eq @!p0 [sflag:s5], $0x1  }
0xb2: {  	s4 =	sor.u32 @!p0 s4, s6;
	[sflag:s5] =	ssyncadd.s32 @!p0 $0xFFFFFFFF  }
0xb3: {  	s25 =	simm.s32 $0x1B8E;
	s24 =	sld [smem:$0x3FFE];
	[sflag:s4] =	ssyncadd.remote.s32 @!p0 $0x1  }
0xb4: {  	s26 =	simm.s32 $execute0_lowered;
	[smem:$0x3FD2] =	sst s25  }
0xb5: {  	s5 =	sshll.u32 s26, $0x1;
	_ =	strace $0x8000004C;
	[dreg:$0x1] =	wrdreg $0xFFFFFFFF  }
0xb6: {  	s28 =	simm.s32 $_size_execute0_lowered;
	s3 =	sadd.s32 s3, s5;
	[dreg:$0x0] =	wrdreg $0x0  }
0xb7: {  	s5 =	sshll.u32 s28, $0x1;
	[dreg:$0x2] =	wrdreg s3  }
0xb8: {  	[dreg:$0x3] =	wrdreg s5  }
0xb9: {  	[dreg:$0x4] =	wrdreg $0xC0  }
0xba: {  	_ =	task [dreg:s22], $0x5FFFF  }
0xbb: {  	[dreg:$0x1] =	wrdreg $0xFFFFFFFF  }
0xbc: {  	[dreg:$0x0] =	wrdreg $0x60  }
0xbd: {  	[dreg:$0x2] =	wrdreg s24  }
0xbe: {  	[dreg:$0x3] =	wrdreg $0xB  }
0xbf: {  	_ =	task.clear_ibuf [dreg:s22], $0x4FFFF;
	_ =	strace $0x9000004C  }
0xc0: {  	s29 =	simm.s32 $0xB;
	_ =	strace $0x8000004E  }
0xc1: {  	_ =	swait.ge [sflag:s29], $0x1  }
0xc2: {  	[sflag:s29] =	ssyncadd.s32 $0xFFFFFFFF  }
0xc3: {  	_ =	strace $0x9000004E  }
0xc4: {  	_ =	sfence  }
0xc5: {  	s30 =	sld [smem:$0x0];
	_ =	sdelay $0x2  }
0xc6: {  	s31 =	sshll.u32 s1, $0xD;
	s1 =	sshrl.u32 s1, $0x2  }
0xc7: {  	s4 =	sand.u32 $0x4000, s31;
	s1 =	sadd.s32 s1, s30  }
0xc8: {  	s0 =	sor.u32 s4, s0;
	s1 =	sshll.u32 s1, $0x11  }
0xc9: {  	s0 =	sor.u32 s1, s0  }
0xca: {  	s0 =	sadd.s32 $0x8F2B, s0  }
0xcb: {  	[sflag:s0] =	ssyncadd.remote.s32 $0x1  }
0xcc: {  	_ =	sfence.sel $0xFFFF  }
0xcd: {  	[dreg:$0x0] =	wrdreg $0xFFFFFFFF;
	(pc) =	sbr.abs _section_cstart, $3  }
0xce: {  	[dreg:$0x1] =	wrdreg $0xFFFFFFFF  }
0xcf: {  	_ =	task.clear_ibuf [dreg:s22], $0x2FFFF;
	_ =	strace $0x9FFFFFFF  }
0xd0: {  	(tm) =	ssettm $0x7FFFFFFF  }
0xd1: {  	_ =	shalt  }
tec
execute0_lowered:
.L_overlay_start_1:
0x0: {  	(tag) =	ssettag $0x1  }
0x1: {  	s1 =	srdreg.scid  }
0x2: {  	s0 =	stileid.u32;
	s26 =	sand.u32 $0x1, s1  }
0x3: {  	s9 =	rddreg [dreg:$0x0];
	s3 =	sshll.u32 s0, $0xC;
	s4 =	sshll.u32 s26, $0xB  }
0x4: {  	s2 =	simm.s32 $0x0;
	s1 =	rddreg [dreg:$0x1];
	s25 =	sor.u32 s4, s3  }
0x5: {  	[smem:$0x7FF] =	sst s2;
	s24 =	sadd.s32 $0x4A0200, s9;
	s3 =	sshrl.u32 s25, $0x3  }
0x6: {  	_ =	strace $0x8000004D;
	s4 =	simm.s32 $0x3;
	s3 =	sadd.s32 s24, s3  }
0x7: {  	[tilespmem:s2], [sflag:$0x3] =	stream.linear.gather [hbm4b:s3+s2], $0x100, $0x38;
	[tilespmem:$0x10200] =	vst v63  }
0x8: {  	_ =	swait.ge [sflag:s4], $0x100  }
0x9: {  	s6 =	simm.s32 $0x100;
	s7 =	simm.s32 $0x200;
	[sflag:s4] =	ssyncset.done $0x0  }
0xa: {  	s8 =	simm.s32 $0x1;
	s5 =	sadd.s32 $0x2DCC00, s9;
	[sflag:s4] =	ssyncadd.s32 $0xFFFFFF00  }
0xb: {  	[tilespmem:s7], [sflag:$0x1] =	stream.indirect.gather [hbm4b:s5+s6], $0x80, s2, s6, $0xb8;
	[tilespmem:$0x10200] =	vst v63  }
0xc: {  	s28 =	sadd.s32 $0x4A2200, s9;
	_ =	swait.ge [sflag:s8], $0x8000  }
0xd: {  	s30 =	sshll.u32 s25, $0x4;
	s12 =	sor.u32 $0x100, s25;
	[sflag:s8] =	ssyncset.done $0x0  }
0xe: {  	s9 =	sadd.s32 s28, s30;
	s10 =	sshrl.u32 s12, $0x3;
	[sflag:s8] =	ssyncadd.s32 $0xFFFF8000  }
0xf: {  	[hbm4b:s9+s2] =	stream.linear.scatter [tilespmem:s7], [sflag:$0x2], $0x8000, $0x38;
	[tilespmem:$0x10200] =	vst v63  }
0x10: {  	s10 =	sadd.s32 s24, s10  }
0x11: {  	[tilespmem:s6], [sflag:$0x3] =	stream.linear.gather [hbm4b:s10+s2], $0x100, $0x38;
	[tilespmem:$0x10200] =	vst v63  }
0x12: {  	_ =	swait.ge [sflag:s4], $0x100  }
0x13: {  	[sflag:s4] =	ssyncset.done $0x0  }
0x14: {  	s11 =	simm.s32 $0x8200;
	[sflag:s4] =	ssyncadd.s32 $0xFFFFFF00  }
0x15: {  	[tilespmem:s11], [sflag:$0x1] =	stream.indirect.gather [hbm4b:s5+s6], $0x80, s6, s6, $0xb8;
	[tilespmem:$0x10200] =	vst v63  }
0x16: {  	_ =	swait.ge [sflag:s8], $0x8000  }
0x17: {  	s12 =	sshll.u32 s12, $0x4;
	[sflag:s8] =	ssyncset.done $0x0  }
0x18: {  	s13 =	sadd.s32 s28, s12;
	s12 =	simm.s32 $0x2;
	[sflag:s8] =	ssyncadd.s32 $0xFFFF8000  }
0x19: {  	[hbm4b:s13+s2] =	stream.linear.scatter [tilespmem:s11], [sflag:$0x2], $0x8000, $0x38;
	[tilespmem:$0x10200] =	vst v63  }
0x1a: {  	s15 =	sor.u32 $0x200, s25;
	_ =	swait.ge [sflag:s12], $0x8000  }
0x1b: {  	s14 =	sshrl.u32 s15, $0x3;
	[sflag:s12] =	ssyncset.done $0x0  }
0x1c: {  	s14 =	sadd.s32 s24, s14;
	[sflag:s12] =	ssyncadd.s32 $0xFFFF8000  }
0x1d: {  	[tilespmem:s2], [sflag:$0x3] =	stream.linear.gather [hbm4b:s14+s2], $0x100, $0x38;
	[tilespmem:$0x10200] =	vst v63  }
0x1e: {  	_ =	swait.ge [sflag:s4], $0x100  }
0x1f: {  	[sflag:s4] =	ssyncset.done $0x0  }
0x20: {  	[sflag:s4] =	ssyncadd.s32 $0xFFFFFF00  }
0x21: {  	[tilespmem:s7], [sflag:$0x1] =	stream.indirect.gather [hbm4b:s5+s6], $0x80, s2, s6, $0xb8;
	[tilespmem:$0x10200] =	vst v63  }
0x22: {  	_ =	swait.ge [sflag:s8], $0x8000  }
0x23: {  	s15 =	sshll.u32 s15, $0x4;
	[sflag:s8] =	ssyncset.done $0x0  }
0x24: {  	s15 =	sadd.s32 s28, s15;
	[sflag:s8] =	ssyncadd.s32 $0xFFFF8000  }
0x25: {  	[hbm4b:s15+s2] =	stream.linear.scatter [tilespmem:s7], [sflag:$0x2], $0x8000, $0x38;
	[tilespmem:$0x10200] =	vst v63  }
0x26: {  	s17 =	sor.u32 $0x300, s25;
	_ =	swait.ge [sflag:s12], $0x8000  }
0x27: {  	s16 =	sshrl.u32 s17, $0x3;
	[sflag:s12] =	ssyncset.done $0x0  }
0x28: {  	s16 =	sadd.s32 s24, s16;
	[sflag:s12] =	ssyncadd.s32 $0xFFFF8000  }
0x29: {  	[tilespmem:s6], [sflag:$0x3] =	stream.linear.gather [hbm4b:s16+s2], $0x100, $0x38;
	[tilespmem:$0x10200] =	vst v63  }
0x2a: {  	_ =	swait.ge [sflag:s4], $0x100  }
0x2b: {  	[sflag:s4] =	ssyncset.done $0x0  }
0x2c: {  	[sflag:s4] =	ssyncadd.s32 $0xFFFFFF00  }
0x2d: {  	[tilespmem:s11], [sflag:$0x1] =	stream.indirect.gather [hbm4b:s5+s6], $0x80, s6, s6, $0xb8;
	[tilespmem:$0x10200] =	vst v63  }
0x2e: {  	_ =	swait.ge [sflag:s8], $0x8000  }
0x2f: {  	s17 =	sshll.u32 s17, $0x4;
	[sflag:s8] =	ssyncset.done $0x0  }
0x30: {  	s17 =	sadd.s32 s28, s17;
	[sflag:s8] =	ssyncadd.s32 $0xFFFF8000  }
0x31: {  	[hbm4b:s17+s2] =	stream.linear.scatter [tilespmem:s11], [sflag:$0x2], $0x8000, $0x38;
	[tilespmem:$0x10200] =	vst v63  }
0x32: {  	s19 =	sor.u32 $0x400, s25;
	_ =	swait.ge [sflag:s12], $0x8000  }
0x33: {  	s18 =	sshrl.u32 s19, $0x3;
	[sflag:s12] =	ssyncset.done $0x0  }
0x34: {  	s18 =	sadd.s32 s24, s18;
	[sflag:s12] =	ssyncadd.s32 $0xFFFF8000  }
0x35: {  	[tilespmem:s2], [sflag:$0x3] =	stream.linear.gather [hbm4b:s18+s2], $0x100, $0x38;
	[tilespmem:$0x10200] =	vst v63  }
0x36: {  	_ =	swait.ge [sflag:s4], $0x100  }
0x37: {  	[sflag:s4] =	ssyncset.done $0x0  }
0x38: {  	[sflag:s4] =	ssyncadd.s32 $0xFFFFFF00  }
0x39: {  	[tilespmem:s7], [sflag:$0x1] =	stream.indirect.gather [hbm4b:s5+s6], $0x80, s2, s6, $0xb8;
	[tilespmem:$0x10200] =	vst v63  }
0x3a: {  	_ =	swait.ge [sflag:s8], $0x8000  }
0x3b: {  	s19 =	sshll.u32 s19, $0x4;
	[sflag:s8] =	ssyncset.done $0x0  }
0x3c: {  	s19 =	sadd.s32 s28, s19;
	[sflag:s8] =	ssyncadd.s32 $0xFFFF8000  }
0x3d: {  	[hbm4b:s19+s2] =	stream.linear.scatter [tilespmem:s7], [sflag:$0x2], $0x8000, $0x38;
	[tilespmem:$0x10200] =	vst v63  }
0x3e: {  	s21 =	sor.u32 $0x500, s25;
	_ =	swait.ge [sflag:s12], $0x8000  }
0x3f: {  	s20 =	sshrl.u32 s21, $0x3;
	[sflag:s12] =	ssyncset.done $0x0  }
0x40: {  	s20 =	sadd.s32 s24, s20;
	[sflag:s12] =	ssyncadd.s32 $0xFFFF8000  }
0x41: {  	[tilespmem:s6], [sflag:$0x3] =	stream.linear.gather [hbm4b:s20+s2], $0x100, $0x38;
	[tilespmem:$0x10200] =	vst v63  }
0x42: {  	_ =	swait.ge [sflag:s4], $0x100  }
0x43: {  	[sflag:s4] =	ssyncset.done $0x0  }
0x44: {  	[sflag:s4] =	ssyncadd.s32 $0xFFFFFF00  }
0x45: {  	[tilespmem:s11], [sflag:$0x1] =	stream.indirect.gather [hbm4b:s5+s6], $0x80, s6, s6, $0xb8;
	[tilespmem:$0x10200] =	vst v63  }
0x46: {  	_ =	swait.ge [sflag:s8], $0x8000  }
0x47: {  	s21 =	sshll.u32 s21, $0x4;
	[sflag:s8] =	ssyncset.done $0x0  }
0x48: {  	s21 =	sadd.s32 s28, s21;
	[sflag:s8] =	ssyncadd.s32 $0xFFFF8000  }
0x49: {  	[hbm4b:s21+s2] =	stream.linear.scatter [tilespmem:s11], [sflag:$0x2], $0x8000, $0x38;
	[tilespmem:$0x10200] =	vst v63  }
0x4a: {  	s23 =	sor.u32 $0x600, s25;
	_ =	swait.ge [sflag:s12], $0x8000  }
0x4b: {  	s22 =	sshrl.u32 s23, $0x3;
	[sflag:s12] =	ssyncset.done $0x0  }
0x4c: {  	s22 =	sadd.s32 s24, s22;
	[sflag:s12] =	ssyncadd.s32 $0xFFFF8000  }
0x4d: {  	[tilespmem:s2], [sflag:$0x3] =	stream.linear.gather [hbm4b:s22+s2], $0x100, $0x38;
	[tilespmem:$0x10200] =	vst v63  }
0x4e: {  	_ =	swait.ge [sflag:s4], $0x100  }
0x4f: {  	[sflag:s4] =	ssyncset.done $0x0  }
0x50: {  	[sflag:s4] =	ssyncadd.s32 $0xFFFFFF00  }
0x51: {  	[tilespmem:s7], [sflag:$0x1] =	stream.indirect.gather [hbm4b:s5+s6], $0x80, s2, s6, $0xb8;
	[tilespmem:$0x10200] =	vst v63  }
0x52: {  	_ =	swait.ge [sflag:s8], $0x8000  }
0x53: {  	s23 =	sshll.u32 s23, $0x4;
	[sflag:s8] =	ssyncset.done $0x0  }
0x54: {  	s23 =	sadd.s32 s28, s23;
	[sflag:s8] =	ssyncadd.s32 $0xFFFF8000  }
0x55: {  	[hbm4b:s23+s2] =	stream.linear.scatter [tilespmem:s7], [sflag:$0x2], $0x8000, $0x38;
	[tilespmem:$0x10200] =	vst v63  }
0x56: {  	s25 =	sor.u32 $0x700, s25;
	_ =	swait.ge [sflag:s12], $0x8000  }
0x57: {  	s29 =	sshrl.u32 s25, $0x3;
	[sflag:s12] =	ssyncset.done $0x0  }
0x58: {  	s24 =	sadd.s32 s24, s29;
	[sflag:s12] =	ssyncadd.s32 $0xFFFF8000  }
0x59: {  	[tilespmem:s6], [sflag:$0x3] =	stream.linear.gather [hbm4b:s24+s2], $0x100, $0x38;
	[tilespmem:$0x10200] =	vst v63  }
0x5a: {  	_ =	swait.ge [sflag:s4], $0x100  }
0x5b: {  	s26 =	ssub.s32 $0x2, s26;
	[sflag:s4] =	ssyncset.done $0x0  }
0x5c: {  	s31 =	sshrl.u32 s26, $0x1;
	[sflag:s4] =	ssyncadd.s32 $0xFFFFFF00  }
0x5d: {  	[tilespmem:s11], [sflag:$0x1] =	stream.indirect.gather [hbm4b:s5+s6], $0x80, s6, s6, $0xb8;
	[tilespmem:$0x10200] =	vst v63  }
0x5e: {  	s26 =	ssub.s32 s26, s31;
	_ =	swait.ge [sflag:s8], $0x8000  }
0x5f: {  	s25 =	sshll.u32 s25, $0x4;
	s26 =	smax.u32 s26, $0x1;
	[sflag:s8] =	ssyncset.done $0x0  }
0x60: {  	s25 =	sadd.s32 s28, s25;
	p0 =	sne.s32 s26, $0x1;
	[sflag:s8] =	ssyncadd.s32 $0xFFFF8000  }
0x61: {  	[hbm4b:s25+s2] =	stream.linear.scatter [tilespmem:s11], [sflag:$0x2], $0x8000, $0x38;
	[tilespmem:$0x10200] =	vst v63  }
.Ltmp0:
0x62: {  	_ =	swait.ge [sflag:s12], $0x8000;
	(pc) =	sbr.rel @!p0 .LBB2_2-.Ltmp0, $4  }
0x63: {  	[sflag:s12] =	ssyncset.done $0x0  }
0x64: {  	[sflag:s12] =	ssyncadd.s32 $0xFFFF8000  }
0x65: {  	_ =	swait.ge [sflag:s12], $0x8000  }
0x66: {  	s26 =	sadd.s32 $0xFFFFFFFF, s26;
	[sflag:s12] =	ssyncset.done $0x0  }
.LBB2_1:
0x67: {  	p0 =	sne.s32 s26, $0x1;
	s26 =	sadd.s32 $0xFFFFFFFF, s26;
	[sflag:s12] =	ssyncadd.s32 $0xFFFF8000  }
0x68: {  	[tilespmem:s2], [sflag:$0x3] =	stream.linear.gather [hbm4b:s3+s2], $0x100, $0x38;
	[tilespmem:$0x10200] =	vst v63  }
0x69: {  	_ =	swait.ge [sflag:s4], $0x100  }
0x6a: {  	[sflag:s4] =	ssyncset.done $0x0  }
0x6b: {  	[sflag:s4] =	ssyncadd.s32 $0xFFFFFF00  }
0x6c: {  	[tilespmem:s7], [sflag:$0x1] =	stream.indirect.gather [hbm4b:s5+s6], $0x80, s2, s6, $0xb8;
	[tilespmem:$0x10200] =	vst v63  }
0x6d: {  	_ =	swait.ge [sflag:s8], $0x8000  }
0x6e: {  	[sflag:s8] =	ssyncset.done $0x0  }
0x6f: {  	[sflag:s8] =	ssyncadd.s32 $0xFFFF8000  }
0x70: {  	[hbm4b:s9+s2] =	stream.linear.scatter [tilespmem:s7], [sflag:$0x2], $0x8000, $0x38;
	[tilespmem:$0x10200] =	vst v63  }
0x71: {  	_ = 	snop  }
0x72: {  	[tilespmem:s6], [sflag:$0x3] =	stream.linear.gather [hbm4b:s10+s2], $0x100, $0x38;
	[tilespmem:$0x10200] =	vst v63  }
0x73: {  	_ =	swait.ge [sflag:s4], $0x100  }
0x74: {  	[sflag:s4] =	ssyncset.done $0x0  }
0x75: {  	[sflag:s4] =	ssyncadd.s32 $0xFFFFFF00  }
0x76: {  	[tilespmem:s11], [sflag:$0x1] =	stream.indirect.gather [hbm4b:s5+s6], $0x80, s6, s6, $0xb8;
	[tilespmem:$0x10200] =	vst v63  }
0x77: {  	_ =	swait.ge [sflag:s8], $0x8000  }
0x78: {  	[sflag:s8] =	ssyncset.done $0x0  }
0x79: {  	[sflag:s8] =	ssyncadd.s32 $0xFFFF8000  }
0x7a: {  	[hbm4b:s13+s2] =	stream.linear.scatter [tilespmem:s11], [sflag:$0x2], $0x8000, $0x38;
	[tilespmem:$0x10200] =	vst v63  }
0x7b: {  	_ =	swait.ge [sflag:s12], $0x8000  }
0x7c: {  	[sflag:s12] =	ssyncset.done $0x0  }
0x7d: {  	[sflag:s12] =	ssyncadd.s32 $0xFFFF8000  }
0x7e: {  	[tilespmem:s2], [sflag:$0x3] =	stream.linear.gather [hbm4b:s14+s2], $0x100, $0x38;
	[tilespmem:$0x10200] =	vst v63  }
0x7f: {  	_ =	swait.ge [sflag:s4], $0x100  }
0x80: {  	[sflag:s4] =	ssyncset.done $0x0  }
0x81: {  	[sflag:s4] =	ssyncadd.s32 $0xFFFFFF00  }
0x82: {  	[tilespmem:s7], [sflag:$0x1] =	stream.indirect.gather [hbm4b:s5+s6], $0x80, s2, s6, $0xb8;
	[tilespmem:$0x10200] =	vst v63  }
0x83: {  	_ =	swait.ge [sflag:s8], $0x8000  }
0x84: {  	[sflag:s8] =	ssyncset.done $0x0  }
0x85: {  	[sflag:s8] =	ssyncadd.s32 $0xFFFF8000  }
0x86: {  	[hbm4b:s15+s2] =	stream.linear.scatter [tilespmem:s7], [sflag:$0x2], $0x8000, $0x38;
	[tilespmem:$0x10200] =	vst v63  }
0x87: {  	_ =	swait.ge [sflag:s12], $0x8000  }
0x88: {  	[sflag:s12] =	ssyncset.done $0x0  }
0x89: {  	[sflag:s12] =	ssyncadd.s32 $0xFFFF8000  }
0x8a: {  	[tilespmem:s6], [sflag:$0x3] =	stream.linear.gather [hbm4b:s16+s2], $0x100, $0x38;
	[tilespmem:$0x10200] =	vst v63  }
0x8b: {  	_ =	swait.ge [sflag:s4], $0x100  }
0x8c: {  	[sflag:s4] =	ssyncset.done $0x0  }
0x8d: {  	[sflag:s4] =	ssyncadd.s32 $0xFFFFFF00  }
0x8e: {  	[tilespmem:s11], [sflag:$0x1] =	stream.indirect.gather [hbm4b:s5+s6], $0x80, s6, s6, $0xb8;
	[tilespmem:$0x10200] =	vst v63  }
0x8f: {  	_ =	swait.ge [sflag:s8], $0x8000  }
0x90: {  	[sflag:s8] =	ssyncset.done $0x0  }
0x91: {  	[sflag:s8] =	ssyncadd.s32 $0xFFFF8000  }
0x92: {  	[hbm4b:s17+s2] =	stream.linear.scatter [tilespmem:s11], [sflag:$0x2], $0x8000, $0x38;
	[tilespmem:$0x10200] =	vst v63  }
0x93: {  	_ =	swait.ge [sflag:s12], $0x8000  }
0x94: {  	[sflag:s12] =	ssyncset.done $0x0  }
0x95: {  	[sflag:s12] =	ssyncadd.s32 $0xFFFF8000  }
0x96: {  	[tilespmem:s2], [sflag:$0x3] =	stream.linear.gather [hbm4b:s18+s2], $0x100, $0x38;
	[tilespmem:$0x10200] =	vst v63  }
0x97: {  	_ =	swait.ge [sflag:s4], $0x100  }
0x98: {  	[sflag:s4] =	ssyncset.done $0x0  }
0x99: {  	[sflag:s4] =	ssyncadd.s32 $0xFFFFFF00  }
0x9a: {  	[tilespmem:s7], [sflag:$0x1] =	stream.indirect.gather [hbm4b:s5+s6], $0x80, s2, s6, $0xb8;
	[tilespmem:$0x10200] =	vst v63  }
0x9b: {  	_ =	swait.ge [sflag:s8], $0x8000  }
0x9c: {  	[sflag:s8] =	ssyncset.done $0x0  }
0x9d: {  	[sflag:s8] =	ssyncadd.s32 $0xFFFF8000  }
0x9e: {  	[hbm4b:s19+s2] =	stream.linear.scatter [tilespmem:s7], [sflag:$0x2], $0x8000, $0x38;
	[tilespmem:$0x10200] =	vst v63  }
0x9f: {  	_ =	swait.ge [sflag:s12], $0x8000  }
0xa0: {  	[sflag:s12] =	ssyncset.done $0x0  }
0xa1: {  	[sflag:s12] =	ssyncadd.s32 $0xFFFF8000  }
0xa2: {  	[tilespmem:s6], [sflag:$0x3] =	stream.linear.gather [hbm4b:s20+s2], $0x100, $0x38;
	[tilespmem:$0x10200] =	vst v63  }
0xa3: {  	_ =	swait.ge [sflag:s4], $0x100  }
0xa4: {  	[sflag:s4] =	ssyncset.done $0x0  }
0xa5: {  	[sflag:s4] =	ssyncadd.s32 $0xFFFFFF00  }
0xa6: {  	[tilespmem:s11], [sflag:$0x1] =	stream.indirect.gather [hbm4b:s5+s6], $0x80, s6, s6, $0xb8;
	[tilespmem:$0x10200] =	vst v63  }
0xa7: {  	_ =	swait.ge [sflag:s8], $0x8000  }
0xa8: {  	[sflag:s8] =	ssyncset.done $0x0  }
0xa9: {  	[sflag:s8] =	ssyncadd.s32 $0xFFFF8000  }
0xaa: {  	[hbm4b:s21+s2] =	stream.linear.scatter [tilespmem:s11], [sflag:$0x2], $0x8000, $0x38;
	[tilespmem:$0x10200] =	vst v63  }
0xab: {  	_ =	swait.ge [sflag:s12], $0x8000  }
0xac: {  	[sflag:s12] =	ssyncset.done $0x0  }
0xad: {  	[sflag:s12] =	ssyncadd.s32 $0xFFFF8000  }
0xae: {  	[tilespmem:s2], [sflag:$0x3] =	stream.linear.gather [hbm4b:s22+s2], $0x100, $0x38;
	[tilespmem:$0x10200] =	vst v63  }
0xaf: {  	_ =	swait.ge [sflag:s4], $0x100  }
0xb0: {  	[sflag:s4] =	ssyncset.done $0x0  }
0xb1: {  	[sflag:s4] =	ssyncadd.s32 $0xFFFFFF00  }
0xb2: {  	[tilespmem:s7], [sflag:$0x1] =	stream.indirect.gather [hbm4b:s5+s6], $0x80, s2, s6, $0xb8;
	[tilespmem:$0x10200] =	vst v63  }
0xb3: {  	_ =	swait.ge [sflag:s8], $0x8000  }
0xb4: {  	[sflag:s8] =	ssyncset.done $0x0  }
0xb5: {  	[sflag:s8] =	ssyncadd.s32 $0xFFFF8000  }
0xb6: {  	[hbm4b:s23+s2] =	stream.linear.scatter [tilespmem:s7], [sflag:$0x2], $0x8000, $0x38;
	[tilespmem:$0x10200] =	vst v63  }
0xb7: {  	_ =	swait.ge [sflag:s12], $0x8000  }
0xb8: {  	[sflag:s12] =	ssyncset.done $0x0  }
0xb9: {  	[sflag:s12] =	ssyncadd.s32 $0xFFFF8000  }
0xba: {  	[tilespmem:s6], [sflag:$0x3] =	stream.linear.gather [hbm4b:s24+s2], $0x100, $0x38;
	[tilespmem:$0x10200] =	vst v63  }
0xbb: {  	_ =	swait.ge [sflag:s4], $0x100  }
0xbc: {  	[sflag:s4] =	ssyncset.done $0x0  }
0xbd: {  	[sflag:s4] =	ssyncadd.s32 $0xFFFFFF00  }
0xbe: {  	[tilespmem:s11], [sflag:$0x1] =	stream.indirect.gather [hbm4b:s5+s6], $0x80, s6, s6, $0xb8;
	[tilespmem:$0x10200] =	vst v63  }
0xbf: {  	_ =	swait.ge [sflag:s8], $0x8000  }
0xc0: {  	[sflag:s8] =	ssyncset.done $0x0  }
0xc1: {  	[sflag:s8] =	ssyncadd.s32 $0xFFFF8000  }
0xc2: {  	[hbm4b:s25+s2] =	stream.linear.scatter [tilespmem:s11], [sflag:$0x2], $0x8000, $0x38;
	[tilespmem:$0x10200] =	vst v63  }
.Ltmp1:
0xc3: {  	_ =	swait.ge [sflag:s12], $0x8000;
	(pc) =	sbr.rel @p0 .LBB2_1-.Ltmp1, $4  }
0xc4: {  	[sflag:s12] =	ssyncset.done $0x0  }
0xc5: {  	[sflag:s12] =	ssyncadd.s32 $0xFFFF8000  }
0xc6: {  	_ =	swait.ge [sflag:s12], $0x8000  }
0xc7: {  	[sflag:s12] =	ssyncset.done $0x0  }
.LBB2_2:
0xc8: {  	[sflag:s12] =	ssyncadd.s32 $0xFFFF8000  }
0xc9: {  	_ =	sfence.sel $0x180000  }
0xca: {  	[bflag:$0x0] =	sbarrier.arrive $0xFFFF  }
0xcb: {  	p0 =	sne.s32 s0, $0x0;
	_ =	strace $0x9000004D  }
0xcc: {  	s0 =	sadd.s32 @!p0 $0x100000, s1;
	[bflag:$0x2] =	sbarrier.arrive $0xFFFF  }
0xcd: {  	[sflag:s0] =	ssyncadd.tile.s32 @!p0 $0x1;
	_ =	shalt  }
.Lfunc_end2:
_tile_overlayer_lowered:
.L_overlay_start_2:
0xce: {  	(tag) =	ssettag $0x2  }
0xcf: {  	s0 =	rddreg [dreg:$0x0];
	s2 =	stileid.u32  }
0xd0: {  	s1 =	rddreg [dreg:$0x1];
	p0 =	sne.s32 s2, $0x0  }
0xd1: {  	s3 =	rddreg [dreg:$0x2];
	[bflag:$0x3] =	sbarrier.arrive $0xFFFF;
	s2 =	simm.s32 @!p0 $0x1C03  }
0xd2: {  	[timem:s3], [sflag:s2] =	dma.local @!p0 [hbm:s0], s1  }
0xd3: {  	s0 =	simm.s32 @!p0 $0x3  }
0xd4: {  	_ =	swait.ge @!p0 [sflag:s0], s1  }
0xd5: {  	s1 =	ssub.s32 @!p0 $0x0, s1;
	[sflag:s0] =	ssyncset.done @!p0 $0x0  }
0xd6: {  	[sflag:s0] =	ssyncadd.s32 @!p0 s1  }
0xd7: {  	[bflag:$0x3] =	sbarrier.arrive $0xFFFF  }
0xd8: {  	_ =	shalt  }

</sc_bundles>
